<compile_context>
chip_gen: v7x
topology: tpu7x:2x2x1
jax: 0.10.2.dev20260603
libtpu: 0.0.44.dev20260713+nightly
codegen_flags: <defaults>
</compile_context>

<pallas_src>
import jax
import jax.numpy as jnp
from jax import lax
from jax.experimental import pallas as pl
from jax.experimental.pallas import tpu as pltpu
from jax.experimental.pallas import tpu_sc as plsc

_NC = 2
_NS = 16
_B = 80
_XR = 8


def _make_sc_segsum(N, D, E):
    NW = _NC * _NS
    assert E % NW == 0
    epw = E // NW
    assert epw % _B == 0
    steps = epw // _B
    rows_pt = (N // _NS) // 8 * 8
    tail = N - _NS * rows_pt
    assert tail % 8 == 0

    mesh = plsc.VectorSubcoreMesh(
        core_axis_name="c", subcore_axis_name="s",
        num_cores=_NC, num_subcores=_NS)

    out_type = jax.ShapeDtypeStruct((_NC, N, D), jnp.float32)
    scratch = [
        pltpu.VMEM((_B, D), jnp.float32),
        pltpu.VMEM_SHARED((N + _XR, D), jnp.float32),
        pltpu.SemaphoreType.DMA,
        pltpu.VMEM((_B, D), jnp.float32),
        pltpu.SemaphoreType.DMA,
        pltpu.VMEM((_B,), jnp.int32),
        pltpu.VMEM((_B,), jnp.int32),
        pltpu.VMEM((_B,), jnp.int32),
        pltpu.VMEM((_B,), jnp.int32),
        pltpu.SemaphoreType.DMA,
        pltpu.SemaphoreType.DMA,
    ]

    def body(table, srcv, dstv, zeros_d,
             aggp, rows0, agg_s, sem0,
             rows1, sem1, isrc0, idst0, isrc1, idst1, semi0, semi1):
        c = lax.axis_index("c")
        s = lax.axis_index("s")
        wid = s * _NC + c
        r0 = s * rows_pt

        pltpu.sync_copy(zeros_d.at[pl.ds(r0, rows_pt)], agg_s.at[pl.ds(r0, rows_pt)])
        if tail:
            t0 = _NS * rows_pt

            @pl.when(s == 0)
            def _zero_tail():
                pltpu.sync_copy(zeros_d.at[pl.ds(t0, tail)], agg_s.at[pl.ds(t0, tail)])
        plsc.subcore_barrier()

        def load_idx(j, isrc, idst, semi):
            e0 = wid * epw + jnp.minimum(j, steps - 1) * _B
            pltpu.async_copy(srcv.at[pl.ds(e0, _B)], isrc, semi)
            pltpu.async_copy(dstv.at[pl.ds(e0, _B)], idst, semi)

        def wait_idx(isrc, idst, semi):
            pltpu.make_async_copy(srcv.at[pl.ds(0, _B)], isrc, semi).wait()
            pltpu.make_async_copy(dstv.at[pl.ds(0, _B)], idst, semi).wait()

        def gather(isrc, rows, sem):
            pltpu.async_copy(table.at[isrc], rows, sem)

        def wait_rows(rows, sem):
            pltpu.make_async_copy(table.at[isrc0], rows, sem).wait()

        def scatter(rows, idst):
            pltpu.sync_copy(rows, agg_s.at[idst], add=True)

        assert steps % 2 == 1
        load_idx(0, isrc0, idst0, semi0)
        wait_idx(isrc0, idst0, semi0)
        gather(isrc0, rows0, sem0)
        load_idx(1, isrc1, idst1, semi1)

        def pair(jj, carry):
            j1 = 2 * jj + 1
            wait_idx(isrc1, idst1, semi1)
            gather(isrc1, rows1, sem1)
            wait_rows(rows0, sem0)
            scatter(rows0, idst0)
            load_idx(j1 + 1, isrc0, idst0, semi0)
            wait_idx(isrc0, idst0, semi0)
            gather(isrc0, rows0, sem0)
            wait_rows(rows1, sem1)
            scatter(rows1, idst1)
            load_idx(j1 + 2, isrc1, idst1, semi1)
            return carry

        lax.fori_loop(0, steps // 2, pair, 0)
        wait_idx(isrc1, idst1, semi1)
        wait_rows(rows0, sem0)
        scatter(rows0, idst0)
        plsc.subcore_barrier()

        pltpu.sync_copy(agg_s.at[pl.ds(r0, rows_pt)], aggp.at[c, pl.ds(r0, rows_pt)])
        if tail:
            t0 = _NS * rows_pt

            @pl.when(s == 0)
            def _write_tail():
                pltpu.sync_copy(agg_s.at[pl.ds(t0, tail)], aggp.at[c, pl.ds(t0, tail)])

    return pl.kernel(body, out_type=out_type, mesh=mesh, scratch_types=scratch)


_DW = 128


def _make_sc_deg(N, E):
    NW = _NC * _NS
    epw = E // NW
    steps = epw // _B
    rows_pt = (N // _NS) // 8 * 8
    tail = N - _NS * rows_pt
    mesh = plsc.VectorSubcoreMesh(
        core_axis_name="c", subcore_axis_name="s",
        num_cores=_NC, num_subcores=_NS)
    scratch = [
        pltpu.VMEM((_B, _DW), jnp.float32),
        pltpu.VMEM_SHARED((N + _XR, _DW), jnp.float32),
        pltpu.VMEM((_B,), jnp.int32),
        pltpu.VMEM((_B,), jnp.int32),
        pltpu.SemaphoreType.DMA,
        pltpu.SemaphoreType.DMA,
    ]

    def body(dstv, zeros_w, ones_h, degp, ones_v, deg_s, idst0, idst1, semi0, semi1):
        c = lax.axis_index("c")
        s = lax.axis_index("s")
        wid = s * _NC + c
        r0 = s * rows_pt
        pltpu.sync_copy(zeros_w.at[pl.ds(r0, rows_pt)], deg_s.at[pl.ds(r0, rows_pt)])
        pltpu.sync_copy(ones_h, ones_v)
        if tail:
            t0 = _NS * rows_pt

            @pl.when(s == 0)
            def _zero_tail():
                pltpu.sync_copy(zeros_w.at[pl.ds(t0, tail)], deg_s.at[pl.ds(t0, tail)])
        plsc.subcore_barrier()

        def load_idx(j, idst, semi):
            e0 = wid * epw + jnp.minimum(j, steps - 1) * _B
            pltpu.async_copy(dstv.at[pl.ds(e0, _B)], idst, semi)

        def wait_idx(idst, semi):
            pltpu.make_async_copy(dstv.at[pl.ds(0, _B)], idst, semi).wait()

        def scatter(idst):
            pltpu.sync_copy(ones_v, deg_s.at[idst], add=True)

        assert steps % 2 == 1
        load_idx(0, idst0, semi0)
        load_idx(1, idst1, semi1)

        def pair(jj, carry):
            j1 = 2 * jj + 1
            wait_idx(idst0, semi0)
            scatter(idst0)
            load_idx(j1 + 1, idst0, semi0)
            wait_idx(idst1, semi1)
            scatter(idst1)
            load_idx(j1 + 2, idst1, semi1)
            return carry

        lax.fori_loop(0, steps // 2, pair, 0)
        wait_idx(idst0, semi0)
        scatter(idst0)
        wait_idx(idst1, semi1)
        plsc.subcore_barrier()

        pltpu.sync_copy(deg_s.at[pl.ds(r0, rows_pt)], degp.at[c, pl.ds(r0, rows_pt)])
        if tail:
            t0 = _NS * rows_pt

            @pl.when(s == 0)
            def _write_tail():
                pltpu.sync_copy(deg_s.at[pl.ds(t0, tail)], degp.at[c, pl.ds(t0, tail)])

    return pl.kernel(body, out_type=jax.ShapeDtypeStruct((_NC, N, _DW), jnp.float32),
                     mesh=mesh, scratch_types=scratch)


def _inv_deg(degp):
    deg = degp[0, :, 0:1] + degp[1, :, 0:1]
    return 1.0 / jnp.maximum(deg, 1.0)


def _tc1_body(x, aggp, degp, ws, wn, b, h1a, h1b):
    inv = _inv_deg(degp[...])
    agg = (aggp[0] + aggp[1]) * inv
    h = (jnp.dot(x[...], ws[...], preferred_element_type=jnp.float32)
         + jnp.dot(agg, wn[...], preferred_element_type=jnp.float32)
         + b[...])
    h = jnp.maximum(h, 0.0)
    h1a[...] = h[:, :128]
    h1b[...] = h[:, 128:]


def _tc2_body(h1a, h1b, a2ap, a2bp, degp, ws2, wn2, b2, wn3, ws3, b3, p, q):
    inv = _inv_deg(degp[...])
    a2a = (a2ap[0] + a2ap[1]) * inv
    a2b = (a2bp[0] + a2bp[1]) * inv
    w_s, w_n = ws2[...], wn2[...]
    h2 = (jnp.dot(h1a[...], w_s[:128], preferred_element_type=jnp.float32)
          + jnp.dot(h1b[...], w_s[128:], preferred_element_type=jnp.float32)
          + jnp.dot(a2a, w_n[:128], preferred_element_type=jnp.float32)
          + jnp.dot(a2b, w_n[128:], preferred_element_type=jnp.float32)
          + b2[...])
    h2 = jnp.maximum(h2, 0.0)
    p[...] = jnp.dot(h2, wn3[...], preferred_element_type=jnp.float32)
    q[...] = jnp.dot(h2, ws3[...], preferred_element_type=jnp.float32) + b3[...]


def _tc3_body(qq, aggp, degp, out):
    inv = _inv_deg(degp[...])
    out[...] = qq[...] + (aggp[0] + aggp[1]) * inv


def _row_block_call(body, n_out, N, R, in_specs_shapes, out_dim):
    grid = (N // R,)
    in_specs = []
    for shp in in_specs_shapes:
        if shp[0] == "rows":
            d = shp[1]
            in_specs.append(pl.BlockSpec((R, d), lambda i: (i, 0)))
        elif shp[0] == "parts":
            d = shp[1]
            in_specs.append(pl.BlockSpec((2, R, d), lambda i: (0, i, 0)))
        else:
            dims = shp[1]
            in_specs.append(pl.BlockSpec(dims, lambda i, n=len(dims): (0,) * n))
    out_specs = [pl.BlockSpec((R, d), lambda i: (i, 0)) for d in out_dim]
    out_shape = [jax.ShapeDtypeStruct((N, d), jnp.float32) for d in out_dim]
    if n_out == 1:
        out_specs, out_shape = out_specs[0], out_shape[0]
    return pl.pallas_call(body, grid=grid, in_specs=in_specs,
                          out_specs=out_specs, out_shape=out_shape)


def kernel(x, edge_index, W_self1, W_neigh1, b1,
           W_self2, W_neigh2, b2, W_self3, W_neigh3, b3):
    N, DIN = x.shape
    E = edge_index.shape[1]
    DH = W_self1.shape[1]
    DOUT = W_self3.shape[1]
    R = 1000

    nw = _NC * _NS
    epw = E // nw
    pad = (-epw) % _B
    src = jnp.pad(edge_index[0].reshape(nw, epw), ((0, 0), (0, pad))).reshape(-1)
    dst = jnp.pad(edge_index[1].reshape(nw, epw), ((0, 0), (0, pad)),
                  constant_values=N).reshape(-1)
    E_pad = nw * (epw + pad)
    zeros_d = jnp.zeros((N, 128), jnp.float32)
    ones_h = jnp.ones((_B, _DW), jnp.float32)
    b1r = b1.reshape(1, DH)
    b2r = b2.reshape(1, DH)
    b3r = b3.reshape(1, DOUT)

    segsum = _make_sc_segsum(N, 128, E_pad)
    sc_deg = _make_sc_deg(N, E_pad)

    degp = sc_deg(dst, zeros_d, ones_h)
    aggp1 = segsum(x, src, dst, zeros_d)
    tc1 = _row_block_call(
        _tc1_body, 2, N, R,
        [("rows", DIN), ("parts", 128), ("parts", _DW),
         ("full", (DIN, DH)), ("full", (DIN, DH)), ("full", (1, DH))],
        [128, 128])
    h1a, h1b = tc1(x, aggp1, degp, W_self1, W_neigh1, b1r)

    a2ap = segsum(h1a, src, dst, zeros_d)
    a2bp = segsum(h1b, src, dst, zeros_d)
    tc2 = _row_block_call(
        _tc2_body, 2, N, R,
        [("rows", 128), ("rows", 128), ("parts", 128), ("parts", 128),
         ("parts", _DW), ("full", (DH, DH)), ("full", (DH, DH)),
         ("full", (1, DH)), ("full", (DH, DOUT)), ("full", (DH, DOUT)),
         ("full", (1, DOUT))],
        [DOUT, DOUT])
    p, q = tc2(h1a, h1b, a2ap, a2bp, degp, W_self2, W_neigh2, b2r,
               W_neigh3, W_self3, b3r)

    aggp3 = segsum(p, src, dst, zeros_d)
    tc3 = _row_block_call(
        _tc3_body, 1, N, R,
        [("rows", DOUT), ("parts", DOUT), ("parts", _DW)],
        [DOUT])
    return tc3(q, aggp3, degp)

# --- scband reference (transcript-rebuilt; emitter-appended) ---
"""Pipeline reference for scband-sage-72499047956832 (READ-ONLY COPY).

The authoritative reference and input builder live on the scoring server;
editing this copy changes nothing except your own understanding.
"""

import jax, jax.numpy as jnp
import numpy as np

N = 10000
E = 320000
DIN = 128
DH = 256
DOUT = 128


def setup_inputs(seed: int = 0) -> dict:
    key = jax.random.key(seed)
    ks = jax.random.split(key, 12)
    x = jax.random.normal(ks[0], (N, DIN), dtype=jnp.float32)
    edge_index = jax.random.randint(ks[1], (2, E), 0, N, dtype=jnp.int32)

    def lin(k, fan_in, fan_out):
        return jax.random.normal(k, (fan_in, fan_out), dtype=jnp.float32) * (1.0 / np.sqrt(fan_in))

    return {
        "x": x,
        "edge_index": edge_index,
        "W_self1": lin(ks[2], DIN, DH),
        "W_neigh1": lin(ks[3], DIN, DH),
        "b1": jnp.zeros((DH,), dtype=jnp.float32),
        "W_self2": lin(ks[4], DH, DH),
        "W_neigh2": lin(ks[5], DH, DH),
        "b2": jnp.zeros((DH,), dtype=jnp.float32),
        "W_self3": lin(ks[6], DH, DOUT),
        "W_neigh3": lin(ks[7], DH, DOUT),
        "b3": jnp.zeros((DOUT,), dtype=jnp.float32),
    }


def reference(x, edge_index, W_self1, W_neigh1, b1, W_self2, W_neigh2, b2, W_self3, W_neigh3, b3):
    # GraphSAGE with 'mean' aggregator, 3 layers (DGL SAGEConv semantics):
    #   h_out = fc_self(h_dst) + fc_neigh(mean_{u in N(v)} h_u) + bias
    # Dropout is identity in eval mode.
    src = edge_index[0]
    dst = edge_index[1]
    deg = jax.ops.segment_sum(jnp.ones((src.shape[0],), dtype=jnp.float32), dst, num_segments=N)
    inv_deg = 1.0 / jnp.clip(deg, 1.0, None)

    def sage_layer(h, W_self, W_neigh, b):
        msg = jnp.take(h, src, axis=0)          # gather source features per edge
        agg = jax.ops.segment_sum(msg, dst, num_segments=N)  # scatter-add over dst
        agg = agg * inv_deg[:, None]            # mean aggregation
        return h @ W_self + agg @ W_neigh + b

    h = sage_layer(x, W_self1, W_neigh1, b1)
    h = jax.nn.relu(h)
    h = sage_layer(h, W_self2, W_neigh2, b2)
    h = jax.nn.relu(h)
    h = sage_layer(h, W_self3, W_neigh3, b3)
    return h

if __name__ == "__main__":
    import jax
    _d = setup_inputs()
    print(jax.jit(kernel)(*tuple(_d.values())))

</pallas_src>

<mosaic_0001>
#map = affine_map<(d0, d1) -> (0, 0)>
#map1 = affine_map<(d0, d1) -> (0)>
#map2 = affine_map<(d0, d1) -> (0, 0, 0)>
module attributes {stable_mosaic.version = 14 : i64} {
  func.func @body(%arg0: i32, %arg1: i32, %arg2: memref<10000x128xf32, #tpu.memory_space<hbm>>, %arg3: memref<320000xi32, #tpu.memory_space<hbm>>, %arg4: memref<320000xi32, #tpu.memory_space<hbm>>, %arg5: memref<10000x128xf32, #tpu.memory_space<hbm>>, %arg6: memref<2x10000x128xf32, #tpu.memory_space<hbm>>, %arg7: memref<80x128xf32, #tpu.memory_space<vmem>>, %arg8: memref<10008x128xf32, #tpu.memory_space<vmem_shared>>, %arg9: memref<!tpu.dma_semaphore, #tpu.memory_space<semaphore_mem>>, %arg10: memref<80x128xf32, #tpu.memory_space<vmem>>, %arg11: memref<!tpu.dma_semaphore, #tpu.memory_space<semaphore_mem>>, %arg12: memref<80xi32, #tpu.memory_space<vmem>>, %arg13: memref<80xi32, #tpu.memory_space<vmem>>, %arg14: memref<80xi32, #tpu.memory_space<vmem>>, %arg15: memref<80xi32, #tpu.memory_space<vmem>>, %arg16: memref<!tpu.dma_semaphore, #tpu.memory_space<semaphore_mem>>, %arg17: memref<!tpu.dma_semaphore, #tpu.memory_space<semaphore_mem>>) attributes {dimension_semantics = [#tpu.dimension_semantics<core_parallel>, #tpu.dimension_semantics<subcore_parallel>], iteration_bounds = array<i64: 2, 16>, scalar_prefetch = 0 : i64, scratch_operands = 11 : i64, tpu.core_type = #tpu.core_type<sc_vector_subcore>, window_params = [{transform_indices = #map}, {transform_indices = #map1}, {transform_indices = #map1}, {transform_indices = #map}, {transform_indices = #map2}]} {
    %mul3A = arith.constant 2 : i32
    %mul3A_0 = arith.muli %arg1, %mul3A : i32
    %add3A = arith.addi %mul3A_0, %arg0 : i32
    %mul3A_1 = arith.constant 624 : i32
    %mul3A_2 = arith.muli %arg1, %mul3A_1 : i32
    "tpu.region"() ({
      %run_scoped3A = tpu.sem_alloc : memref<!tpu.dma_semaphore, #tpu.memory_space<semaphore_mem>>
      %dma_start3A_59 = arith.constant 0 : i32
      %dma_start3A_60 = tpu.memref_slice %arg8[%mul3A_2, %dma_start3A_59] : memref<10008x128xf32, #tpu.memory_space<vmem_shared>> -> memref<624x128xf32, #tpu.memory_space<vmem_shared>>
      %dma_start3A_61 = arith.constant 0 : i32
      %dma_start3A_62 = tpu.memref_slice %arg5[%mul3A_2, %dma_start3A_61] : memref<10000x128xf32, #tpu.memory_space<hbm>> -> memref<624x128xf32, #tpu.memory_space<hbm>>
      tpu.enqueue_dma source(%dma_start3A_62 : memref<624x128xf32, #tpu.memory_space<hbm>>) target(%dma_start3A_60 : memref<624x128xf32, #tpu.memory_space<vmem_shared>>) target_semaphore(%run_scoped3A : memref<!tpu.dma_semaphore, #tpu.memory_space<semaphore_mem>>)
      %dma_wait3A_63 = arith.constant 0 : i32
      %dma_wait3A_64 = tpu.memref_slice %arg8[%mul3A_2, %dma_wait3A_63] : memref<10008x128xf32, #tpu.memory_space<vmem_shared>> -> memref<624x128xf32, #tpu.memory_space<vmem_shared>>
      %dma_wait3A_65 = arith.constant 0 : i32
      %dma_wait3A_66 = tpu.memref_slice %arg5[%mul3A_2, %dma_wait3A_65] : memref<10000x128xf32, #tpu.memory_space<hbm>> -> memref<624x128xf32, #tpu.memory_space<hbm>>
      tpu.wait_dma2 semaphore(%run_scoped3A : memref<!tpu.dma_semaphore, #tpu.memory_space<semaphore_mem>>) src(%dma_wait3A_66 : memref<624x128xf32, #tpu.memory_space<hbm>>) dst(%dma_wait3A_64 : memref<624x128xf32, #tpu.memory_space<vmem_shared>>)
      tpu.yield
    }) : () -> ()
    %eq3A = arith.constant 0 : i32
    %eq3A_3 = arith.cmpi eq, %arg1, %eq3A : i32
    %convert_element_type3A = arith.extui %eq3A_3 : i1 to i32
    %cond3A = arith.constant 0 : i32
    %cond3A_4 = arith.cmpi ne, %convert_element_type3A, %cond3A : i32
    scf.if %cond3A_4 {
      "tpu.region"() ({
        %run_scoped3A = tpu.sem_alloc : memref<!tpu.dma_semaphore, #tpu.memory_space<semaphore_mem>>
        %dma_start3A_59 = arith.constant 9984 : i32
        %dma_start3A_60 = arith.constant 0 : i32
        %dma_start3A_61 = tpu.memref_slice %arg8[%dma_start3A_59, %dma_start3A_60] : memref<10008x128xf32, #tpu.memory_space<vmem_shared>> -> memref<16x128xf32, #tpu.memory_space<vmem_shared>>
        %dma_start3A_62 = arith.constant 9984 : i32
        %dma_start3A_63 = arith.constant 0 : i32
        %dma_start3A_64 = tpu.memref_slice %arg5[%dma_start3A_62, %dma_start3A_63] : memref<10000x128xf32, #tpu.memory_space<hbm>> -> memref<16x128xf32, #tpu.memory_space<hbm>>
        tpu.enqueue_dma source(%dma_start3A_64 : memref<16x128xf32, #tpu.memory_space<hbm>>) target(%dma_start3A_61 : memref<16x128xf32, #tpu.memory_space<vmem_shared>>) target_semaphore(%run_scoped3A : memref<!tpu.dma_semaphore, #tpu.memory_space<semaphore_mem>>)
        %dma_wait3A_65 = arith.constant 9984 : i32
        %dma_wait3A_66 = arith.constant 0 : i32
        %dma_wait3A_67 = tpu.memref_slice %arg8[%dma_wait3A_65, %dma_wait3A_66] : memref<10008x128xf32, #tpu.memory_space<vmem_shared>> -> memref<16x128xf32, #tpu.memory_space<vmem_shared>>
        %dma_wait3A_68 = arith.constant 9984 : i32
        %dma_wait3A_69 = arith.constant 0 : i32
        %dma_wait3A_70 = tpu.memref_slice %arg5[%dma_wait3A_68, %dma_wait3A_69] : memref<10000x128xf32, #tpu.memory_space<hbm>> -> memref<16x128xf32, #tpu.memory_space<hbm>>
        tpu.wait_dma2 semaphore(%run_scoped3A : memref<!tpu.dma_semaphore, #tpu.memory_space<semaphore_mem>>) src(%dma_wait3A_70 : memref<16x128xf32, #tpu.memory_space<hbm>>) dst(%dma_wait3A_67 : memref<16x128xf32, #tpu.memory_space<vmem_shared>>)
        tpu.yield
      }) : () -> ()
    } else {
    }
    %barrier3A = arith.constant 0 : index
    tpu.barrier barrier_id(%barrier3A)
    %mul3A_5 = arith.constant 10000 : i32
    %mul3A_6 = arith.muli %add3A, %mul3A_5 : i32
    %min3A = arith.constant 0 : i32
    %min3A_7 = arith.constant 124 : i32
    %min3A_8 = arith.minsi %min3A, %min3A_7 : i32
    %mul3A_9 = arith.constant 80 : i32
    %mul3A_10 = arith.muli %min3A_8, %mul3A_9 : i32
    %add3A_11 = arith.addi %mul3A_6, %mul3A_10 : i32
    %dma_start3A = tpu.memref_slice %arg3[%add3A_11] : memref<320000xi32, #tpu.memory_space<hbm>> -> memref<80xi32, #tpu.memory_space<hbm>>
    %dma_start3A_12 = tpu.memref_slice %arg3[%add3A_11] : memref<320000xi32, #tpu.memory_space<hbm>> -> memref<80xi32, #tpu.memory_space<hbm>>
    tpu.enqueue_dma source(%dma_start3A_12 : memref<80xi32, #tpu.memory_space<hbm>>) target(%arg12 : memref<80xi32, #tpu.memory_space<vmem>>) target_semaphore(%arg16 : memref<!tpu.dma_semaphore, #tpu.memory_space<semaphore_mem>>)
    %dma_start3A_13 = tpu.memref_slice %arg4[%add3A_11] : memref<320000xi32, #tpu.memory_space<hbm>> -> memref<80xi32, #tpu.memory_space<hbm>>
    %dma_start3A_14 = tpu.memref_slice %arg4[%add3A_11] : memref<320000xi32, #tpu.memory_space<hbm>> -> memref<80xi32, #tpu.memory_space<hbm>>
    tpu.enqueue_dma source(%dma_start3A_14 : memref<80xi32, #tpu.memory_space<hbm>>) target(%arg13 : memref<80xi32, #tpu.memory_space<vmem>>) target_semaphore(%arg16 : memref<!tpu.dma_semaphore, #tpu.memory_space<semaphore_mem>>)
    %dma_wait3A = arith.constant 0 : i32
    %dma_wait3A_15 = tpu.memref_slice %arg3[%dma_wait3A] : memref<320000xi32, #tpu.memory_space<hbm>> -> memref<80xi32, #tpu.memory_space<hbm>>
    %dma_wait3A_16 = arith.constant 0 : i32
    %dma_wait3A_17 = tpu.memref_slice %arg3[%dma_wait3A_16] : memref<320000xi32, #tpu.memory_space<hbm>> -> memref<80xi32, #tpu.memory_space<hbm>>
    tpu.wait_dma2 semaphore(%arg16 : memref<!tpu.dma_semaphore, #tpu.memory_space<semaphore_mem>>) src(%dma_wait3A_17 : memref<80xi32, #tpu.memory_space<hbm>>) dst(%arg12 : memref<80xi32, #tpu.memory_space<vmem>>)
    %dma_wait3A_18 = arith.constant 0 : i32
    %dma_wait3A_19 = tpu.memref_slice %arg4[%dma_wait3A_18] : memref<320000xi32, #tpu.memory_space<hbm>> -> memref<80xi32, #tpu.memory_space<hbm>>
    %dma_wait3A_20 = arith.constant 0 : i32
    %dma_wait3A_21 = tpu.memref_slice %arg4[%dma_wait3A_20] : memref<320000xi32, #tpu.memory_space<hbm>> -> memref<80xi32, #tpu.memory_space<hbm>>
    tpu.wait_dma2 semaphore(%arg16 : memref<!tpu.dma_semaphore, #tpu.memory_space<semaphore_mem>>) src(%dma_wait3A_21 : memref<80xi32, #tpu.memory_space<hbm>>) dst(%arg13 : memref<80xi32, #tpu.memory_space<vmem>>)
    %dma_start3A_22 = arith.constant 0 : i32
    %dma_start3A_23 = arith.constant 0 : i32
    %dma_start3A_24 = tpu.memref_slice %arg2[%dma_start3A_22, %dma_start3A_23] : memref<10000x128xf32, #tpu.memory_space<hbm>> -> memref<10000x128xf32, #tpu.memory_space<hbm>>
    tpu.enqueue_indirect_dma source(%dma_start3A_24 : memref<10000x128xf32, #tpu.memory_space<hbm>>) target(%arg7 : memref<80x128xf32, #tpu.memory_space<vmem>>) offsets(%arg12 : memref<80xi32, #tpu.memory_space<vmem>>) semaphore(%arg9 : memref<!tpu.dma_semaphore, #tpu.memory_space<semaphore_mem>>)
    %mul3A_25 = arith.constant 10000 : i32
    %mul3A_26 = arith.muli %add3A, %mul3A_25 : i32
    %min3A_27 = arith.constant 1 : i32
    %min3A_28 = arith.constant 124 : i32
    %min3A_29 = arith.minsi %min3A_27, %min3A_28 : i32
    %mul3A_30 = arith.constant 80 : i32
    %mul3A_31 = arith.muli %min3A_29, %mul3A_30 : i32
    %add3A_32 = arith.addi %mul3A_26, %mul3A_31 : i32
    %dma_start3A_33 = tpu.memref_slice %arg3[%add3A_32] : memref<320000xi32, #tpu.memory_space<hbm>> -> memref<80xi32, #tpu.memory_space<hbm>>
    %dma_start3A_34 = tpu.memref_slice %arg3[%add3A_32] : memref<320000xi32, #tpu.memory_space<hbm>> -> memref<80xi32, #tpu.memory_space<hbm>>
    tpu.enqueue_dma source(%dma_start3A_34 : memref<80xi32, #tpu.memory_space<hbm>>) target(%arg14 : memref<80xi32, #tpu.memory_space<vmem>>) target_semaphore(%arg17 : memref<!tpu.dma_semaphore, #tpu.memory_space<semaphore_mem>>)
    %dma_start3A_35 = tpu.memref_slice %arg4[%add3A_32] : memref<320000xi32, #tpu.memory_space<hbm>> -> memref<80xi32, #tpu.memory_space<hbm>>
    %dma_start3A_36 = tpu.memref_slice %arg4[%add3A_32] : memref<320000xi32, #tpu.memory_space<hbm>> -> memref<80xi32, #tpu.memory_space<hbm>>
    tpu.enqueue_dma source(%dma_start3A_36 : memref<80xi32, #tpu.memory_space<hbm>>) target(%arg15 : memref<80xi32, #tpu.memory_space<vmem>>) target_semaphore(%arg17 : memref<!tpu.dma_semaphore, #tpu.memory_space<semaphore_mem>>)
    %scan3A = arith.constant 0 : i32
    %scan3A_37 = arith.constant 0 : i32
    %scan3A_38 = arith.constant 62 : i32
    %scan3A_39 = arith.addi %scan3A_37, %scan3A_38 : i32
    %scan3A_40 = arith.constant 1 : i32
    scf.for %scan3A_59 = %scan3A_37 to %scan3A_39 step %scan3A_40  : i32 {
      %mul3A_60 = arith.constant 2 : i32
      %mul3A_61 = arith.muli %mul3A_60, %scan3A_59 : i32
      %add3A_62 = arith.constant 1 : i32
      %add3A_63 = arith.addi %mul3A_61, %add3A_62 : i32
      %dma_wait3A_64 = arith.constant 0 : i32
      %dma_wait3A_65 = tpu.memref_slice %arg3[%dma_wait3A_64] : memref<320000xi32, #tpu.memory_space<hbm>> -> memref<80xi32, #tpu.memory_space<hbm>>
      %dma_wait3A_66 = arith.constant 0 : i32
      %dma_wait3A_67 = tpu.memref_slice %arg3[%dma_wait3A_66] : memref<320000xi32, #tpu.memory_space<hbm>> -> memref<80xi32, #tpu.memory_space<hbm>>
      tpu.wait_dma2 semaphore(%arg17 : memref<!tpu.dma_semaphore, #tpu.memory_space<semaphore_mem>>) src(%dma_wait3A_67 : memref<80xi32, #tpu.memory_space<hbm>>) dst(%arg14 : memref<80xi32, #tpu.memory_space<vmem>>)
      %dma_wait3A_68 = arith.constant 0 : i32
      %dma_wait3A_69 = tpu.memref_slice %arg4[%dma_wait3A_68] : memref<320000xi32, #tpu.memory_space<hbm>> -> memref<80xi32, #tpu.memory_space<hbm>>
      %dma_wait3A_70 = arith.constant 0 : i32
      %dma_wait3A_71 = tpu.memref_slice %arg4[%dma_wait3A_70] : memref<320000xi32, #tpu.memory_space<hbm>> -> memref<80xi32, #tpu.memory_space<hbm>>
      tpu.wait_dma2 semaphore(%arg17 : memref<!tpu.dma_semaphore, #tpu.memory_space<semaphore_mem>>) src(%dma_wait3A_71 : memref<80xi32, #tpu.memory_space<hbm>>) dst(%arg15 : memref<80xi32, #tpu.memory_space<vmem>>)
      %dma_start3A_72 = arith.constant 0 : i32
      %dma_start3A_73 = arith.constant 0 : i32
      %dma_start3A_74 = tpu.memref_slice %arg2[%dma_start3A_72, %dma_start3A_73] : memref<10000x128xf32, #tpu.memory_space<hbm>> -> memref<10000x128xf32, #tpu.memory_space<hbm>>
      tpu.enqueue_indirect_dma source(%dma_start3A_74 : memref<10000x128xf32, #tpu.memory_space<hbm>>) target(%arg10 : memref<80x128xf32, #tpu.memory_space<vmem>>) offsets(%arg14 : memref<80xi32, #tpu.memory_space<vmem>>) semaphore(%arg11 : memref<!tpu.dma_semaphore, #tpu.memory_space<semaphore_mem>>)
      %dma_wait3A_75 = arith.constant 0 : i32
      %dma_wait3A_76 = arith.constant 0 : i32
      %dma_wait3A_77 = tpu.memref_slice %arg2[%dma_wait3A_75, %dma_wait3A_76] : memref<10000x128xf32, #tpu.memory_space<hbm>> -> memref<10000x128xf32, #tpu.memory_space<hbm>>
      tpu.wait_indirect_dma semaphore(%arg9 : memref<!tpu.dma_semaphore, #tpu.memory_space<semaphore_mem>>) src(%dma_wait3A_77 : memref<10000x128xf32, #tpu.memory_space<hbm>>) dst(%arg7 : memref<80x128xf32, #tpu.memory_space<vmem>>)
      "tpu.region"() ({
        %run_scoped3A = tpu.sem_alloc : memref<!tpu.dma_semaphore, #tpu.memory_space<semaphore_mem>>
        %dma_start3A_118 = arith.constant 0 : i32
        %dma_start3A_119 = arith.constant 0 : i32
        %dma_start3A_120 = tpu.memref_slice %arg8[%dma_start3A_118, %dma_start3A_119] : memref<10008x128xf32, #tpu.memory_space<vmem_shared>> -> memref<10008x128xf32, #tpu.memory_space<vmem_shared>>
        tpu.enqueue_indirect_dma source(%arg7 : memref<80x128xf32, #tpu.memory_space<vmem>>) target(%dma_start3A_120 : memref<10008x128xf32, #tpu.memory_space<vmem_shared>>) offsets(%arg13 : memref<80xi32, #tpu.memory_space<vmem>>) semaphore(%run_scoped3A : memref<!tpu.dma_semaphore, #tpu.memory_space<semaphore_mem>>) {add = true}
        %dma_wait3A_121 = arith.constant 0 : i32
        %dma_wait3A_122 = arith.constant 0 : i32
        %dma_wait3A_123 = tpu.memref_slice %arg8[%dma_wait3A_121, %dma_wait3A_122] : memref<10008x128xf32, #tpu.memory_space<vmem_shared>> -> memref<10008x128xf32, #tpu.memory_space<vmem_shared>>
        tpu.wait_indirect_dma semaphore(%run_scoped3A : memref<!tpu.dma_semaphore, #tpu.memory_space<semaphore_mem>>) src(%arg7 : memref<80x128xf32, #tpu.memory_space<vmem>>) dst(%dma_wait3A_123 : memref<10008x128xf32, #tpu.memory_space<vmem_shared>>)
        tpu.yield
      }) : () -> ()
      %add3A_78 = arith.constant 1 : i32
      %add3A_79 = arith.addi %add3A_63, %add3A_78 : i32
      %mul3A_80 = arith.constant 10000 : i32
      %mul3A_81 = arith.muli %add3A, %mul3A_80 : i32
      %min3A_82 = arith.constant 124 : i32
      %min3A_83 = arith.minsi %add3A_79, %min3A_82 : i32
      %mul3A_84 = arith.constant 80 : i32
      %mul3A_85 = arith.muli %min3A_83, %mul3A_84 : i32
      %add3A_86 = arith.addi %mul3A_81, %mul3A_85 : i32
      %dma_start3A_87 = tpu.memref_slice %arg3[%add3A_86] : memref<320000xi32, #tpu.memory_space<hbm>> -> memref<80xi32, #tpu.memory_space<hbm>>
      %dma_start3A_88 = tpu.memref_slice %arg3[%add3A_86] : memref<320000xi32, #tpu.memory_space<hbm>> -> memref<80xi32, #tpu.memory_space<hbm>>
      tpu.enqueue_dma source(%dma_start3A_88 : memref<80xi32, #tpu.memory_space<hbm>>) target(%arg12 : memref<80xi32, #tpu.memory_space<vmem>>) target_semaphore(%arg16 : memref<!tpu.dma_semaphore, #tpu.memory_space<semaphore_mem>>)
      %dma_start3A_89 = tpu.memref_slice %arg4[%add3A_86] : memref<320000xi32, #tpu.memory_space<hbm>> -> memref<80xi32, #tpu.memory_space<hbm>>
      %dma_start3A_90 = tpu.memref_slice %arg4[%add3A_86] : memref<320000xi32, #tpu.memory_space<hbm>> -> memref<80xi32, #tpu.memory_space<hbm>>
      tpu.enqueue_dma source(%dma_start3A_90 : memref<80xi32, #tpu.memory_space<hbm>>) target(%arg13 : memref<80xi32, #tpu.memory_space<vmem>>) target_semaphore(%arg16 : memref<!tpu.dma_semaphore, #tpu.memory_space<semaphore_mem>>)
      %dma_wait3A_91 = arith.constant 0 : i32
      %dma_wait3A_92 = tpu.memref_slice %arg3[%dma_wait3A_91] : memref<320000xi32, #tpu.memory_space<hbm>> -> memref<80xi32, #tpu.memory_space<hbm>>
      %dma_wait3A_93 = arith.constant 0 : i32
      %dma_wait3A_94 = tpu.memref_slice %arg3[%dma_wait3A_93] : memref<320000xi32, #tpu.memory_space<hbm>> -> memref<80xi32, #tpu.memory_space<hbm>>
      tpu.wait_dma2 semaphore(%arg16 : memref<!tpu.dma_semaphore, #tpu.memory_space<semaphore_mem>>) src(%dma_wait3A_94 : memref<80xi32, #tpu.memory_space<hbm>>) dst(%arg12 : memref<80xi32, #tpu.memory_space<vmem>>)
      %dma_wait3A_95 = arith.constant 0 : i32
      %dma_wait3A_96 = tpu.memref_slice %arg4[%dma_wait3A_95] : memref<320000xi32, #tpu.memory_space<hbm>> -> memref<80xi32, #tpu.memory_space<hbm>>
      %dma_wait3A_97 = arith.constant 0 : i32
      %dma_wait3A_98 = tpu.memref_slice %arg4[%dma_wait3A_97] : memref<320000xi32, #tpu.memory_space<hbm>> -> memref<80xi32, #tpu.memory_space<hbm>>
      tpu.wait_dma2 semaphore(%arg16 : memref<!tpu.dma_semaphore, #tpu.memory_space<semaphore_mem>>) src(%dma_wait3A_98 : memref<80xi32, #tpu.memory_space<hbm>>) dst(%arg13 : memref<80xi32, #tpu.memory_space<vmem>>)
      %dma_start3A_99 = arith.constant 0 : i32
      %dma_start3A_100 = arith.constant 0 : i32
      %dma_start3A_101 = tpu.memref_slice %arg2[%dma_start3A_99, %dma_start3A_100] : memref<10000x128xf32, #tpu.memory_space<hbm>> -> memref<10000x128xf32, #tpu.memory_space<hbm>>
      tpu.enqueue_indirect_dma source(%dma_start3A_101 : memref<10000x128xf32, #tpu.memory_space<hbm>>) target(%arg7 : memref<80x128xf32, #tpu.memory_space<vmem>>) offsets(%arg12 : memref<80xi32, #tpu.memory_space<vmem>>) semaphore(%arg9 : memref<!tpu.dma_semaphore, #tpu.memory_space<semaphore_mem>>)
      %dma_wait3A_102 = arith.constant 0 : i32
      %dma_wait3A_103 = arith.constant 0 : i32
      %dma_wait3A_104 = tpu.memref_slice %arg2[%dma_wait3A_102, %dma_wait3A_103] : memref<10000x128xf32, #tpu.memory_space<hbm>> -> memref<10000x128xf32, #tpu.memory_space<hbm>>
      tpu.wait_indirect_dma semaphore(%arg11 : memref<!tpu.dma_semaphore, #tpu.memory_space<semaphore_mem>>) src(%dma_wait3A_104 : memref<10000x128xf32, #tpu.memory_space<hbm>>) dst(%arg10 : memref<80x128xf32, #tpu.memory_space<vmem>>)
      "tpu.region"() ({
        %run_scoped3A = tpu.sem_alloc : memref<!tpu.dma_semaphore, #tpu.memory_space<semaphore_mem>>
        %dma_start3A_118 = arith.constant 0 : i32
        %dma_start3A_119 = arith.constant 0 : i32
        %dma_start3A_120 = tpu.memref_slice %arg8[%dma_start3A_118, %dma_start3A_119] : memref<10008x128xf32, #tpu.memory_space<vmem_shared>> -> memref<10008x128xf32, #tpu.memory_space<vmem_shared>>
        tpu.enqueue_indirect_dma source(%arg10 : memref<80x128xf32, #tpu.memory_space<vmem>>) target(%dma_start3A_120 : memref<10008x128xf32, #tpu.memory_space<vmem_shared>>) offsets(%arg15 : memref<80xi32, #tpu.memory_space<vmem>>) semaphore(%run_scoped3A : memref<!tpu.dma_semaphore, #tpu.memory_space<semaphore_mem>>) {add = true}
        %dma_wait3A_121 = arith.constant 0 : i32
        %dma_wait3A_122 = arith.constant 0 : i32
        %dma_wait3A_123 = tpu.memref_slice %arg8[%dma_wait3A_121, %dma_wait3A_122] : memref<10008x128xf32, #tpu.memory_space<vmem_shared>> -> memref<10008x128xf32, #tpu.memory_space<vmem_shared>>
        tpu.wait_indirect_dma semaphore(%run_scoped3A : memref<!tpu.dma_semaphore, #tpu.memory_space<semaphore_mem>>) src(%arg10 : memref<80x128xf32, #tpu.memory_space<vmem>>) dst(%dma_wait3A_123 : memref<10008x128xf32, #tpu.memory_space<vmem_shared>>)
        tpu.yield
      }) : () -> ()
      %add3A_105 = arith.constant 2 : i32
      %add3A_106 = arith.addi %add3A_63, %add3A_105 : i32
      %mul3A_107 = arith.constant 10000 : i32
      %mul3A_108 = arith.muli %add3A, %mul3A_107 : i32
      %min3A_109 = arith.constant 124 : i32
      %min3A_110 = arith.minsi %add3A_106, %min3A_109 : i32
      %mul3A_111 = arith.constant 80 : i32
      %mul3A_112 = arith.muli %min3A_110, %mul3A_111 : i32
      %add3A_113 = arith.addi %mul3A_108, %mul3A_112 : i32
      %dma_start3A_114 = tpu.memref_slice %arg3[%add3A_113] : memref<320000xi32, #tpu.memory_space<hbm>> -> memref<80xi32, #tpu.memory_space<hbm>>
      %dma_start3A_115 = tpu.memref_slice %arg3[%add3A_113] : memref<320000xi32, #tpu.memory_space<hbm>> -> memref<80xi32, #tpu.memory_space<hbm>>
      tpu.enqueue_dma source(%dma_start3A_115 : memref<80xi32, #tpu.memory_space<hbm>>) target(%arg14 : memref<80xi32, #tpu.memory_space<vmem>>) target_semaphore(%arg17 : memref<!tpu.dma_semaphore, #tpu.memory_space<semaphore_mem>>)
      %dma_start3A_116 = tpu.memref_slice %arg4[%add3A_113] : memref<320000xi32, #tpu.memory_space<hbm>> -> memref<80xi32, #tpu.memory_space<hbm>>
      %dma_start3A_117 = tpu.memref_slice %arg4[%add3A_113] : memref<320000xi32, #tpu.memory_space<hbm>> -> memref<80xi32, #tpu.memory_space<hbm>>
      tpu.enqueue_dma source(%dma_start3A_117 : memref<80xi32, #tpu.memory_space<hbm>>) target(%arg15 : memref<80xi32, #tpu.memory_space<vmem>>) target_semaphore(%arg17 : memref<!tpu.dma_semaphore, #tpu.memory_space<semaphore_mem>>)
    }
    %scan3A_41 = arith.constant 62 : i32
    %dma_wait3A_42 = arith.constant 0 : i32
    %dma_wait3A_43 = tpu.memref_slice %arg3[%dma_wait3A_42] : memref<320000xi32, #tpu.memory_space<hbm>> -> memref<80xi32, #tpu.memory_space<hbm>>
    %dma_wait3A_44 = arith.constant 0 : i32
    %dma_wait3A_45 = tpu.memref_slice %arg3[%dma_wait3A_44] : memref<320000xi32, #tpu.memory_space<hbm>> -> memref<80xi32, #tpu.memory_space<hbm>>
    tpu.wait_dma2 semaphore(%arg17 : memref<!tpu.dma_semaphore, #tpu.memory_space<semaphore_mem>>) src(%dma_wait3A_45 : memref<80xi32, #tpu.memory_space<hbm>>) dst(%arg14 : memref<80xi32, #tpu.memory_space<vmem>>)
    %dma_wait3A_46 = arith.constant 0 : i32
    %dma_wait3A_47 = tpu.memref_slice %arg4[%dma_wait3A_46] : memref<320000xi32, #tpu.memory_space<hbm>> -> memref<80xi32, #tpu.memory_space<hbm>>
    %dma_wait3A_48 = arith.constant 0 : i32
    %dma_wait3A_49 = tpu.memref_slice %arg4[%dma_wait3A_48] : memref<320000xi32, #tpu.memory_space<hbm>> -> memref<80xi32, #tpu.memory_space<hbm>>
    tpu.wait_dma2 semaphore(%arg17 : memref<!tpu.dma_semaphore, #tpu.memory_space<semaphore_mem>>) src(%dma_wait3A_49 : memref<80xi32, #tpu.memory_space<hbm>>) dst(%arg15 : memref<80xi32, #tpu.memory_space<vmem>>)
    %dma_wait3A_50 = arith.constant 0 : i32
    %dma_wait3A_51 = arith.constant 0 : i32
    %dma_wait3A_52 = tpu.memref_slice %arg2[%dma_wait3A_50, %dma_wait3A_51] : memref<10000x128xf32, #tpu.memory_space<hbm>> -> memref<10000x128xf32, #tpu.memory_space<hbm>>
    tpu.wait_indirect_dma semaphore(%arg9 : memref<!tpu.dma_semaphore, #tpu.memory_space<semaphore_mem>>) src(%dma_wait3A_52 : memref<10000x128xf32, #tpu.memory_space<hbm>>) dst(%arg7 : memref<80x128xf32, #tpu.memory_space<vmem>>)
    "tpu.region"() ({
      %run_scoped3A = tpu.sem_alloc : memref<!tpu.dma_semaphore, #tpu.memory_space<semaphore_mem>>
      %dma_start3A_59 = arith.constant 0 : i32
      %dma_start3A_60 = arith.constant 0 : i32
      %dma_start3A_61 = tpu.memref_slice %arg8[%dma_start3A_59, %dma_start3A_60] : memref<10008x128xf32, #tpu.memory_space<vmem_shared>> -> memref<10008x128xf32, #tpu.memory_space<vmem_shared>>
      tpu.enqueue_indirect_dma source(%arg7 : memref<80x128xf32, #tpu.memory_space<vmem>>) target(%dma_start3A_61 : memref<10008x128xf32, #tpu.memory_space<vmem_shared>>) offsets(%arg13 : memref<80xi32, #tpu.memory_space<vmem>>) semaphore(%run_scoped3A : memref<!tpu.dma_semaphore, #tpu.memory_space<semaphore_mem>>) {add = true}
      %dma_wait3A_62 = arith.constant 0 : i32
      %dma_wait3A_63 = arith.constant 0 : i32
      %dma_wait3A_64 = tpu.memref_slice %arg8[%dma_wait3A_62, %dma_wait3A_63] : memref<10008x128xf32, #tpu.memory_space<vmem_shared>> -> memref<10008x128xf32, #tpu.memory_space<vmem_shared>>
      tpu.wait_indirect_dma semaphore(%run_scoped3A : memref<!tpu.dma_semaphore, #tpu.memory_space<semaphore_mem>>) src(%arg7 : memref<80x128xf32, #tpu.memory_space<vmem>>) dst(%dma_wait3A_64 : memref<10008x128xf32, #tpu.memory_space<vmem_shared>>)
      tpu.yield
    }) : () -> ()
    %barrier3A_53 = arith.constant 0 : index
    tpu.barrier barrier_id(%barrier3A_53)
    "tpu.region"() ({
      %run_scoped3A = tpu.sem_alloc : memref<!tpu.dma_semaphore, #tpu.memory_space<semaphore_mem>>
      %dma_start3A_59 = arith.constant 0 : i32
      %dma_start3A_60 = tpu.memref_slice %arg6[%arg0, %mul3A_2, %dma_start3A_59] : memref<2x10000x128xf32, #tpu.memory_space<hbm>> -> memref<1x624x128xf32, #tpu.memory_space<hbm>>
      %dma_start3A_61 = tpu.memref_squeeze %dma_start3A_60 : memref<1x624x128xf32, #tpu.memory_space<hbm>> -> memref<624x128xf32, #tpu.memory_space<hbm>>
      %dma_start3A_62 = arith.constant 0 : i32
      %dma_start3A_63 = tpu.memref_slice %arg8[%mul3A_2, %dma_start3A_62] : memref<10008x128xf32, #tpu.memory_space<vmem_shared>> -> memref<624x128xf32, #tpu.memory_space<vmem_shared>>
      tpu.enqueue_dma source(%dma_start3A_63 : memref<624x128xf32, #tpu.memory_space<vmem_shared>>) target(%dma_start3A_61 : memref<624x128xf32, #tpu.memory_space<hbm>>) target_semaphore(%run_scoped3A : memref<!tpu.dma_semaphore, #tpu.memory_space<semaphore_mem>>)
      %dma_wait3A_64 = arith.constant 0 : i32
      %dma_wait3A_65 = tpu.memref_slice %arg6[%arg0, %mul3A_2, %dma_wait3A_64] : memref<2x10000x128xf32, #tpu.memory_space<hbm>> -> memref<1x624x128xf32, #tpu.memory_space<hbm>>
      %dma_wait3A_66 = tpu.memref_squeeze %dma_wait3A_65 : memref<1x624x128xf32, #tpu.memory_space<hbm>> -> memref<624x128xf32, #tpu.memory_space<hbm>>
      %dma_wait3A_67 = arith.constant 0 : i32
      %dma_wait3A_68 = tpu.memref_slice %arg8[%mul3A_2, %dma_wait3A_67] : memref<10008x128xf32, #tpu.memory_space<vmem_shared>> -> memref<624x128xf32, #tpu.memory_space<vmem_shared>>
      tpu.wait_dma2 semaphore(%run_scoped3A : memref<!tpu.dma_semaphore, #tpu.memory_space<semaphore_mem>>) src(%dma_wait3A_68 : memref<624x128xf32, #tpu.memory_space<vmem_shared>>) dst(%dma_wait3A_66 : memref<624x128xf32, #tpu.memory_space<hbm>>)
      tpu.yield
    }) : () -> ()
    %eq3A_54 = arith.constant 0 : i32
    %eq3A_55 = arith.cmpi eq, %arg1, %eq3A_54 : i32
    %convert_element_type3A_56 = arith.extui %eq3A_55 : i1 to i32
    %cond3A_57 = arith.constant 0 : i32
    %cond3A_58 = arith.cmpi ne, %convert_element_type3A_56, %cond3A_57 : i32
    scf.if %cond3A_58 {
      "tpu.region"() ({
        %run_scoped3A = tpu.sem_alloc : memref<!tpu.dma_semaphore, #tpu.memory_space<semaphore_mem>>
        %dma_start3A_59 = arith.constant 9984 : i32
        %dma_start3A_60 = arith.constant 0 : i32
        %dma_start3A_61 = tpu.memref_slice %arg6[%arg0, %dma_start3A_59, %dma_start3A_60] : memref<2x10000x128xf32, #tpu.memory_space<hbm>> -> memref<1x16x128xf32, #tpu.memory_space<hbm>>
        %dma_start3A_62 = tpu.memref_squeeze %dma_start3A_61 : memref<1x16x128xf32, #tpu.memory_space<hbm>> -> memref<16x128xf32, #tpu.memory_space<hbm>>
        %dma_start3A_63 = arith.constant 9984 : i32
        %dma_start3A_64 = arith.constant 0 : i32
        %dma_start3A_65 = tpu.memref_slice %arg8[%dma_start3A_63, %dma_start3A_64] : memref<10008x128xf32, #tpu.memory_space<vmem_shared>> -> memref<16x128xf32, #tpu.memory_space<vmem_shared>>
        tpu.enqueue_dma source(%dma_start3A_65 : memref<16x128xf32, #tpu.memory_space<vmem_shared>>) target(%dma_start3A_62 : memref<16x128xf32, #tpu.memory_space<hbm>>) target_semaphore(%run_scoped3A : memref<!tpu.dma_semaphore, #tpu.memory_space<semaphore_mem>>)
        %dma_wait3A_66 = arith.constant 9984 : i32
        %dma_wait3A_67 = arith.constant 0 : i32
        %dma_wait3A_68 = tpu.memref_slice %arg6[%arg0, %dma_wait3A_66, %dma_wait3A_67] : memref<2x10000x128xf32, #tpu.memory_space<hbm>> -> memref<1x16x128xf32, #tpu.memory_space<hbm>>
        %dma_wait3A_69 = tpu.memref_squeeze %dma_wait3A_68 : memref<1x16x128xf32, #tpu.memory_space<hbm>> -> memref<16x128xf32, #tpu.memory_space<hbm>>
        %dma_wait3A_70 = arith.constant 9984 : i32
        %dma_wait3A_71 = arith.constant 0 : i32
        %dma_wait3A_72 = tpu.memref_slice %arg8[%dma_wait3A_70, %dma_wait3A_71] : memref<10008x128xf32, #tpu.memory_space<vmem_shared>> -> memref<16x128xf32, #tpu.memory_space<vmem_shared>>
        tpu.wait_dma2 semaphore(%run_scoped3A : memref<!tpu.dma_semaphore, #tpu.memory_space<semaphore_mem>>) src(%dma_wait3A_72 : memref<16x128xf32, #tpu.memory_space<vmem_shared>>) dst(%dma_wait3A_69 : memref<16x128xf32, #tpu.memory_space<hbm>>)
        tpu.yield
      }) : () -> ()
    } else {
    }
    return
  }
}

#map = affine_map<(d0, d1) -> (0)>
#map1 = affine_map<(d0, d1) -> (0, 0)>
#map2 = affine_map<(d0, d1) -> (0, 0, 0)>
module attributes {stable_mosaic.version = 14 : i64} {
  func.func @body(%arg0: i32, %arg1: i32, %arg2: memref<320000xi32, #tpu.memory_space<hbm>>, %arg3: memref<10000x128xf32, #tpu.memory_space<hbm>>, %arg4: memref<80x128xf32, #tpu.memory_space<hbm>>, %arg5: memref<2x10000x128xf32, #tpu.memory_space<hbm>>, %arg6: memref<80x128xf32, #tpu.memory_space<vmem>>, %arg7: memref<10008x128xf32, #tpu.memory_space<vmem_shared>>, %arg8: memref<80xi32, #tpu.memory_space<vmem>>, %arg9: memref<80xi32, #tpu.memory_space<vmem>>, %arg10: memref<!tpu.dma_semaphore, #tpu.memory_space<semaphore_mem>>, %arg11: memref<!tpu.dma_semaphore, #tpu.memory_space<semaphore_mem>>) attributes {dimension_semantics = [#tpu.dimension_semantics<core_parallel>, #tpu.dimension_semantics<subcore_parallel>], iteration_bounds = array<i64: 2, 16>, scalar_prefetch = 0 : i64, scratch_operands = 6 : i64, tpu.core_type = #tpu.core_type<sc_vector_subcore>, window_params = [{transform_indices = #map}, {transform_indices = #map1}, {transform_indices = #map1}, {transform_indices = #map2}]} {
    %mul3A = arith.constant 2 : i32
    %mul3A_0 = arith.muli %arg1, %mul3A : i32
    %add3A = arith.addi %mul3A_0, %arg0 : i32
    %mul3A_1 = arith.constant 624 : i32
    %mul3A_2 = arith.muli %arg1, %mul3A_1 : i32
    "tpu.region"() ({
      %run_scoped3A = tpu.sem_alloc : memref<!tpu.dma_semaphore, #tpu.memory_space<semaphore_mem>>
      %dma_start3A_41 = arith.constant 0 : i32
      %dma_start3A_42 = tpu.memref_slice %arg7[%mul3A_2, %dma_start3A_41] : memref<10008x128xf32, #tpu.memory_space<vmem_shared>> -> memref<624x128xf32, #tpu.memory_space<vmem_shared>>
      %dma_start3A_43 = arith.constant 0 : i32
      %dma_start3A_44 = tpu.memref_slice %arg3[%mul3A_2, %dma_start3A_43] : memref<10000x128xf32, #tpu.memory_space<hbm>> -> memref<624x128xf32, #tpu.memory_space<hbm>>
      tpu.enqueue_dma source(%dma_start3A_44 : memref<624x128xf32, #tpu.memory_space<hbm>>) target(%dma_start3A_42 : memref<624x128xf32, #tpu.memory_space<vmem_shared>>) target_semaphore(%run_scoped3A : memref<!tpu.dma_semaphore, #tpu.memory_space<semaphore_mem>>)
      %dma_wait3A_45 = arith.constant 0 : i32
      %dma_wait3A_46 = tpu.memref_slice %arg7[%mul3A_2, %dma_wait3A_45] : memref<10008x128xf32, #tpu.memory_space<vmem_shared>> -> memref<624x128xf32, #tpu.memory_space<vmem_shared>>
      %dma_wait3A_47 = arith.constant 0 : i32
      %dma_wait3A_48 = tpu.memref_slice %arg3[%mul3A_2, %dma_wait3A_47] : memref<10000x128xf32, #tpu.memory_space<hbm>> -> memref<624x128xf32, #tpu.memory_space<hbm>>
      tpu.wait_dma2 semaphore(%run_scoped3A : memref<!tpu.dma_semaphore, #tpu.memory_space<semaphore_mem>>) src(%dma_wait3A_48 : memref<624x128xf32, #tpu.memory_space<hbm>>) dst(%dma_wait3A_46 : memref<624x128xf32, #tpu.memory_space<vmem_shared>>)
      tpu.yield
    }) : () -> ()
    "tpu.region"() ({
      %run_scoped3A = tpu.sem_alloc : memref<!tpu.dma_semaphore, #tpu.memory_space<semaphore_mem>>
      tpu.enqueue_dma source(%arg4 : memref<80x128xf32, #tpu.memory_space<hbm>>) target(%arg6 : memref<80x128xf32, #tpu.memory_space<vmem>>) target_semaphore(%run_scoped3A : memref<!tpu.dma_semaphore, #tpu.memory_space<semaphore_mem>>)
      tpu.wait_dma2 semaphore(%run_scoped3A : memref<!tpu.dma_semaphore, #tpu.memory_space<semaphore_mem>>) src(%arg4 : memref<80x128xf32, #tpu.memory_space<hbm>>) dst(%arg6 : memref<80x128xf32, #tpu.memory_space<vmem>>)
      tpu.yield
    }) : () -> ()
    %eq3A = arith.constant 0 : i32
    %eq3A_3 = arith.cmpi eq, %arg1, %eq3A : i32
    %convert_element_type3A = arith.extui %eq3A_3 : i1 to i32
    %cond3A = arith.constant 0 : i32
    %cond3A_4 = arith.cmpi ne, %convert_element_type3A, %cond3A : i32
    scf.if %cond3A_4 {
      "tpu.region"() ({
        %run_scoped3A = tpu.sem_alloc : memref<!tpu.dma_semaphore, #tpu.memory_space<semaphore_mem>>
        %dma_start3A_41 = arith.constant 9984 : i32
        %dma_start3A_42 = arith.constant 0 : i32
        %dma_start3A_43 = tpu.memref_slice %arg7[%dma_start3A_41, %dma_start3A_42] : memref<10008x128xf32, #tpu.memory_space<vmem_shared>> -> memref<16x128xf32, #tpu.memory_space<vmem_shared>>
        %dma_start3A_44 = arith.constant 9984 : i32
        %dma_start3A_45 = arith.constant 0 : i32
        %dma_start3A_46 = tpu.memref_slice %arg3[%dma_start3A_44, %dma_start3A_45] : memref<10000x128xf32, #tpu.memory_space<hbm>> -> memref<16x128xf32, #tpu.memory_space<hbm>>
        tpu.enqueue_dma source(%dma_start3A_46 : memref<16x128xf32, #tpu.memory_space<hbm>>) target(%dma_start3A_43 : memref<16x128xf32, #tpu.memory_space<vmem_shared>>) target_semaphore(%run_scoped3A : memref<!tpu.dma_semaphore, #tpu.memory_space<semaphore_mem>>)
        %dma_wait3A_47 = arith.constant 9984 : i32
        %dma_wait3A_48 = arith.constant 0 : i32
        %dma_wait3A_49 = tpu.memref_slice %arg7[%dma_wait3A_47, %dma_wait3A_48] : memref<10008x128xf32, #tpu.memory_space<vmem_shared>> -> memref<16x128xf32, #tpu.memory_space<vmem_shared>>
        %dma_wait3A_50 = arith.constant 9984 : i32
        %dma_wait3A_51 = arith.constant 0 : i32
        %dma_wait3A_52 = tpu.memref_slice %arg3[%dma_wait3A_50, %dma_wait3A_51] : memref<10000x128xf32, #tpu.memory_space<hbm>> -> memref<16x128xf32, #tpu.memory_space<hbm>>
        tpu.wait_dma2 semaphore(%run_scoped3A : memref<!tpu.dma_semaphore, #tpu.memory_space<semaphore_mem>>) src(%dma_wait3A_52 : memref<16x128xf32, #tpu.memory_space<hbm>>) dst(%dma_wait3A_49 : memref<16x128xf32, #tpu.memory_space<vmem_shared>>)
        tpu.yield
      }) : () -> ()
    } else {
    }
    %barrier3A = arith.constant 0 : index
    tpu.barrier barrier_id(%barrier3A)
    %mul3A_5 = arith.constant 10000 : i32
    %mul3A_6 = arith.muli %add3A, %mul3A_5 : i32
    %min3A = arith.constant 0 : i32
    %min3A_7 = arith.constant 124 : i32
    %min3A_8 = arith.minsi %min3A, %min3A_7 : i32
    %mul3A_9 = arith.constant 80 : i32
    %mul3A_10 = arith.muli %min3A_8, %mul3A_9 : i32
    %add3A_11 = arith.addi %mul3A_6, %mul3A_10 : i32
    %dma_start3A = tpu.memref_slice %arg2[%add3A_11] : memref<320000xi32, #tpu.memory_space<hbm>> -> memref<80xi32, #tpu.memory_space<hbm>>
    %dma_start3A_12 = tpu.memref_slice %arg2[%add3A_11] : memref<320000xi32, #tpu.memory_space<hbm>> -> memref<80xi32, #tpu.memory_space<hbm>>
    tpu.enqueue_dma source(%dma_start3A_12 : memref<80xi32, #tpu.memory_space<hbm>>) target(%arg8 : memref<80xi32, #tpu.memory_space<vmem>>) target_semaphore(%arg10 : memref<!tpu.dma_semaphore, #tpu.memory_space<semaphore_mem>>)
    %mul3A_13 = arith.constant 10000 : i32
    %mul3A_14 = arith.muli %add3A, %mul3A_13 : i32
    %min3A_15 = arith.constant 1 : i32
    %min3A_16 = arith.constant 124 : i32
    %min3A_17 = arith.minsi %min3A_15, %min3A_16 : i32
    %mul3A_18 = arith.constant 80 : i32
    %mul3A_19 = arith.muli %min3A_17, %mul3A_18 : i32
    %add3A_20 = arith.addi %mul3A_14, %mul3A_19 : i32
    %dma_start3A_21 = tpu.memref_slice %arg2[%add3A_20] : memref<320000xi32, #tpu.memory_space<hbm>> -> memref<80xi32, #tpu.memory_space<hbm>>
    %dma_start3A_22 = tpu.memref_slice %arg2[%add3A_20] : memref<320000xi32, #tpu.memory_space<hbm>> -> memref<80xi32, #tpu.memory_space<hbm>>
    tpu.enqueue_dma source(%dma_start3A_22 : memref<80xi32, #tpu.memory_space<hbm>>) target(%arg9 : memref<80xi32, #tpu.memory_space<vmem>>) target_semaphore(%arg11 : memref<!tpu.dma_semaphore, #tpu.memory_space<semaphore_mem>>)
    %scan3A = arith.constant 0 : i32
    %scan3A_23 = arith.constant 0 : i32
    %scan3A_24 = arith.constant 62 : i32
    %scan3A_25 = arith.addi %scan3A_23, %scan3A_24 : i32
    %scan3A_26 = arith.constant 1 : i32
    scf.for %scan3A_41 = %scan3A_23 to %scan3A_25 step %scan3A_26  : i32 {
      %mul3A_42 = arith.constant 2 : i32
      %mul3A_43 = arith.muli %mul3A_42, %scan3A_41 : i32
      %add3A_44 = arith.constant 1 : i32
      %add3A_45 = arith.addi %mul3A_43, %add3A_44 : i32
      %dma_wait3A_46 = arith.constant 0 : i32
      %dma_wait3A_47 = tpu.memref_slice %arg2[%dma_wait3A_46] : memref<320000xi32, #tpu.memory_space<hbm>> -> memref<80xi32, #tpu.memory_space<hbm>>
      %dma_wait3A_48 = arith.constant 0 : i32
      %dma_wait3A_49 = tpu.memref_slice %arg2[%dma_wait3A_48] : memref<320000xi32, #tpu.memory_space<hbm>> -> memref<80xi32, #tpu.memory_space<hbm>>
      tpu.wait_dma2 semaphore(%arg10 : memref<!tpu.dma_semaphore, #tpu.memory_space<semaphore_mem>>) src(%dma_wait3A_49 : memref<80xi32, #tpu.memory_space<hbm>>) dst(%arg8 : memref<80xi32, #tpu.memory_space<vmem>>)
      "tpu.region"() ({
        %run_scoped3A = tpu.sem_alloc : memref<!tpu.dma_semaphore, #tpu.memory_space<semaphore_mem>>
        %dma_start3A_76 = arith.constant 0 : i32
        %dma_start3A_77 = arith.constant 0 : i32
        %dma_start3A_78 = tpu.memref_slice %arg7[%dma_start3A_76, %dma_start3A_77] : memref<10008x128xf32, #tpu.memory_space<vmem_shared>> -> memref<10008x128xf32, #tpu.memory_space<vmem_shared>>
        tpu.enqueue_indirect_dma source(%arg6 : memref<80x128xf32, #tpu.memory_space<vmem>>) target(%dma_start3A_78 : memref<10008x128xf32, #tpu.memory_space<vmem_shared>>) offsets(%arg8 : memref<80xi32, #tpu.memory_space<vmem>>) semaphore(%run_scoped3A : memref<!tpu.dma_semaphore, #tpu.memory_space<semaphore_mem>>) {add = true}
        %dma_wait3A_79 = arith.constant 0 : i32
        %dma_wait3A_80 = arith.constant 0 : i32
        %dma_wait3A_81 = tpu.memref_slice %arg7[%dma_wait3A_79, %dma_wait3A_80] : memref<10008x128xf32, #tpu.memory_space<vmem_shared>> -> memref<10008x128xf32, #tpu.memory_space<vmem_shared>>
        tpu.wait_indirect_dma semaphore(%run_scoped3A : memref<!tpu.dma_semaphore, #tpu.memory_space<semaphore_mem>>) src(%arg6 : memref<80x128xf32, #tpu.memory_space<vmem>>) dst(%dma_wait3A_81 : memref<10008x128xf32, #tpu.memory_space<vmem_shared>>)
        tpu.yield
      }) : () -> ()
      %add3A_50 = arith.constant 1 : i32
      %add3A_51 = arith.addi %add3A_45, %add3A_50 : i32
      %mul3A_52 = arith.constant 10000 : i32
      %mul3A_53 = arith.muli %add3A, %mul3A_52 : i32
      %min3A_54 = arith.constant 124 : i32
      %min3A_55 = arith.minsi %add3A_51, %min3A_54 : i32
      %mul3A_56 = arith.constant 80 : i32
      %mul3A_57 = arith.muli %min3A_55, %mul3A_56 : i32
      %add3A_58 = arith.addi %mul3A_53, %mul3A_57 : i32
      %dma_start3A_59 = tpu.memref_slice %arg2[%add3A_58] : memref<320000xi32, #tpu.memory_space<hbm>> -> memref<80xi32, #tpu.memory_space<hbm>>
      %dma_start3A_60 = tpu.memref_slice %arg2[%add3A_58] : memref<320000xi32, #tpu.memory_space<hbm>> -> memref<80xi32, #tpu.memory_space<hbm>>
      tpu.enqueue_dma source(%dma_start3A_60 : memref<80xi32, #tpu.memory_space<hbm>>) target(%arg8 : memref<80xi32, #tpu.memory_space<vmem>>) target_semaphore(%arg10 : memref<!tpu.dma_semaphore, #tpu.memory_space<semaphore_mem>>)
      %dma_wait3A_61 = arith.constant 0 : i32
      %dma_wait3A_62 = tpu.memref_slice %arg2[%dma_wait3A_61] : memref<320000xi32, #tpu.memory_space<hbm>> -> memref<80xi32, #tpu.memory_space<hbm>>
      %dma_wait3A_63 = arith.constant 0 : i32
      %dma_wait3A_64 = tpu.memref_slice %arg2[%dma_wait3A_63] : memref<320000xi32, #tpu.memory_space<hbm>> -> memref<80xi32, #tpu.memory_space<hbm>>
      tpu.wait_dma2 semaphore(%arg11 : memref<!tpu.dma_semaphore, #tpu.memory_space<semaphore_mem>>) src(%dma_wait3A_64 : memref<80xi32, #tpu.memory_space<hbm>>) dst(%arg9 : memref<80xi32, #tpu.memory_space<vmem>>)
      "tpu.region"() ({
        %run_scoped3A = tpu.sem_alloc : memref<!tpu.dma_semaphore, #tpu.memory_space<semaphore_mem>>
        %dma_start3A_76 = arith.constant 0 : i32
        %dma_start3A_77 = arith.constant 0 : i32
        %dma_start3A_78 = tpu.memref_slice %arg7[%dma_start3A_76, %dma_start3A_77] : memref<10008x128xf32, #tpu.memory_space<vmem_shared>> -> memref<10008x128xf32, #tpu.memory_space<vmem_shared>>
        tpu.enqueue_indirect_dma source(%arg6 : memref<80x128xf32, #tpu.memory_space<vmem>>) target(%dma_start3A_78 : memref<10008x128xf32, #tpu.memory_space<vmem_shared>>) offsets(%arg9 : memref<80xi32, #tpu.memory_space<vmem>>) semaphore(%run_scoped3A : memref<!tpu.dma_semaphore, #tpu.memory_space<semaphore_mem>>) {add = true}
        %dma_wait3A_79 = arith.constant 0 : i32
        %dma_wait3A_80 = arith.constant 0 : i32
        %dma_wait3A_81 = tpu.memref_slice %arg7[%dma_wait3A_79, %dma_wait3A_80] : memref<10008x128xf32, #tpu.memory_space<vmem_shared>> -> memref<10008x128xf32, #tpu.memory_space<vmem_shared>>
        tpu.wait_indirect_dma semaphore(%run_scoped3A : memref<!tpu.dma_semaphore, #tpu.memory_space<semaphore_mem>>) src(%arg6 : memref<80x128xf32, #tpu.memory_space<vmem>>) dst(%dma_wait3A_81 : memref<10008x128xf32, #tpu.memory_space<vmem_shared>>)
        tpu.yield
      }) : () -> ()
      %add3A_65 = arith.constant 2 : i32
      %add3A_66 = arith.addi %add3A_45, %add3A_65 : i32
      %mul3A_67 = arith.constant 10000 : i32
      %mul3A_68 = arith.muli %add3A, %mul3A_67 : i32
      %min3A_69 = arith.constant 124 : i32
      %min3A_70 = arith.minsi %add3A_66, %min3A_69 : i32
      %mul3A_71 = arith.constant 80 : i32
      %mul3A_72 = arith.muli %min3A_70, %mul3A_71 : i32
      %add3A_73 = arith.addi %mul3A_68, %mul3A_72 : i32
      %dma_start3A_74 = tpu.memref_slice %arg2[%add3A_73] : memref<320000xi32, #tpu.memory_space<hbm>> -> memref<80xi32, #tpu.memory_space<hbm>>
      %dma_start3A_75 = tpu.memref_slice %arg2[%add3A_73] : memref<320000xi32, #tpu.memory_space<hbm>> -> memref<80xi32, #tpu.memory_space<hbm>>
      tpu.enqueue_dma source(%dma_start3A_75 : memref<80xi32, #tpu.memory_space<hbm>>) target(%arg9 : memref<80xi32, #tpu.memory_space<vmem>>) target_semaphore(%arg11 : memref<!tpu.dma_semaphore, #tpu.memory_space<semaphore_mem>>)
    }
    %scan3A_27 = arith.constant 62 : i32
    %dma_wait3A = arith.constant 0 : i32
    %dma_wait3A_28 = tpu.memref_slice %arg2[%dma_wait3A] : memref<320000xi32, #tpu.memory_space<hbm>> -> memref<80xi32, #tpu.memory_space<hbm>>
    %dma_wait3A_29 = arith.constant 0 : i32
    %dma_wait3A_30 = tpu.memref_slice %arg2[%dma_wait3A_29] : memref<320000xi32, #tpu.memory_space<hbm>> -> memref<80xi32, #tpu.memory_space<hbm>>
    tpu.wait_dma2 semaphore(%arg10 : memref<!tpu.dma_semaphore, #tpu.memory_space<semaphore_mem>>) src(%dma_wait3A_30 : memref<80xi32, #tpu.memory_space<hbm>>) dst(%arg8 : memref<80xi32, #tpu.memory_space<vmem>>)
    "tpu.region"() ({
      %run_scoped3A = tpu.sem_alloc : memref<!tpu.dma_semaphore, #tpu.memory_space<semaphore_mem>>
      %dma_start3A_41 = arith.constant 0 : i32
      %dma_start3A_42 = arith.constant 0 : i32
      %dma_start3A_43 = tpu.memref_slice %arg7[%dma_start3A_41, %dma_start3A_42] : memref<10008x128xf32, #tpu.memory_space<vmem_shared>> -> memref<10008x128xf32, #tpu.memory_space<vmem_shared>>
      tpu.enqueue_indirect_dma source(%arg6 : memref<80x128xf32, #tpu.memory_space<vmem>>) target(%dma_start3A_43 : memref<10008x128xf32, #tpu.memory_space<vmem_shared>>) offsets(%arg8 : memref<80xi32, #tpu.memory_space<vmem>>) semaphore(%run_scoped3A : memref<!tpu.dma_semaphore, #tpu.memory_space<semaphore_mem>>) {add = true}
      %dma_wait3A_44 = arith.constant 0 : i32
      %dma_wait3A_45 = arith.constant 0 : i32
      %dma_wait3A_46 = tpu.memref_slice %arg7[%dma_wait3A_44, %dma_wait3A_45] : memref<10008x128xf32, #tpu.memory_space<vmem_shared>> -> memref<10008x128xf32, #tpu.memory_space<vmem_shared>>
      tpu.wait_indirect_dma semaphore(%run_scoped3A : memref<!tpu.dma_semaphore, #tpu.memory_space<semaphore_mem>>) src(%arg6 : memref<80x128xf32, #tpu.memory_space<vmem>>) dst(%dma_wait3A_46 : memref<10008x128xf32, #tpu.memory_space<vmem_shared>>)
      tpu.yield
    }) : () -> ()
    %dma_wait3A_31 = arith.constant 0 : i32
    %dma_wait3A_32 = tpu.memref_slice %arg2[%dma_wait3A_31] : memref<320000xi32, #tpu.memory_space<hbm>> -> memref<80xi32, #tpu.memory_space<hbm>>
    %dma_wait3A_33 = arith.constant 0 : i32
    %dma_wait3A_34 = tpu.memref_slice %arg2[%dma_wait3A_33] : memref<320000xi32, #tpu.memory_space<hbm>> -> memref<80xi32, #tpu.memory_space<hbm>>
    tpu.wait_dma2 semaphore(%arg11 : memref<!tpu.dma_semaphore, #tpu.memory_space<semaphore_mem>>) src(%dma_wait3A_34 : memref<80xi32, #tpu.memory_space<hbm>>) dst(%arg9 : memref<80xi32, #tpu.memory_space<vmem>>)
    %barrier3A_35 = arith.constant 0 : index
    tpu.barrier barrier_id(%barrier3A_35)
    "tpu.region"() ({
      %run_scoped3A = tpu.sem_alloc : memref<!tpu.dma_semaphore, #tpu.memory_space<semaphore_mem>>
      %dma_start3A_41 = arith.constant 0 : i32
      %dma_start3A_42 = tpu.memref_slice %arg5[%arg0, %mul3A_2, %dma_start3A_41] : memref<2x10000x128xf32, #tpu.memory_space<hbm>> -> memref<1x624x128xf32, #tpu.memory_space<hbm>>
      %dma_start3A_43 = tpu.memref_squeeze %dma_start3A_42 : memref<1x624x128xf32, #tpu.memory_space<hbm>> -> memref<624x128xf32, #tpu.memory_space<hbm>>
      %dma_start3A_44 = arith.constant 0 : i32
      %dma_start3A_45 = tpu.memref_slice %arg7[%mul3A_2, %dma_start3A_44] : memref<10008x128xf32, #tpu.memory_space<vmem_shared>> -> memref<624x128xf32, #tpu.memory_space<vmem_shared>>
      tpu.enqueue_dma source(%dma_start3A_45 : memref<624x128xf32, #tpu.memory_space<vmem_shared>>) target(%dma_start3A_43 : memref<624x128xf32, #tpu.memory_space<hbm>>) target_semaphore(%run_scoped3A : memref<!tpu.dma_semaphore, #tpu.memory_space<semaphore_mem>>)
      %dma_wait3A_46 = arith.constant 0 : i32
      %dma_wait3A_47 = tpu.memref_slice %arg5[%arg0, %mul3A_2, %dma_wait3A_46] : memref<2x10000x128xf32, #tpu.memory_space<hbm>> -> memref<1x624x128xf32, #tpu.memory_space<hbm>>
      %dma_wait3A_48 = tpu.memref_squeeze %dma_wait3A_47 : memref<1x624x128xf32, #tpu.memory_space<hbm>> -> memref<624x128xf32, #tpu.memory_space<hbm>>
      %dma_wait3A_49 = arith.constant 0 : i32
      %dma_wait3A_50 = tpu.memref_slice %arg7[%mul3A_2, %dma_wait3A_49] : memref<10008x128xf32, #tpu.memory_space<vmem_shared>> -> memref<624x128xf32, #tpu.memory_space<vmem_shared>>
      tpu.wait_dma2 semaphore(%run_scoped3A : memref<!tpu.dma_semaphore, #tpu.memory_space<semaphore_mem>>) src(%dma_wait3A_50 : memref<624x128xf32, #tpu.memory_space<vmem_shared>>) dst(%dma_wait3A_48 : memref<624x128xf32, #tpu.memory_space<hbm>>)
      tpu.yield
    }) : () -> ()
    %eq3A_36 = arith.constant 0 : i32
    %eq3A_37 = arith.cmpi eq, %arg1, %eq3A_36 : i32
    %convert_element_type3A_38 = arith.extui %eq3A_37 : i1 to i32
    %cond3A_39 = arith.constant 0 : i32
    %cond3A_40 = arith.cmpi ne, %convert_element_type3A_38, %cond3A_39 : i32
    scf.if %cond3A_40 {
      "tpu.region"() ({
        %run_scoped3A = tpu.sem_alloc : memref<!tpu.dma_semaphore, #tpu.memory_space<semaphore_mem>>
        %dma_start3A_41 = arith.constant 9984 : i32
        %dma_start3A_42 = arith.constant 0 : i32
        %dma_start3A_43 = tpu.memref_slice %arg5[%arg0, %dma_start3A_41, %dma_start3A_42] : memref<2x10000x128xf32, #tpu.memory_space<hbm>> -> memref<1x16x128xf32, #tpu.memory_space<hbm>>
        %dma_start3A_44 = tpu.memref_squeeze %dma_start3A_43 : memref<1x16x128xf32, #tpu.memory_space<hbm>> -> memref<16x128xf32, #tpu.memory_space<hbm>>
        %dma_start3A_45 = arith.constant 9984 : i32
        %dma_start3A_46 = arith.constant 0 : i32
        %dma_start3A_47 = tpu.memref_slice %arg7[%dma_start3A_45, %dma_start3A_46] : memref<10008x128xf32, #tpu.memory_space<vmem_shared>> -> memref<16x128xf32, #tpu.memory_space<vmem_shared>>
        tpu.enqueue_dma source(%dma_start3A_47 : memref<16x128xf32, #tpu.memory_space<vmem_shared>>) target(%dma_start3A_44 : memref<16x128xf32, #tpu.memory_space<hbm>>) target_semaphore(%run_scoped3A : memref<!tpu.dma_semaphore, #tpu.memory_space<semaphore_mem>>)
        %dma_wait3A_48 = arith.constant 9984 : i32
        %dma_wait3A_49 = arith.constant 0 : i32
        %dma_wait3A_50 = tpu.memref_slice %arg5[%arg0, %dma_wait3A_48, %dma_wait3A_49] : memref<2x10000x128xf32, #tpu.memory_space<hbm>> -> memref<1x16x128xf32, #tpu.memory_space<hbm>>
        %dma_wait3A_51 = tpu.memref_squeeze %dma_wait3A_50 : memref<1x16x128xf32, #tpu.memory_space<hbm>> -> memref<16x128xf32, #tpu.memory_space<hbm>>
        %dma_wait3A_52 = arith.constant 9984 : i32
        %dma_wait3A_53 = arith.constant 0 : i32
        %dma_wait3A_54 = tpu.memref_slice %arg7[%dma_wait3A_52, %dma_wait3A_53] : memref<10008x128xf32, #tpu.memory_space<vmem_shared>> -> memref<16x128xf32, #tpu.memory_space<vmem_shared>>
        tpu.wait_dma2 semaphore(%run_scoped3A : memref<!tpu.dma_semaphore, #tpu.memory_space<semaphore_mem>>) src(%dma_wait3A_54 : memref<16x128xf32, #tpu.memory_space<vmem_shared>>) dst(%dma_wait3A_51 : memref<16x128xf32, #tpu.memory_space<hbm>>)
        tpu.yield
      }) : () -> ()
    } else {
    }
    return
  }
}

#map = affine_map<(d0, d1) -> (0, 0)>
#map1 = affine_map<(d0, d1) -> (0)>
#map2 = affine_map<(d0, d1) -> (0, 0, 0)>
module attributes {stable_mosaic.version = 14 : i64} {
  func.func @body(%arg0: i32, %arg1: i32, %arg2: memref<10000x128xf32, #tpu.memory_space<hbm>>, %arg3: memref<320000xi32, #tpu.memory_space<hbm>>, %arg4: memref<320000xi32, #tpu.memory_space<hbm>>, %arg5: memref<10000x128xf32, #tpu.memory_space<hbm>>, %arg6: memref<2x10000x128xf32, #tpu.memory_space<hbm>>, %arg7: memref<80x128xf32, #tpu.memory_space<vmem>>, %arg8: memref<10008x128xf32, #tpu.memory_space<vmem_shared>>, %arg9: memref<!tpu.dma_semaphore, #tpu.memory_space<semaphore_mem>>, %arg10: memref<80x128xf32, #tpu.memory_space<vmem>>, %arg11: memref<!tpu.dma_semaphore, #tpu.memory_space<semaphore_mem>>, %arg12: memref<80xi32, #tpu.memory_space<vmem>>, %arg13: memref<80xi32, #tpu.memory_space<vmem>>, %arg14: memref<80xi32, #tpu.memory_space<vmem>>, %arg15: memref<80xi32, #tpu.memory_space<vmem>>, %arg16: memref<!tpu.dma_semaphore, #tpu.memory_space<semaphore_mem>>, %arg17: memref<!tpu.dma_semaphore, #tpu.memory_space<semaphore_mem>>) attributes {dimension_semantics = [#tpu.dimension_semantics<core_parallel>, #tpu.dimension_semantics<subcore_parallel>], iteration_bounds = array<i64: 2, 16>, scalar_prefetch = 0 : i64, scratch_operands = 11 : i64, tpu.core_type = #tpu.core_type<sc_vector_subcore>, window_params = [{transform_indices = #map}, {transform_indices = #map1}, {transform_indices = #map1}, {transform_indices = #map}, {transform_indices = #map2}]} {
    %mul3A = arith.constant 2 : i32
    %mul3A_0 = arith.muli %arg1, %mul3A : i32
    %add3A = arith.addi %mul3A_0, %arg0 : i32
    %mul3A_1 = arith.constant 624 : i32
    %mul3A_2 = arith.muli %arg1, %mul3A_1 : i32
    "tpu.region"() ({
      %run_scoped3A = tpu.sem_alloc : memref<!tpu.dma_semaphore, #tpu.memory_space<semaphore_mem>>
      %dma_start3A_59 = arith.constant 0 : i32
      %dma_start3A_60 = tpu.memref_slice %arg8[%mul3A_2, %dma_start3A_59] : memref<10008x128xf32, #tpu.memory_space<vmem_shared>> -> memref<624x128xf32, #tpu.memory_space<vmem_shared>>
      %dma_start3A_61 = arith.constant 0 : i32
      %dma_start3A_62 = tpu.memref_slice %arg5[%mul3A_2, %dma_start3A_61] : memref<10000x128xf32, #tpu.memory_space<hbm>> -> memref<624x128xf32, #tpu.memory_space<hbm>>
      tpu.enqueue_dma source(%dma_start3A_62 : memref<624x128xf32, #tpu.memory_space<hbm>>) target(%dma_start3A_60 : memref<624x128xf32, #tpu.memory_space<vmem_shared>>) target_semaphore(%run_scoped3A : memref<!tpu.dma_semaphore, #tpu.memory_space<semaphore_mem>>)
      %dma_wait3A_63 = arith.constant 0 : i32
      %dma_wait3A_64 = tpu.memref_slice %arg8[%mul3A_2, %dma_wait3A_63] : memref<10008x128xf32, #tpu.memory_space<vmem_shared>> -> memref<624x128xf32, #tpu.memory_space<vmem_shared>>
      %dma_wait3A_65 = arith.constant 0 : i32
      %dma_wait3A_66 = tpu.memref_slice %arg5[%mul3A_2, %dma_wait3A_65] : memref<10000x128xf32, #tpu.memory_space<hbm>> -> memref<624x128xf32, #tpu.memory_space<hbm>>
      tpu.wait_dma2 semaphore(%run_scoped3A : memref<!tpu.dma_semaphore, #tpu.memory_space<semaphore_mem>>) src(%dma_wait3A_66 : memref<624x128xf32, #tpu.memory_space<hbm>>) dst(%dma_wait3A_64 : memref<624x128xf32, #tpu.memory_space<vmem_shared>>)
      tpu.yield
    }) : () -> ()
    %eq3A = arith.constant 0 : i32
    %eq3A_3 = arith.cmpi eq, %arg1, %eq3A : i32
    %convert_element_type3A = arith.extui %eq3A_3 : i1 to i32
    %cond3A = arith.constant 0 : i32
    %cond3A_4 = arith.cmpi ne, %convert_element_type3A, %cond3A : i32
    scf.if %cond3A_4 {
      "tpu.region"() ({
        %run_scoped3A = tpu.sem_alloc : memref<!tpu.dma_semaphore, #tpu.memory_space<semaphore_mem>>
        %dma_start3A_59 = arith.constant 9984 : i32
        %dma_start3A_60 = arith.constant 0 : i32
        %dma_start3A_61 = tpu.memref_slice %arg8[%dma_start3A_59, %dma_start3A_60] : memref<10008x128xf32, #tpu.memory_space<vmem_shared>> -> memref<16x128xf32, #tpu.memory_space<vmem_shared>>
        %dma_start3A_62 = arith.constant 9984 : i32
        %dma_start3A_63 = arith.constant 0 : i32
        %dma_start3A_64 = tpu.memref_slice %arg5[%dma_start3A_62, %dma_start3A_63] : memref<10000x128xf32, #tpu.memory_space<hbm>> -> memref<16x128xf32, #tpu.memory_space<hbm>>
        tpu.enqueue_dma source(%dma_start3A_64 : memref<16x128xf32, #tpu.memory_space<hbm>>) target(%dma_start3A_61 : memref<16x128xf32, #tpu.memory_space<vmem_shared>>) target_semaphore(%run_scoped3A : memref<!tpu.dma_semaphore, #tpu.memory_space<semaphore_mem>>)
        %dma_wait3A_65 = arith.constant 9984 : i32
        %dma_wait3A_66 = arith.constant 0 : i32
        %dma_wait3A_67 = tpu.memref_slice %arg8[%dma_wait3A_65, %dma_wait3A_66] : memref<10008x128xf32, #tpu.memory_space<vmem_shared>> -> memref<16x128xf32, #tpu.memory_space<vmem_shared>>
        %dma_wait3A_68 = arith.constant 9984 : i32
        %dma_wait3A_69 = arith.constant 0 : i32
        %dma_wait3A_70 = tpu.memref_slice %arg5[%dma_wait3A_68, %dma_wait3A_69] : memref<10000x128xf32, #tpu.memory_space<hbm>> -> memref<16x128xf32, #tpu.memory_space<hbm>>
        tpu.wait_dma2 semaphore(%run_scoped3A : memref<!tpu.dma_semaphore, #tpu.memory_space<semaphore_mem>>) src(%dma_wait3A_70 : memref<16x128xf32, #tpu.memory_space<hbm>>) dst(%dma_wait3A_67 : memref<16x128xf32, #tpu.memory_space<vmem_shared>>)
        tpu.yield
      }) : () -> ()
    } else {
    }
    %barrier3A = arith.constant 0 : index
    tpu.barrier barrier_id(%barrier3A)
    %mul3A_5 = arith.constant 10000 : i32
    %mul3A_6 = arith.muli %add3A, %mul3A_5 : i32
    %min3A = arith.constant 0 : i32
    %min3A_7 = arith.constant 124 : i32
    %min3A_8 = arith.minsi %min3A, %min3A_7 : i32
    %mul3A_9 = arith.constant 80 : i32
    %mul3A_10 = arith.muli %min3A_8, %mul3A_9 : i32
    %add3A_11 = arith.addi %mul3A_6, %mul3A_10 : i32
    %dma_start3A = tpu.memref_slice %arg3[%add3A_11] : memref<320000xi32, #tpu.memory_space<hbm>> -> memref<80xi32, #tpu.memory_space<hbm>>
    %dma_start3A_12 = tpu.memref_slice %arg3[%add3A_11] : memref<320000xi32, #tpu.memory_space<hbm>> -> memref<80xi32, #tpu.memory_space<hbm>>
    tpu.enqueue_dma source(%dma_start3A_12 : memref<80xi32, #tpu.memory_space<hbm>>) target(%arg12 : memref<80xi32, #tpu.memory_space<vmem>>) target_semaphore(%arg16 : memref<!tpu.dma_semaphore, #tpu.memory_space<semaphore_mem>>)
    %dma_start3A_13 = tpu.memref_slice %arg4[%add3A_11] : memref<320000xi32, #tpu.memory_space<hbm>> -> memref<80xi32, #tpu.memory_space<hbm>>
    %dma_start3A_14 = tpu.memref_slice %arg4[%add3A_11] : memref<320000xi32, #tpu.memory_space<hbm>> -> memref<80xi32, #tpu.memory_space<hbm>>
    tpu.enqueue_dma source(%dma_start3A_14 : memref<80xi32, #tpu.memory_space<hbm>>) target(%arg13 : memref<80xi32, #tpu.memory_space<vmem>>) target_semaphore(%arg16 : memref<!tpu.dma_semaphore, #tpu.memory_space<semaphore_mem>>)
    %dma_wait3A = arith.constant 0 : i32
    %dma_wait3A_15 = tpu.memref_slice %arg3[%dma_wait3A] : memref<320000xi32, #tpu.memory_space<hbm>> -> memref<80xi32, #tpu.memory_space<hbm>>
    %dma_wait3A_16 = arith.constant 0 : i32
    %dma_wait3A_17 = tpu.memref_slice %arg3[%dma_wait3A_16] : memref<320000xi32, #tpu.memory_space<hbm>> -> memref<80xi32, #tpu.memory_space<hbm>>
    tpu.wait_dma2 semaphore(%arg16 : memref<!tpu.dma_semaphore, #tpu.memory_space<semaphore_mem>>) src(%dma_wait3A_17 : memref<80xi32, #tpu.memory_space<hbm>>) dst(%arg12 : memref<80xi32, #tpu.memory_space<vmem>>)
    %dma_wait3A_18 = arith.constant 0 : i32
    %dma_wait3A_19 = tpu.memref_slice %arg4[%dma_wait3A_18] : memref<320000xi32, #tpu.memory_space<hbm>> -> memref<80xi32, #tpu.memory_space<hbm>>
    %dma_wait3A_20 = arith.constant 0 : i32
    %dma_wait3A_21 = tpu.memref_slice %arg4[%dma_wait3A_20] : memref<320000xi32, #tpu.memory_space<hbm>> -> memref<80xi32, #tpu.memory_space<hbm>>
    tpu.wait_dma2 semaphore(%arg16 : memref<!tpu.dma_semaphore, #tpu.memory_space<semaphore_mem>>) src(%dma_wait3A_21 : memref<80xi32, #tpu.memory_space<hbm>>) dst(%arg13 : memref<80xi32, #tpu.memory_space<vmem>>)
    %dma_start3A_22 = arith.constant 0 : i32
    %dma_start3A_23 = arith.constant 0 : i32
    %dma_start3A_24 = tpu.memref_slice %arg2[%dma_start3A_22, %dma_start3A_23] : memref<10000x128xf32, #tpu.memory_space<hbm>> -> memref<10000x128xf32, #tpu.memory_space<hbm>>
    tpu.enqueue_indirect_dma source(%dma_start3A_24 : memref<10000x128xf32, #tpu.memory_space<hbm>>) target(%arg7 : memref<80x128xf32, #tpu.memory_space<vmem>>) offsets(%arg12 : memref<80xi32, #tpu.memory_space<vmem>>) semaphore(%arg9 : memref<!tpu.dma_semaphore, #tpu.memory_space<semaphore_mem>>)
    %mul3A_25 = arith.constant 10000 : i32
    %mul3A_26 = arith.muli %add3A, %mul3A_25 : i32
    %min3A_27 = arith.constant 1 : i32
    %min3A_28 = arith.constant 124 : i32
    %min3A_29 = arith.minsi %min3A_27, %min3A_28 : i32
    %mul3A_30 = arith.constant 80 : i32
    %mul3A_31 = arith.muli %min3A_29, %mul3A_30 : i32
    %add3A_32 = arith.addi %mul3A_26, %mul3A_31 : i32
    %dma_start3A_33 = tpu.memref_slice %arg3[%add3A_32] : memref<320000xi32, #tpu.memory_space<hbm>> -> memref<80xi32, #tpu.memory_space<hbm>>
    %dma_start3A_34 = tpu.memref_slice %arg3[%add3A_32] : memref<320000xi32, #tpu.memory_space<hbm>> -> memref<80xi32, #tpu.memory_space<hbm>>
    tpu.enqueue_dma source(%dma_start3A_34 : memref<80xi32, #tpu.memory_space<hbm>>) target(%arg14 : memref<80xi32, #tpu.memory_space<vmem>>) target_semaphore(%arg17 : memref<!tpu.dma_semaphore, #tpu.memory_space<semaphore_mem>>)
    %dma_start3A_35 = tpu.memref_slice %arg4[%add3A_32] : memref<320000xi32, #tpu.memory_space<hbm>> -> memref<80xi32, #tpu.memory_space<hbm>>
    %dma_start3A_36 = tpu.memref_slice %arg4[%add3A_32] : memref<320000xi32, #tpu.memory_space<hbm>> -> memref<80xi32, #tpu.memory_space<hbm>>
    tpu.enqueue_dma source(%dma_start3A_36 : memref<80xi32, #tpu.memory_space<hbm>>) target(%arg15 : memref<80xi32, #tpu.memory_space<vmem>>) target_semaphore(%arg17 : memref<!tpu.dma_semaphore, #tpu.memory_space<semaphore_mem>>)
    %scan3A = arith.constant 0 : i32
    %scan3A_37 = arith.constant 0 : i32
    %scan3A_38 = arith.constant 62 : i32
    %scan3A_39 = arith.addi %scan3A_37, %scan3A_38 : i32
    %scan3A_40 = arith.constant 1 : i32
    scf.for %scan3A_59 = %scan3A_37 to %scan3A_39 step %scan3A_40  : i32 {
      %mul3A_60 = arith.constant 2 : i32
      %mul3A_61 = arith.muli %mul3A_60, %scan3A_59 : i32
      %add3A_62 = arith.constant 1 : i32
      %add3A_63 = arith.addi %mul3A_61, %add3A_62 : i32
      %dma_wait3A_64 = arith.constant 0 : i32
      %dma_wait3A_65 = tpu.memref_slice %arg3[%dma_wait3A_64] : memref<320000xi32, #tpu.memory_space<hbm>> -> memref<80xi32, #tpu.memory_space<hbm>>
      %dma_wait3A_66 = arith.constant 0 : i32
      %dma_wait3A_67 = tpu.memref_slice %arg3[%dma_wait3A_66] : memref<320000xi32, #tpu.memory_space<hbm>> -> memref<80xi32, #tpu.memory_space<hbm>>
      tpu.wait_dma2 semaphore(%arg17 : memref<!tpu.dma_semaphore, #tpu.memory_space<semaphore_mem>>) src(%dma_wait3A_67 : memref<80xi32, #tpu.memory_space<hbm>>) dst(%arg14 : memref<80xi32, #tpu.memory_space<vmem>>)
      %dma_wait3A_68 = arith.constant 0 : i32
      %dma_wait3A_69 = tpu.memref_slice %arg4[%dma_wait3A_68] : memref<320000xi32, #tpu.memory_space<hbm>> -> memref<80xi32, #tpu.memory_space<hbm>>
      %dma_wait3A_70 = arith.constant 0 : i32
      %dma_wait3A_71 = tpu.memref_slice %arg4[%dma_wait3A_70] : memref<320000xi32, #tpu.memory_space<hbm>> -> memref<80xi32, #tpu.memory_space<hbm>>
      tpu.wait_dma2 semaphore(%arg17 : memref<!tpu.dma_semaphore, #tpu.memory_space<semaphore_mem>>) src(%dma_wait3A_71 : memref<80xi32, #tpu.memory_space<hbm>>) dst(%arg15 : memref<80xi32, #tpu.memory_space<vmem>>)
      %dma_start3A_72 = arith.constant 0 : i32
      %dma_start3A_73 = arith.constant 0 : i32
      %dma_start3A_74 = tpu.memref_slice %arg2[%dma_start3A_72, %dma_start3A_73] : memref<10000x128xf32, #tpu.memory_space<hbm>> -> memref<10000x128xf32, #tpu.memory_space<hbm>>
      tpu.enqueue_indirect_dma source(%dma_start3A_74 : memref<10000x128xf32, #tpu.memory_space<hbm>>) target(%arg10 : memref<80x128xf32, #tpu.memory_space<vmem>>) offsets(%arg14 : memref<80xi32, #tpu.memory_space<vmem>>) semaphore(%arg11 : memref<!tpu.dma_semaphore, #tpu.memory_space<semaphore_mem>>)
      %dma_wait3A_75 = arith.constant 0 : i32
      %dma_wait3A_76 = arith.constant 0 : i32
      %dma_wait3A_77 = tpu.memref_slice %arg2[%dma_wait3A_75, %dma_wait3A_76] : memref<10000x128xf32, #tpu.memory_space<hbm>> -> memref<10000x128xf32, #tpu.memory_space<hbm>>
      tpu.wait_indirect_dma semaphore(%arg9 : memref<!tpu.dma_semaphore, #tpu.memory_space<semaphore_mem>>) src(%dma_wait3A_77 : memref<10000x128xf32, #tpu.memory_space<hbm>>) dst(%arg7 : memref<80x128xf32, #tpu.memory_space<vmem>>)
      "tpu.region"() ({
        %run_scoped3A = tpu.sem_alloc : memref<!tpu.dma_semaphore, #tpu.memory_space<semaphore_mem>>
        %dma_start3A_118 = arith.constant 0 : i32
        %dma_start3A_119 = arith.constant 0 : i32
        %dma_start3A_120 = tpu.memref_slice %arg8[%dma_start3A_118, %dma_start3A_119] : memref<10008x128xf32, #tpu.memory_space<vmem_shared>> -> memref<10008x128xf32, #tpu.memory_space<vmem_shared>>
        tpu.enqueue_indirect_dma source(%arg7 : memref<80x128xf32, #tpu.memory_space<vmem>>) target(%dma_start3A_120 : memref<10008x128xf32, #tpu.memory_space<vmem_shared>>) offsets(%arg13 : memref<80xi32, #tpu.memory_space<vmem>>) semaphore(%run_scoped3A : memref<!tpu.dma_semaphore, #tpu.memory_space<semaphore_mem>>) {add = true}
        %dma_wait3A_121 = arith.constant 0 : i32
        %dma_wait3A_122 = arith.constant 0 : i32
        %dma_wait3A_123 = tpu.memref_slice %arg8[%dma_wait3A_121, %dma_wait3A_122] : memref<10008x128xf32, #tpu.memory_space<vmem_shared>> -> memref<10008x128xf32, #tpu.memory_space<vmem_shared>>
        tpu.wait_indirect_dma semaphore(%run_scoped3A : memref<!tpu.dma_semaphore, #tpu.memory_space<semaphore_mem>>) src(%arg7 : memref<80x128xf32, #tpu.memory_space<vmem>>) dst(%dma_wait3A_123 : memref<10008x128xf32, #tpu.memory_space<vmem_shared>>)
        tpu.yield
      }) : () -> ()
      %add3A_78 = arith.constant 1 : i32
      %add3A_79 = arith.addi %add3A_63, %add3A_78 : i32
      %mul3A_80 = arith.constant 10000 : i32
      %mul3A_81 = arith.muli %add3A, %mul3A_80 : i32
      %min3A_82 = arith.constant 124 : i32
      %min3A_83 = arith.minsi %add3A_79, %min3A_82 : i32
      %mul3A_84 = arith.constant 80 : i32
      %mul3A_85 = arith.muli %min3A_83, %mul3A_84 : i32
      %add3A_86 = arith.addi %mul3A_81, %mul3A_85 : i32
      %dma_start3A_87 = tpu.memref_slice %arg3[%add3A_86] : memref<320000xi32, #tpu.memory_space<hbm>> -> memref<80xi32, #tpu.memory_space<hbm>>
      %dma_start3A_88 = tpu.memref_slice %arg3[%add3A_86] : memref<320000xi32, #tpu.memory_space<hbm>> -> memref<80xi32, #tpu.memory_space<hbm>>
      tpu.enqueue_dma source(%dma_start3A_88 : memref<80xi32, #tpu.memory_space<hbm>>) target(%arg12 : memref<80xi32, #tpu.memory_space<vmem>>) target_semaphore(%arg16 : memref<!tpu.dma_semaphore, #tpu.memory_space<semaphore_mem>>)
      %dma_start3A_89 = tpu.memref_slice %arg4[%add3A_86] : memref<320000xi32, #tpu.memory_space<hbm>> -> memref<80xi32, #tpu.memory_space<hbm>>
      %dma_start3A_90 = tpu.memref_slice %arg4[%add3A_86] : memref<320000xi32, #tpu.memory_space<hbm>> -> memref<80xi32, #tpu.memory_space<hbm>>
      tpu.enqueue_dma source(%dma_start3A_90 : memref<80xi32, #tpu.memory_space<hbm>>) target(%arg13 : memref<80xi32, #tpu.memory_space<vmem>>) target_semaphore(%arg16 : memref<!tpu.dma_semaphore, #tpu.memory_space<semaphore_mem>>)
      %dma_wait3A_91 = arith.constant 0 : i32
      %dma_wait3A_92 = tpu.memref_slice %arg3[%dma_wait3A_91] : memref<320000xi32, #tpu.memory_space<hbm>> -> memref<80xi32, #tpu.memory_space<hbm>>
      %dma_wait3A_93 = arith.constant 0 : i32
      %dma_wait3A_94 = tpu.memref_slice %arg3[%dma_wait3A_93] : memref<320000xi32, #tpu.memory_space<hbm>> -> memref<80xi32, #tpu.memory_space<hbm>>
      tpu.wait_dma2 semaphore(%arg16 : memref<!tpu.dma_semaphore, #tpu.memory_space<semaphore_mem>>) src(%dma_wait3A_94 : memref<80xi32, #tpu.memory_space<hbm>>) dst(%arg12 : memref<80xi32, #tpu.memory_space<vmem>>)
      %dma_wait3A_95 = arith.constant 0 : i32
      %dma_wait3A_96 = tpu.memref_slice %arg4[%dma_wait3A_95] : memref<320000xi32, #tpu.memory_space<hbm>> -> memref<80xi32, #tpu.memory_space<hbm>>
      %dma_wait3A_97 = arith.constant 0 : i32
      %dma_wait3A_98 = tpu.memref_slice %arg4[%dma_wait3A_97] : memref<320000xi32, #tpu.memory_space<hbm>> -> memref<80xi32, #tpu.memory_space<hbm>>
      tpu.wait_dma2 semaphore(%arg16 : memref<!tpu.dma_semaphore, #tpu.memory_space<semaphore_mem>>) src(%dma_wait3A_98 : memref<80xi32, #tpu.memory_space<hbm>>) dst(%arg13 : memref<80xi32, #tpu.memory_space<vmem>>)
      %dma_start3A_99 = arith.constant 0 : i32
      %dma_start3A_100 = arith.constant 0 : i32
      %dma_start3A_101 = tpu.memref_slice %arg2[%dma_start3A_99, %dma_start3A_100] : memref<10000x128xf32, #tpu.memory_space<hbm>> -> memref<10000x128xf32, #tpu.memory_space<hbm>>
      tpu.enqueue_indirect_dma source(%dma_start3A_101 : memref<10000x128xf32, #tpu.memory_space<hbm>>) target(%arg7 : memref<80x128xf32, #tpu.memory_space<vmem>>) offsets(%arg12 : memref<80xi32, #tpu.memory_space<vmem>>) semaphore(%arg9 : memref<!tpu.dma_semaphore, #tpu.memory_space<semaphore_mem>>)
      %dma_wait3A_102 = arith.constant 0 : i32
      %dma_wait3A_103 = arith.constant 0 : i32
      %dma_wait3A_104 = tpu.memref_slice %arg2[%dma_wait3A_102, %dma_wait3A_103] : memref<10000x128xf32, #tpu.memory_space<hbm>> -> memref<10000x128xf32, #tpu.memory_space<hbm>>
      tpu.wait_indirect_dma semaphore(%arg11 : memref<!tpu.dma_semaphore, #tpu.memory_space<semaphore_mem>>) src(%dma_wait3A_104 : memref<10000x128xf32, #tpu.memory_space<hbm>>) dst(%arg10 : memref<80x128xf32, #tpu.memory_space<vmem>>)
      "tpu.region"() ({
        %run_scoped3A = tpu.sem_alloc : memref<!tpu.dma_semaphore, #tpu.memory_space<semaphore_mem>>
        %dma_start3A_118 = arith.constant 0 : i32
        %dma_start3A_119 = arith.constant 0 : i32
        %dma_start3A_120 = tpu.memref_slice %arg8[%dma_start3A_118, %dma_start3A_119] : memref<10008x128xf32, #tpu.memory_space<vmem_shared>> -> memref<10008x128xf32, #tpu.memory_space<vmem_shared>>
        tpu.enqueue_indirect_dma source(%arg10 : memref<80x128xf32, #tpu.memory_space<vmem>>) target(%dma_start3A_120 : memref<10008x128xf32, #tpu.memory_space<vmem_shared>>) offsets(%arg15 : memref<80xi32, #tpu.memory_space<vmem>>) semaphore(%run_scoped3A : memref<!tpu.dma_semaphore, #tpu.memory_space<semaphore_mem>>) {add = true}
        %dma_wait3A_121 = arith.constant 0 : i32
        %dma_wait3A_122 = arith.constant 0 : i32
        %dma_wait3A_123 = tpu.memref_slice %arg8[%dma_wait3A_121, %dma_wait3A_122] : memref<10008x128xf32, #tpu.memory_space<vmem_shared>> -> memref<10008x128xf32, #tpu.memory_space<vmem_shared>>
        tpu.wait_indirect_dma semaphore(%run_scoped3A : memref<!tpu.dma_semaphore, #tpu.memory_space<semaphore_mem>>) src(%arg10 : memref<80x128xf32, #tpu.memory_space<vmem>>) dst(%dma_wait3A_123 : memref<10008x128xf32, #tpu.memory_space<vmem_shared>>)
        tpu.yield
      }) : () -> ()
      %add3A_105 = arith.constant 2 : i32
      %add3A_106 = arith.addi %add3A_63, %add3A_105 : i32
      %mul3A_107 = arith.constant 10000 : i32
      %mul3A_108 = arith.muli %add3A, %mul3A_107 : i32
      %min3A_109 = arith.constant 124 : i32
      %min3A_110 = arith.minsi %add3A_106, %min3A_109 : i32
      %mul3A_111 = arith.constant 80 : i32
      %mul3A_112 = arith.muli %min3A_110, %mul3A_111 : i32
      %add3A_113 = arith.addi %mul3A_108, %mul3A_112 : i32
      %dma_start3A_114 = tpu.memref_slice %arg3[%add3A_113] : memref<320000xi32, #tpu.memory_space<hbm>> -> memref<80xi32, #tpu.memory_space<hbm>>
      %dma_start3A_115 = tpu.memref_slice %arg3[%add3A_113] : memref<320000xi32, #tpu.memory_space<hbm>> -> memref<80xi32, #tpu.memory_space<hbm>>
      tpu.enqueue_dma source(%dma_start3A_115 : memref<80xi32, #tpu.memory_space<hbm>>) target(%arg14 : memref<80xi32, #tpu.memory_space<vmem>>) target_semaphore(%arg17 : memref<!tpu.dma_semaphore, #tpu.memory_space<semaphore_mem>>)
      %dma_start3A_116 = tpu.memref_slice %arg4[%add3A_113] : memref<320000xi32, #tpu.memory_space<hbm>> -> memref<80xi32, #tpu.memory_space<hbm>>
      %dma_start3A_117 = tpu.memref_slice %arg4[%add3A_113] : memref<320000xi32, #tpu.memory_space<hbm>> -> memref<80xi32, #tpu.memory_space<hbm>>
      tpu.enqueue_dma source(%dma_start3A_117 : memref<80xi32, #tpu.memory_space<hbm>>) target(%arg15 : memref<80xi32, #tpu.memory_space<vmem>>) target_semaphore(%arg17 : memref<!tpu.dma_semaphore, #tpu.memory_space<semaphore_mem>>)
    }
    %scan3A_41 = arith.constant 62 : i32
    %dma_wait3A_42 = arith.constant 0 : i32
    %dma_wait3A_43 = tpu.memref_slice %arg3[%dma_wait3A_42] : memref<320000xi32, #tpu.memory_space<hbm>> -> memref<80xi32, #tpu.memory_space<hbm>>
    %dma_wait3A_44 = arith.constant 0 : i32
    %dma_wait3A_45 = tpu.memref_slice %arg3[%dma_wait3A_44] : memref<320000xi32, #tpu.memory_space<hbm>> -> memref<80xi32, #tpu.memory_space<hbm>>
    tpu.wait_dma2 semaphore(%arg17 : memref<!tpu.dma_semaphore, #tpu.memory_space<semaphore_mem>>) src(%dma_wait3A_45 : memref<80xi32, #tpu.memory_space<hbm>>) dst(%arg14 : memref<80xi32, #tpu.memory_space<vmem>>)
    %dma_wait3A_46 = arith.constant 0 : i32
    %dma_wait3A_47 = tpu.memref_slice %arg4[%dma_wait3A_46] : memref<320000xi32, #tpu.memory_space<hbm>> -> memref<80xi32, #tpu.memory_space<hbm>>
    %dma_wait3A_48 = arith.constant 0 : i32
    %dma_wait3A_49 = tpu.memref_slice %arg4[%dma_wait3A_48] : memref<320000xi32, #tpu.memory_space<hbm>> -> memref<80xi32, #tpu.memory_space<hbm>>
    tpu.wait_dma2 semaphore(%arg17 : memref<!tpu.dma_semaphore, #tpu.memory_space<semaphore_mem>>) src(%dma_wait3A_49 : memref<80xi32, #tpu.memory_space<hbm>>) dst(%arg15 : memref<80xi32, #tpu.memory_space<vmem>>)
    %dma_wait3A_50 = arith.constant 0 : i32
    %dma_wait3A_51 = arith.constant 0 : i32
    %dma_wait3A_52 = tpu.memref_slice %arg2[%dma_wait3A_50, %dma_wait3A_51] : memref<10000x128xf32, #tpu.memory_space<hbm>> -> memref<10000x128xf32, #tpu.memory_space<hbm>>
    tpu.wait_indirect_dma semaphore(%arg9 : memref<!tpu.dma_semaphore, #tpu.memory_space<semaphore_mem>>) src(%dma_wait3A_52 : memref<10000x128xf32, #tpu.memory_space<hbm>>) dst(%arg7 : memref<80x128xf32, #tpu.memory_space<vmem>>)
    "tpu.region"() ({
      %run_scoped3A = tpu.sem_alloc : memref<!tpu.dma_semaphore, #tpu.memory_space<semaphore_mem>>
      %dma_start3A_59 = arith.constant 0 : i32
      %dma_start3A_60 = arith.constant 0 : i32
      %dma_start3A_61 = tpu.memref_slice %arg8[%dma_start3A_59, %dma_start3A_60] : memref<10008x128xf32, #tpu.memory_space<vmem_shared>> -> memref<10008x128xf32, #tpu.memory_space<vmem_shared>>
      tpu.enqueue_indirect_dma source(%arg7 : memref<80x128xf32, #tpu.memory_space<vmem>>) target(%dma_start3A_61 : memref<10008x128xf32, #tpu.memory_space<vmem_shared>>) offsets(%arg13 : memref<80xi32, #tpu.memory_space<vmem>>) semaphore(%run_scoped3A : memref<!tpu.dma_semaphore, #tpu.memory_space<semaphore_mem>>) {add = true}
      %dma_wait3A_62 = arith.constant 0 : i32
      %dma_wait3A_63 = arith.constant 0 : i32
      %dma_wait3A_64 = tpu.memref_slice %arg8[%dma_wait3A_62, %dma_wait3A_63] : memref<10008x128xf32, #tpu.memory_space<vmem_shared>> -> memref<10008x128xf32, #tpu.memory_space<vmem_shared>>
      tpu.wait_indirect_dma semaphore(%run_scoped3A : memref<!tpu.dma_semaphore, #tpu.memory_space<semaphore_mem>>) src(%arg7 : memref<80x128xf32, #tpu.memory_space<vmem>>) dst(%dma_wait3A_64 : memref<10008x128xf32, #tpu.memory_space<vmem_shared>>)
      tpu.yield
    }) : () -> ()
    %barrier3A_53 = arith.constant 0 : index
    tpu.barrier barrier_id(%barrier3A_53)
    "tpu.region"() ({
      %run_scoped3A = tpu.sem_alloc : memref<!tpu.dma_semaphore, #tpu.memory_space<semaphore_mem>>
      %dma_start3A_59 = arith.constant 0 : i32
      %dma_start3A_60 = tpu.memref_slice %arg6[%arg0, %mul3A_2, %dma_start3A_59] : memref<2x10000x128xf32, #tpu.memory_space<hbm>> -> memref<1x624x128xf32, #tpu.memory_space<hbm>>
      %dma_start3A_61 = tpu.memref_squeeze %dma_start3A_60 : memref<1x624x128xf32, #tpu.memory_space<hbm>> -> memref<624x128xf32, #tpu.memory_space<hbm>>
      %dma_start3A_62 = arith.constant 0 : i32
      %dma_start3A_63 = tpu.memref_slice %arg8[%mul3A_2, %dma_start3A_62] : memref<10008x128xf32, #tpu.memory_space<vmem_shared>> -> memref<624x128xf32, #tpu.memory_space<vmem_shared>>
      tpu.enqueue_dma source(%dma_start3A_63 : memref<624x128xf32, #tpu.memory_space<vmem_shared>>) target(%dma_start3A_61 : memref<624x128xf32, #tpu.memory_space<hbm>>) target_semaphore(%run_scoped3A : memref<!tpu.dma_semaphore, #tpu.memory_space<semaphore_mem>>)
      %dma_wait3A_64 = arith.constant 0 : i32
      %dma_wait3A_65 = tpu.memref_slice %arg6[%arg0, %mul3A_2, %dma_wait3A_64] : memref<2x10000x128xf32, #tpu.memory_space<hbm>> -> memref<1x624x128xf32, #tpu.memory_space<hbm>>
      %dma_wait3A_66 = tpu.memref_squeeze %dma_wait3A_65 : memref<1x624x128xf32, #tpu.memory_space<hbm>> -> memref<624x128xf32, #tpu.memory_space<hbm>>
      %dma_wait3A_67 = arith.constant 0 : i32
      %dma_wait3A_68 = tpu.memref_slice %arg8[%mul3A_2, %dma_wait3A_67] : memref<10008x128xf32, #tpu.memory_space<vmem_shared>> -> memref<624x128xf32, #tpu.memory_space<vmem_shared>>
      tpu.wait_dma2 semaphore(%run_scoped3A : memref<!tpu.dma_semaphore, #tpu.memory_space<semaphore_mem>>) src(%dma_wait3A_68 : memref<624x128xf32, #tpu.memory_space<vmem_shared>>) dst(%dma_wait3A_66 : memref<624x128xf32, #tpu.memory_space<hbm>>)
      tpu.yield
    }) : () -> ()
    %eq3A_54 = arith.constant 0 : i32
    %eq3A_55 = arith.cmpi eq, %arg1, %eq3A_54 : i32
    %convert_element_type3A_56 = arith.extui %eq3A_55 : i1 to i32
    %cond3A_57 = arith.constant 0 : i32
    %cond3A_58 = arith.cmpi ne, %convert_element_type3A_56, %cond3A_57 : i32
    scf.if %cond3A_58 {
      "tpu.region"() ({
        %run_scoped3A = tpu.sem_alloc : memref<!tpu.dma_semaphore, #tpu.memory_space<semaphore_mem>>
        %dma_start3A_59 = arith.constant 9984 : i32
        %dma_start3A_60 = arith.constant 0 : i32
        %dma_start3A_61 = tpu.memref_slice %arg6[%arg0, %dma_start3A_59, %dma_start3A_60] : memref<2x10000x128xf32, #tpu.memory_space<hbm>> -> memref<1x16x128xf32, #tpu.memory_space<hbm>>
        %dma_start3A_62 = tpu.memref_squeeze %dma_start3A_61 : memref<1x16x128xf32, #tpu.memory_space<hbm>> -> memref<16x128xf32, #tpu.memory_space<hbm>>
        %dma_start3A_63 = arith.constant 9984 : i32
        %dma_start3A_64 = arith.constant 0 : i32
        %dma_start3A_65 = tpu.memref_slice %arg8[%dma_start3A_63, %dma_start3A_64] : memref<10008x128xf32, #tpu.memory_space<vmem_shared>> -> memref<16x128xf32, #tpu.memory_space<vmem_shared>>
        tpu.enqueue_dma source(%dma_start3A_65 : memref<16x128xf32, #tpu.memory_space<vmem_shared>>) target(%dma_start3A_62 : memref<16x128xf32, #tpu.memory_space<hbm>>) target_semaphore(%run_scoped3A : memref<!tpu.dma_semaphore, #tpu.memory_space<semaphore_mem>>)
        %dma_wait3A_66 = arith.constant 9984 : i32
        %dma_wait3A_67 = arith.constant 0 : i32
        %dma_wait3A_68 = tpu.memref_slice %arg6[%arg0, %dma_wait3A_66, %dma_wait3A_67] : memref<2x10000x128xf32, #tpu.memory_space<hbm>> -> memref<1x16x128xf32, #tpu.memory_space<hbm>>
        %dma_wait3A_69 = tpu.memref_squeeze %dma_wait3A_68 : memref<1x16x128xf32, #tpu.memory_space<hbm>> -> memref<16x128xf32, #tpu.memory_space<hbm>>
        %dma_wait3A_70 = arith.constant 9984 : i32
        %dma_wait3A_71 = arith.constant 0 : i32
        %dma_wait3A_72 = tpu.memref_slice %arg8[%dma_wait3A_70, %dma_wait3A_71] : memref<10008x128xf32, #tpu.memory_space<vmem_shared>> -> memref<16x128xf32, #tpu.memory_space<vmem_shared>>
        tpu.wait_dma2 semaphore(%run_scoped3A : memref<!tpu.dma_semaphore, #tpu.memory_space<semaphore_mem>>) src(%dma_wait3A_72 : memref<16x128xf32, #tpu.memory_space<vmem_shared>>) dst(%dma_wait3A_69 : memref<16x128xf32, #tpu.memory_space<hbm>>)
        tpu.yield
      }) : () -> ()
    } else {
    }
    return
  }
}

#map = affine_map<(d0, d1) -> (0, 0)>
#map1 = affine_map<(d0, d1) -> (0)>
#map2 = affine_map<(d0, d1) -> (0, 0, 0)>
module attributes {stable_mosaic.version = 14 : i64} {
  func.func @body(%arg0: i32, %arg1: i32, %arg2: memref<10000x128xf32, #tpu.memory_space<hbm>>, %arg3: memref<320000xi32, #tpu.memory_space<hbm>>, %arg4: memref<320000xi32, #tpu.memory_space<hbm>>, %arg5: memref<10000x128xf32, #tpu.memory_space<hbm>>, %arg6: memref<2x10000x128xf32, #tpu.memory_space<hbm>>, %arg7: memref<80x128xf32, #tpu.memory_space<vmem>>, %arg8: memref<10008x128xf32, #tpu.memory_space<vmem_shared>>, %arg9: memref<!tpu.dma_semaphore, #tpu.memory_space<semaphore_mem>>, %arg10: memref<80x128xf32, #tpu.memory_space<vmem>>, %arg11: memref<!tpu.dma_semaphore, #tpu.memory_space<semaphore_mem>>, %arg12: memref<80xi32, #tpu.memory_space<vmem>>, %arg13: memref<80xi32, #tpu.memory_space<vmem>>, %arg14: memref<80xi32, #tpu.memory_space<vmem>>, %arg15: memref<80xi32, #tpu.memory_space<vmem>>, %arg16: memref<!tpu.dma_semaphore, #tpu.memory_space<semaphore_mem>>, %arg17: memref<!tpu.dma_semaphore, #tpu.memory_space<semaphore_mem>>) attributes {dimension_semantics = [#tpu.dimension_semantics<core_parallel>, #tpu.dimension_semantics<subcore_parallel>], iteration_bounds = array<i64: 2, 16>, scalar_prefetch = 0 : i64, scratch_operands = 11 : i64, tpu.core_type = #tpu.core_type<sc_vector_subcore>, window_params = [{transform_indices = #map}, {transform_indices = #map1}, {transform_indices = #map1}, {transform_indices = #map}, {transform_indices = #map2}]} {
    %mul3A = arith.constant 2 : i32
    %mul3A_0 = arith.muli %arg1, %mul3A : i32
    %add3A = arith.addi %mul3A_0, %arg0 : i32
    %mul3A_1 = arith.constant 624 : i32
    %mul3A_2 = arith.muli %arg1, %mul3A_1 : i32
    "tpu.region"() ({
      %run_scoped3A = tpu.sem_alloc : memref<!tpu.dma_semaphore, #tpu.memory_space<semaphore_mem>>
      %dma_start3A_59 = arith.constant 0 : i32
      %dma_start3A_60 = tpu.memref_slice %arg8[%mul3A_2, %dma_start3A_59] : memref<10008x128xf32, #tpu.memory_space<vmem_shared>> -> memref<624x128xf32, #tpu.memory_space<vmem_shared>>
      %dma_start3A_61 = arith.constant 0 : i32
      %dma_start3A_62 = tpu.memref_slice %arg5[%mul3A_2, %dma_start3A_61] : memref<10000x128xf32, #tpu.memory_space<hbm>> -> memref<624x128xf32, #tpu.memory_space<hbm>>
      tpu.enqueue_dma source(%dma_start3A_62 : memref<624x128xf32, #tpu.memory_space<hbm>>) target(%dma_start3A_60 : memref<624x128xf32, #tpu.memory_space<vmem_shared>>) target_semaphore(%run_scoped3A : memref<!tpu.dma_semaphore, #tpu.memory_space<semaphore_mem>>)
      %dma_wait3A_63 = arith.constant 0 : i32
      %dma_wait3A_64 = tpu.memref_slice %arg8[%mul3A_2, %dma_wait3A_63] : memref<10008x128xf32, #tpu.memory_space<vmem_shared>> -> memref<624x128xf32, #tpu.memory_space<vmem_shared>>
      %dma_wait3A_65 = arith.constant 0 : i32
      %dma_wait3A_66 = tpu.memref_slice %arg5[%mul3A_2, %dma_wait3A_65] : memref<10000x128xf32, #tpu.memory_space<hbm>> -> memref<624x128xf32, #tpu.memory_space<hbm>>
      tpu.wait_dma2 semaphore(%run_scoped3A : memref<!tpu.dma_semaphore, #tpu.memory_space<semaphore_mem>>) src(%dma_wait3A_66 : memref<624x128xf32, #tpu.memory_space<hbm>>) dst(%dma_wait3A_64 : memref<624x128xf32, #tpu.memory_space<vmem_shared>>)
      tpu.yield
    }) : () -> ()
    %eq3A = arith.constant 0 : i32
    %eq3A_3 = arith.cmpi eq, %arg1, %eq3A : i32
    %convert_element_type3A = arith.extui %eq3A_3 : i1 to i32
    %cond3A = arith.constant 0 : i32
    %cond3A_4 = arith.cmpi ne, %convert_element_type3A, %cond3A : i32
    scf.if %cond3A_4 {
      "tpu.region"() ({
        %run_scoped3A = tpu.sem_alloc : memref<!tpu.dma_semaphore, #tpu.memory_space<semaphore_mem>>
        %dma_start3A_59 = arith.constant 9984 : i32
        %dma_start3A_60 = arith.constant 0 : i32
        %dma_start3A_61 = tpu.memref_slice %arg8[%dma_start3A_59, %dma_start3A_60] : memref<10008x128xf32, #tpu.memory_space<vmem_shared>> -> memref<16x128xf32, #tpu.memory_space<vmem_shared>>
        %dma_start3A_62 = arith.constant 9984 : i32
        %dma_start3A_63 = arith.constant 0 : i32
        %dma_start3A_64 = tpu.memref_slice %arg5[%dma_start3A_62, %dma_start3A_63] : memref<10000x128xf32, #tpu.memory_space<hbm>> -> memref<16x128xf32, #tpu.memory_space<hbm>>
        tpu.enqueue_dma source(%dma_start3A_64 : memref<16x128xf32, #tpu.memory_space<hbm>>) target(%dma_start3A_61 : memref<16x128xf32, #tpu.memory_space<vmem_shared>>) target_semaphore(%run_scoped3A : memref<!tpu.dma_semaphore, #tpu.memory_space<semaphore_mem>>)
        %dma_wait3A_65 = arith.constant 9984 : i32
        %dma_wait3A_66 = arith.constant 0 : i32
        %dma_wait3A_67 = tpu.memref_slice %arg8[%dma_wait3A_65, %dma_wait3A_66] : memref<10008x128xf32, #tpu.memory_space<vmem_shared>> -> memref<16x128xf32, #tpu.memory_space<vmem_shared>>
        %dma_wait3A_68 = arith.constant 9984 : i32
        %dma_wait3A_69 = arith.constant 0 : i32
        %dma_wait3A_70 = tpu.memref_slice %arg5[%dma_wait3A_68, %dma_wait3A_69] : memref<10000x128xf32, #tpu.memory_space<hbm>> -> memref<16x128xf32, #tpu.memory_space<hbm>>
        tpu.wait_dma2 semaphore(%run_scoped3A : memref<!tpu.dma_semaphore, #tpu.memory_space<semaphore_mem>>) src(%dma_wait3A_70 : memref<16x128xf32, #tpu.memory_space<hbm>>) dst(%dma_wait3A_67 : memref<16x128xf32, #tpu.memory_space<vmem_shared>>)
        tpu.yield
      }) : () -> ()
    } else {
    }
    %barrier3A = arith.constant 0 : index
    tpu.barrier barrier_id(%barrier3A)
    %mul3A_5 = arith.constant 10000 : i32
    %mul3A_6 = arith.muli %add3A, %mul3A_5 : i32
    %min3A = arith.constant 0 : i32
    %min3A_7 = arith.constant 124 : i32
    %min3A_8 = arith.minsi %min3A, %min3A_7 : i32
    %mul3A_9 = arith.constant 80 : i32
    %mul3A_10 = arith.muli %min3A_8, %mul3A_9 : i32
    %add3A_11 = arith.addi %mul3A_6, %mul3A_10 : i32
    %dma_start3A = tpu.memref_slice %arg3[%add3A_11] : memref<320000xi32, #tpu.memory_space<hbm>> -> memref<80xi32, #tpu.memory_space<hbm>>
    %dma_start3A_12 = tpu.memref_slice %arg3[%add3A_11] : memref<320000xi32, #tpu.memory_space<hbm>> -> memref<80xi32, #tpu.memory_space<hbm>>
    tpu.enqueue_dma source(%dma_start3A_12 : memref<80xi32, #tpu.memory_space<hbm>>) target(%arg12 : memref<80xi32, #tpu.memory_space<vmem>>) target_semaphore(%arg16 : memref<!tpu.dma_semaphore, #tpu.memory_space<semaphore_mem>>)
    %dma_start3A_13 = tpu.memref_slice %arg4[%add3A_11] : memref<320000xi32, #tpu.memory_space<hbm>> -> memref<80xi32, #tpu.memory_space<hbm>>
    %dma_start3A_14 = tpu.memref_slice %arg4[%add3A_11] : memref<320000xi32, #tpu.memory_space<hbm>> -> memref<80xi32, #tpu.memory_space<hbm>>
    tpu.enqueue_dma source(%dma_start3A_14 : memref<80xi32, #tpu.memory_space<hbm>>) target(%arg13 : memref<80xi32, #tpu.memory_space<vmem>>) target_semaphore(%arg16 : memref<!tpu.dma_semaphore, #tpu.memory_space<semaphore_mem>>)
    %dma_wait3A = arith.constant 0 : i32
    %dma_wait3A_15 = tpu.memref_slice %arg3[%dma_wait3A] : memref<320000xi32, #tpu.memory_space<hbm>> -> memref<80xi32, #tpu.memory_space<hbm>>
    %dma_wait3A_16 = arith.constant 0 : i32
    %dma_wait3A_17 = tpu.memref_slice %arg3[%dma_wait3A_16] : memref<320000xi32, #tpu.memory_space<hbm>> -> memref<80xi32, #tpu.memory_space<hbm>>
    tpu.wait_dma2 semaphore(%arg16 : memref<!tpu.dma_semaphore, #tpu.memory_space<semaphore_mem>>) src(%dma_wait3A_17 : memref<80xi32, #tpu.memory_space<hbm>>) dst(%arg12 : memref<80xi32, #tpu.memory_space<vmem>>)
    %dma_wait3A_18 = arith.constant 0 : i32
    %dma_wait3A_19 = tpu.memref_slice %arg4[%dma_wait3A_18] : memref<320000xi32, #tpu.memory_space<hbm>> -> memref<80xi32, #tpu.memory_space<hbm>>
    %dma_wait3A_20 = arith.constant 0 : i32
    %dma_wait3A_21 = tpu.memref_slice %arg4[%dma_wait3A_20] : memref<320000xi32, #tpu.memory_space<hbm>> -> memref<80xi32, #tpu.memory_space<hbm>>
    tpu.wait_dma2 semaphore(%arg16 : memref<!tpu.dma_semaphore, #tpu.memory_space<semaphore_mem>>) src(%dma_wait3A_21 : memref<80xi32, #tpu.memory_space<hbm>>) dst(%arg13 : memref<80xi32, #tpu.memory_space<vmem>>)
    %dma_start3A_22 = arith.constant 0 : i32
    %dma_start3A_23 = arith.constant 0 : i32
    %dma_start3A_24 = tpu.memref_slice %arg2[%dma_start3A_22, %dma_start3A_23] : memref<10000x128xf32, #tpu.memory_space<hbm>> -> memref<10000x128xf32, #tpu.memory_space<hbm>>
    tpu.enqueue_indirect_dma source(%dma_start3A_24 : memref<10000x128xf32, #tpu.memory_space<hbm>>) target(%arg7 : memref<80x128xf32, #tpu.memory_space<vmem>>) offsets(%arg12 : memref<80xi32, #tpu.memory_space<vmem>>) semaphore(%arg9 : memref<!tpu.dma_semaphore, #tpu.memory_space<semaphore_mem>>)
    %mul3A_25 = arith.constant 10000 : i32
    %mul3A_26 = arith.muli %add3A, %mul3A_25 : i32
    %min3A_27 = arith.constant 1 : i32
    %min3A_28 = arith.constant 124 : i32
    %min3A_29 = arith.minsi %min3A_27, %min3A_28 : i32
    %mul3A_30 = arith.constant 80 : i32
    %mul3A_31 = arith.muli %min3A_29, %mul3A_30 : i32
    %add3A_32 = arith.addi %mul3A_26, %mul3A_31 : i32
    %dma_start3A_33 = tpu.memref_slice %arg3[%add3A_32] : memref<320000xi32, #tpu.memory_space<hbm>> -> memref<80xi32, #tpu.memory_space<hbm>>
    %dma_start3A_34 = tpu.memref_slice %arg3[%add3A_32] : memref<320000xi32, #tpu.memory_space<hbm>> -> memref<80xi32, #tpu.memory_space<hbm>>
    tpu.enqueue_dma source(%dma_start3A_34 : memref<80xi32, #tpu.memory_space<hbm>>) target(%arg14 : memref<80xi32, #tpu.memory_space<vmem>>) target_semaphore(%arg17 : memref<!tpu.dma_semaphore, #tpu.memory_space<semaphore_mem>>)
    %dma_start3A_35 = tpu.memref_slice %arg4[%add3A_32] : memref<320000xi32, #tpu.memory_space<hbm>> -> memref<80xi32, #tpu.memory_space<hbm>>
    %dma_start3A_36 = tpu.memref_slice %arg4[%add3A_32] : memref<320000xi32, #tpu.memory_space<hbm>> -> memref<80xi32, #tpu.memory_space<hbm>>
    tpu.enqueue_dma source(%dma_start3A_36 : memref<80xi32, #tpu.memory_space<hbm>>) target(%arg15 : memref<80xi32, #tpu.memory_space<vmem>>) target_semaphore(%arg17 : memref<!tpu.dma_semaphore, #tpu.memory_space<semaphore_mem>>)
    %scan3A = arith.constant 0 : i32
    %scan3A_37 = arith.constant 0 : i32
    %scan3A_38 = arith.constant 62 : i32
    %scan3A_39 = arith.addi %scan3A_37, %scan3A_38 : i32
    %scan3A_40 = arith.constant 1 : i32
    scf.for %scan3A_59 = %scan3A_37 to %scan3A_39 step %scan3A_40  : i32 {
      %mul3A_60 = arith.constant 2 : i32
      %mul3A_61 = arith.muli %mul3A_60, %scan3A_59 : i32
      %add3A_62 = arith.constant 1 : i32
      %add3A_63 = arith.addi %mul3A_61, %add3A_62 : i32
      %dma_wait3A_64 = arith.constant 0 : i32
      %dma_wait3A_65 = tpu.memref_slice %arg3[%dma_wait3A_64] : memref<320000xi32, #tpu.memory_space<hbm>> -> memref<80xi32, #tpu.memory_space<hbm>>
      %dma_wait3A_66 = arith.constant 0 : i32
      %dma_wait3A_67 = tpu.memref_slice %arg3[%dma_wait3A_66] : memref<320000xi32, #tpu.memory_space<hbm>> -> memref<80xi32, #tpu.memory_space<hbm>>
      tpu.wait_dma2 semaphore(%arg17 : memref<!tpu.dma_semaphore, #tpu.memory_space<semaphore_mem>>) src(%dma_wait3A_67 : memref<80xi32, #tpu.memory_space<hbm>>) dst(%arg14 : memref<80xi32, #tpu.memory_space<vmem>>)
      %dma_wait3A_68 = arith.constant 0 : i32
      %dma_wait3A_69 = tpu.memref_slice %arg4[%dma_wait3A_68] : memref<320000xi32, #tpu.memory_space<hbm>> -> memref<80xi32, #tpu.memory_space<hbm>>
      %dma_wait3A_70 = arith.constant 0 : i32
      %dma_wait3A_71 = tpu.memref_slice %arg4[%dma_wait3A_70] : memref<320000xi32, #tpu.memory_space<hbm>> -> memref<80xi32, #tpu.memory_space<hbm>>
      tpu.wait_dma2 semaphore(%arg17 : memref<!tpu.dma_semaphore, #tpu.memory_space<semaphore_mem>>) src(%dma_wait3A_71 : memref<80xi32, #tpu.memory_space<hbm>>) dst(%arg15 : memref<80xi32, #tpu.memory_space<vmem>>)
      %dma_start3A_72 = arith.constant 0 : i32
      %dma_start3A_73 = arith.constant 0 : i32
      %dma_start3A_74 = tpu.memref_slice %arg2[%dma_start3A_72, %dma_start3A_73] : memref<10000x128xf32, #tpu.memory_space<hbm>> -> memref<10000x128xf32, #tpu.memory_space<hbm>>
      tpu.enqueue_indirect_dma source(%dma_start3A_74 : memref<10000x128xf32, #tpu.memory_space<hbm>>) target(%arg10 : memref<80x128xf32, #tpu.memory_space<vmem>>) offsets(%arg14 : memref<80xi32, #tpu.memory_space<vmem>>) semaphore(%arg11 : memref<!tpu.dma_semaphore, #tpu.memory_space<semaphore_mem>>)
      %dma_wait3A_75 = arith.constant 0 : i32
      %dma_wait3A_76 = arith.constant 0 : i32
      %dma_wait3A_77 = tpu.memref_slice %arg2[%dma_wait3A_75, %dma_wait3A_76] : memref<10000x128xf32, #tpu.memory_space<hbm>> -> memref<10000x128xf32, #tpu.memory_space<hbm>>
      tpu.wait_indirect_dma semaphore(%arg9 : memref<!tpu.dma_semaphore, #tpu.memory_space<semaphore_mem>>) src(%dma_wait3A_77 : memref<10000x128xf32, #tpu.memory_space<hbm>>) dst(%arg7 : memref<80x128xf32, #tpu.memory_space<vmem>>)
      "tpu.region"() ({
        %run_scoped3A = tpu.sem_alloc : memref<!tpu.dma_semaphore, #tpu.memory_space<semaphore_mem>>
        %dma_start3A_118 = arith.constant 0 : i32
        %dma_start3A_119 = arith.constant 0 : i32
        %dma_start3A_120 = tpu.memref_slice %arg8[%dma_start3A_118, %dma_start3A_119] : memref<10008x128xf32, #tpu.memory_space<vmem_shared>> -> memref<10008x128xf32, #tpu.memory_space<vmem_shared>>
        tpu.enqueue_indirect_dma source(%arg7 : memref<80x128xf32, #tpu.memory_space<vmem>>) target(%dma_start3A_120 : memref<10008x128xf32, #tpu.memory_space<vmem_shared>>) offsets(%arg13 : memref<80xi32, #tpu.memory_space<vmem>>) semaphore(%run_scoped3A : memref<!tpu.dma_semaphore, #tpu.memory_space<semaphore_mem>>) {add = true}
        %dma_wait3A_121 = arith.constant 0 : i32
        %dma_wait3A_122 = arith.constant 0 : i32
        %dma_wait3A_123 = tpu.memref_slice %arg8[%dma_wait3A_121, %dma_wait3A_122] : memref<10008x128xf32, #tpu.memory_space<vmem_shared>> -> memref<10008x128xf32, #tpu.memory_space<vmem_shared>>
        tpu.wait_indirect_dma semaphore(%run_scoped3A : memref<!tpu.dma_semaphore, #tpu.memory_space<semaphore_mem>>) src(%arg7 : memref<80x128xf32, #tpu.memory_space<vmem>>) dst(%dma_wait3A_123 : memref<10008x128xf32, #tpu.memory_space<vmem_shared>>)
        tpu.yield
      }) : () -> ()
      %add3A_78 = arith.constant 1 : i32
      %add3A_79 = arith.addi %add3A_63, %add3A_78 : i32
      %mul3A_80 = arith.constant 10000 : i32
      %mul3A_81 = arith.muli %add3A, %mul3A_80 : i32
      %min3A_82 = arith.constant 124 : i32
      %min3A_83 = arith.minsi %add3A_79, %min3A_82 : i32
      %mul3A_84 = arith.constant 80 : i32
      %mul3A_85 = arith.muli %min3A_83, %mul3A_84 : i32
      %add3A_86 = arith.addi %mul3A_81, %mul3A_85 : i32
      %dma_start3A_87 = tpu.memref_slice %arg3[%add3A_86] : memref<320000xi32, #tpu.memory_space<hbm>> -> memref<80xi32, #tpu.memory_space<hbm>>
      %dma_start3A_88 = tpu.memref_slice %arg3[%add3A_86] : memref<320000xi32, #tpu.memory_space<hbm>> -> memref<80xi32, #tpu.memory_space<hbm>>
      tpu.enqueue_dma source(%dma_start3A_88 : memref<80xi32, #tpu.memory_space<hbm>>) target(%arg12 : memref<80xi32, #tpu.memory_space<vmem>>) target_semaphore(%arg16 : memref<!tpu.dma_semaphore, #tpu.memory_space<semaphore_mem>>)
      %dma_start3A_89 = tpu.memref_slice %arg4[%add3A_86] : memref<320000xi32, #tpu.memory_space<hbm>> -> memref<80xi32, #tpu.memory_space<hbm>>
      %dma_start3A_90 = tpu.memref_slice %arg4[%add3A_86] : memref<320000xi32, #tpu.memory_space<hbm>> -> memref<80xi32, #tpu.memory_space<hbm>>
      tpu.enqueue_dma source(%dma_start3A_90 : memref<80xi32, #tpu.memory_space<hbm>>) target(%arg13 : memref<80xi32, #tpu.memory_space<vmem>>) target_semaphore(%arg16 : memref<!tpu.dma_semaphore, #tpu.memory_space<semaphore_mem>>)
      %dma_wait3A_91 = arith.constant 0 : i32
      %dma_wait3A_92 = tpu.memref_slice %arg3[%dma_wait3A_91] : memref<320000xi32, #tpu.memory_space<hbm>> -> memref<80xi32, #tpu.memory_space<hbm>>
      %dma_wait3A_93 = arith.constant 0 : i32
      %dma_wait3A_94 = tpu.memref_slice %arg3[%dma_wait3A_93] : memref<320000xi32, #tpu.memory_space<hbm>> -> memref<80xi32, #tpu.memory_space<hbm>>
      tpu.wait_dma2 semaphore(%arg16 : memref<!tpu.dma_semaphore, #tpu.memory_space<semaphore_mem>>) src(%dma_wait3A_94 : memref<80xi32, #tpu.memory_space<hbm>>) dst(%arg12 : memref<80xi32, #tpu.memory_space<vmem>>)
      %dma_wait3A_95 = arith.constant 0 : i32
      %dma_wait3A_96 = tpu.memref_slice %arg4[%dma_wait3A_95] : memref<320000xi32, #tpu.memory_space<hbm>> -> memref<80xi32, #tpu.memory_space<hbm>>
      %dma_wait3A_97 = arith.constant 0 : i32
      %dma_wait3A_98 = tpu.memref_slice %arg4[%dma_wait3A_97] : memref<320000xi32, #tpu.memory_space<hbm>> -> memref<80xi32, #tpu.memory_space<hbm>>
      tpu.wait_dma2 semaphore(%arg16 : memref<!tpu.dma_semaphore, #tpu.memory_space<semaphore_mem>>) src(%dma_wait3A_98 : memref<80xi32, #tpu.memory_space<hbm>>) dst(%arg13 : memref<80xi32, #tpu.memory_space<vmem>>)
      %dma_start3A_99 = arith.constant 0 : i32
      %dma_start3A_100 = arith.constant 0 : i32
      %dma_start3A_101 = tpu.memref_slice %arg2[%dma_start3A_99, %dma_start3A_100] : memref<10000x128xf32, #tpu.memory_space<hbm>> -> memref<10000x128xf32, #tpu.memory_space<hbm>>
      tpu.enqueue_indirect_dma source(%dma_start3A_101 : memref<10000x128xf32, #tpu.memory_space<hbm>>) target(%arg7 : memref<80x128xf32, #tpu.memory_space<vmem>>) offsets(%arg12 : memref<80xi32, #tpu.memory_space<vmem>>) semaphore(%arg9 : memref<!tpu.dma_semaphore, #tpu.memory_space<semaphore_mem>>)
      %dma_wait3A_102 = arith.constant 0 : i32
      %dma_wait3A_103 = arith.constant 0 : i32
      %dma_wait3A_104 = tpu.memref_slice %arg2[%dma_wait3A_102, %dma_wait3A_103] : memref<10000x128xf32, #tpu.memory_space<hbm>> -> memref<10000x128xf32, #tpu.memory_space<hbm>>
      tpu.wait_indirect_dma semaphore(%arg11 : memref<!tpu.dma_semaphore, #tpu.memory_space<semaphore_mem>>) src(%dma_wait3A_104 : memref<10000x128xf32, #tpu.memory_space<hbm>>) dst(%arg10 : memref<80x128xf32, #tpu.memory_space<vmem>>)
      "tpu.region"() ({
        %run_scoped3A = tpu.sem_alloc : memref<!tpu.dma_semaphore, #tpu.memory_space<semaphore_mem>>
        %dma_start3A_118 = arith.constant 0 : i32
        %dma_start3A_119 = arith.constant 0 : i32
        %dma_start3A_120 = tpu.memref_slice %arg8[%dma_start3A_118, %dma_start3A_119] : memref<10008x128xf32, #tpu.memory_space<vmem_shared>> -> memref<10008x128xf32, #tpu.memory_space<vmem_shared>>
        tpu.enqueue_indirect_dma source(%arg10 : memref<80x128xf32, #tpu.memory_space<vmem>>) target(%dma_start3A_120 : memref<10008x128xf32, #tpu.memory_space<vmem_shared>>) offsets(%arg15 : memref<80xi32, #tpu.memory_space<vmem>>) semaphore(%run_scoped3A : memref<!tpu.dma_semaphore, #tpu.memory_space<semaphore_mem>>) {add = true}
        %dma_wait3A_121 = arith.constant 0 : i32
        %dma_wait3A_122 = arith.constant 0 : i32
        %dma_wait3A_123 = tpu.memref_slice %arg8[%dma_wait3A_121, %dma_wait3A_122] : memref<10008x128xf32, #tpu.memory_space<vmem_shared>> -> memref<10008x128xf32, #tpu.memory_space<vmem_shared>>
        tpu.wait_indirect_dma semaphore(%run_scoped3A : memref<!tpu.dma_semaphore, #tpu.memory_space<semaphore_mem>>) src(%arg10 : memref<80x128xf32, #tpu.memory_space<vmem>>) dst(%dma_wait3A_123 : memref<10008x128xf32, #tpu.memory_space<vmem_shared>>)
        tpu.yield
      }) : () -> ()
      %add3A_105 = arith.constant 2 : i32
      %add3A_106 = arith.addi %add3A_63, %add3A_105 : i32
      %mul3A_107 = arith.constant 10000 : i32
      %mul3A_108 = arith.muli %add3A, %mul3A_107 : i32
      %min3A_109 = arith.constant 124 : i32
      %min3A_110 = arith.minsi %add3A_106, %min3A_109 : i32
      %mul3A_111 = arith.constant 80 : i32
      %mul3A_112 = arith.muli %min3A_110, %mul3A_111 : i32
      %add3A_113 = arith.addi %mul3A_108, %mul3A_112 : i32
      %dma_start3A_114 = tpu.memref_slice %arg3[%add3A_113] : memref<320000xi32, #tpu.memory_space<hbm>> -> memref<80xi32, #tpu.memory_space<hbm>>
      %dma_start3A_115 = tpu.memref_slice %arg3[%add3A_113] : memref<320000xi32, #tpu.memory_space<hbm>> -> memref<80xi32, #tpu.memory_space<hbm>>
      tpu.enqueue_dma source(%dma_start3A_115 : memref<80xi32, #tpu.memory_space<hbm>>) target(%arg14 : memref<80xi32, #tpu.memory_space<vmem>>) target_semaphore(%arg17 : memref<!tpu.dma_semaphore, #tpu.memory_space<semaphore_mem>>)
      %dma_start3A_116 = tpu.memref_slice %arg4[%add3A_113] : memref<320000xi32, #tpu.memory_space<hbm>> -> memref<80xi32, #tpu.memory_space<hbm>>
      %dma_start3A_117 = tpu.memref_slice %arg4[%add3A_113] : memref<320000xi32, #tpu.memory_space<hbm>> -> memref<80xi32, #tpu.memory_space<hbm>>
      tpu.enqueue_dma source(%dma_start3A_117 : memref<80xi32, #tpu.memory_space<hbm>>) target(%arg15 : memref<80xi32, #tpu.memory_space<vmem>>) target_semaphore(%arg17 : memref<!tpu.dma_semaphore, #tpu.memory_space<semaphore_mem>>)
    }
    %scan3A_41 = arith.constant 62 : i32
    %dma_wait3A_42 = arith.constant 0 : i32
    %dma_wait3A_43 = tpu.memref_slice %arg3[%dma_wait3A_42] : memref<320000xi32, #tpu.memory_space<hbm>> -> memref<80xi32, #tpu.memory_space<hbm>>
    %dma_wait3A_44 = arith.constant 0 : i32
    %dma_wait3A_45 = tpu.memref_slice %arg3[%dma_wait3A_44] : memref<320000xi32, #tpu.memory_space<hbm>> -> memref<80xi32, #tpu.memory_space<hbm>>
    tpu.wait_dma2 semaphore(%arg17 : memref<!tpu.dma_semaphore, #tpu.memory_space<semaphore_mem>>) src(%dma_wait3A_45 : memref<80xi32, #tpu.memory_space<hbm>>) dst(%arg14 : memref<80xi32, #tpu.memory_space<vmem>>)
    %dma_wait3A_46 = arith.constant 0 : i32
    %dma_wait3A_47 = tpu.memref_slice %arg4[%dma_wait3A_46] : memref<320000xi32, #tpu.memory_space<hbm>> -> memref<80xi32, #tpu.memory_space<hbm>>
    %dma_wait3A_48 = arith.constant 0 : i32
    %dma_wait3A_49 = tpu.memref_slice %arg4[%dma_wait3A_48] : memref<320000xi32, #tpu.memory_space<hbm>> -> memref<80xi32, #tpu.memory_space<hbm>>
    tpu.wait_dma2 semaphore(%arg17 : memref<!tpu.dma_semaphore, #tpu.memory_space<semaphore_mem>>) src(%dma_wait3A_49 : memref<80xi32, #tpu.memory_space<hbm>>) dst(%arg15 : memref<80xi32, #tpu.memory_space<vmem>>)
    %dma_wait3A_50 = arith.constant 0 : i32
    %dma_wait3A_51 = arith.constant 0 : i32
    %dma_wait3A_52 = tpu.memref_slice %arg2[%dma_wait3A_50, %dma_wait3A_51] : memref<10000x128xf32, #tpu.memory_space<hbm>> -> memref<10000x128xf32, #tpu.memory_space<hbm>>
    tpu.wait_indirect_dma semaphore(%arg9 : memref<!tpu.dma_semaphore, #tpu.memory_space<semaphore_mem>>) src(%dma_wait3A_52 : memref<10000x128xf32, #tpu.memory_space<hbm>>) dst(%arg7 : memref<80x128xf32, #tpu.memory_space<vmem>>)
    "tpu.region"() ({
      %run_scoped3A = tpu.sem_alloc : memref<!tpu.dma_semaphore, #tpu.memory_space<semaphore_mem>>
      %dma_start3A_59 = arith.constant 0 : i32
      %dma_start3A_60 = arith.constant 0 : i32
      %dma_start3A_61 = tpu.memref_slice %arg8[%dma_start3A_59, %dma_start3A_60] : memref<10008x128xf32, #tpu.memory_space<vmem_shared>> -> memref<10008x128xf32, #tpu.memory_space<vmem_shared>>
      tpu.enqueue_indirect_dma source(%arg7 : memref<80x128xf32, #tpu.memory_space<vmem>>) target(%dma_start3A_61 : memref<10008x128xf32, #tpu.memory_space<vmem_shared>>) offsets(%arg13 : memref<80xi32, #tpu.memory_space<vmem>>) semaphore(%run_scoped3A : memref<!tpu.dma_semaphore, #tpu.memory_space<semaphore_mem>>) {add = true}
      %dma_wait3A_62 = arith.constant 0 : i32
      %dma_wait3A_63 = arith.constant 0 : i32
      %dma_wait3A_64 = tpu.memref_slice %arg8[%dma_wait3A_62, %dma_wait3A_63] : memref<10008x128xf32, #tpu.memory_space<vmem_shared>> -> memref<10008x128xf32, #tpu.memory_space<vmem_shared>>
      tpu.wait_indirect_dma semaphore(%run_scoped3A : memref<!tpu.dma_semaphore, #tpu.memory_space<semaphore_mem>>) src(%arg7 : memref<80x128xf32, #tpu.memory_space<vmem>>) dst(%dma_wait3A_64 : memref<10008x128xf32, #tpu.memory_space<vmem_shared>>)
      tpu.yield
    }) : () -> ()
    %barrier3A_53 = arith.constant 0 : index
    tpu.barrier barrier_id(%barrier3A_53)
    "tpu.region"() ({
      %run_scoped3A = tpu.sem_alloc : memref<!tpu.dma_semaphore, #tpu.memory_space<semaphore_mem>>
      %dma_start3A_59 = arith.constant 0 : i32
      %dma_start3A_60 = tpu.memref_slice %arg6[%arg0, %mul3A_2, %dma_start3A_59] : memref<2x10000x128xf32, #tpu.memory_space<hbm>> -> memref<1x624x128xf32, #tpu.memory_space<hbm>>
      %dma_start3A_61 = tpu.memref_squeeze %dma_start3A_60 : memref<1x624x128xf32, #tpu.memory_space<hbm>> -> memref<624x128xf32, #tpu.memory_space<hbm>>
      %dma_start3A_62 = arith.constant 0 : i32
      %dma_start3A_63 = tpu.memref_slice %arg8[%mul3A_2, %dma_start3A_62] : memref<10008x128xf32, #tpu.memory_space<vmem_shared>> -> memref<624x128xf32, #tpu.memory_space<vmem_shared>>
      tpu.enqueue_dma source(%dma_start3A_63 : memref<624x128xf32, #tpu.memory_space<vmem_shared>>) target(%dma_start3A_61 : memref<624x128xf32, #tpu.memory_space<hbm>>) target_semaphore(%run_scoped3A : memref<!tpu.dma_semaphore, #tpu.memory_space<semaphore_mem>>)
      %dma_wait3A_64 = arith.constant 0 : i32
      %dma_wait3A_65 = tpu.memref_slice %arg6[%arg0, %mul3A_2, %dma_wait3A_64] : memref<2x10000x128xf32, #tpu.memory_space<hbm>> -> memref<1x624x128xf32, #tpu.memory_space<hbm>>
      %dma_wait3A_66 = tpu.memref_squeeze %dma_wait3A_65 : memref<1x624x128xf32, #tpu.memory_space<hbm>> -> memref<624x128xf32, #tpu.memory_space<hbm>>
      %dma_wait3A_67 = arith.constant 0 : i32
      %dma_wait3A_68 = tpu.memref_slice %arg8[%mul3A_2, %dma_wait3A_67] : memref<10008x128xf32, #tpu.memory_space<vmem_shared>> -> memref<624x128xf32, #tpu.memory_space<vmem_shared>>
      tpu.wait_dma2 semaphore(%run_scoped3A : memref<!tpu.dma_semaphore, #tpu.memory_space<semaphore_mem>>) src(%dma_wait3A_68 : memref<624x128xf32, #tpu.memory_space<vmem_shared>>) dst(%dma_wait3A_66 : memref<624x128xf32, #tpu.memory_space<hbm>>)
      tpu.yield
    }) : () -> ()
    %eq3A_54 = arith.constant 0 : i32
    %eq3A_55 = arith.cmpi eq, %arg1, %eq3A_54 : i32
    %convert_element_type3A_56 = arith.extui %eq3A_55 : i1 to i32
    %cond3A_57 = arith.constant 0 : i32
    %cond3A_58 = arith.cmpi ne, %convert_element_type3A_56, %cond3A_57 : i32
    scf.if %cond3A_58 {
      "tpu.region"() ({
        %run_scoped3A = tpu.sem_alloc : memref<!tpu.dma_semaphore, #tpu.memory_space<semaphore_mem>>
        %dma_start3A_59 = arith.constant 9984 : i32
        %dma_start3A_60 = arith.constant 0 : i32
        %dma_start3A_61 = tpu.memref_slice %arg6[%arg0, %dma_start3A_59, %dma_start3A_60] : memref<2x10000x128xf32, #tpu.memory_space<hbm>> -> memref<1x16x128xf32, #tpu.memory_space<hbm>>
        %dma_start3A_62 = tpu.memref_squeeze %dma_start3A_61 : memref<1x16x128xf32, #tpu.memory_space<hbm>> -> memref<16x128xf32, #tpu.memory_space<hbm>>
        %dma_start3A_63 = arith.constant 9984 : i32
        %dma_start3A_64 = arith.constant 0 : i32
        %dma_start3A_65 = tpu.memref_slice %arg8[%dma_start3A_63, %dma_start3A_64] : memref<10008x128xf32, #tpu.memory_space<vmem_shared>> -> memref<16x128xf32, #tpu.memory_space<vmem_shared>>
        tpu.enqueue_dma source(%dma_start3A_65 : memref<16x128xf32, #tpu.memory_space<vmem_shared>>) target(%dma_start3A_62 : memref<16x128xf32, #tpu.memory_space<hbm>>) target_semaphore(%run_scoped3A : memref<!tpu.dma_semaphore, #tpu.memory_space<semaphore_mem>>)
        %dma_wait3A_66 = arith.constant 9984 : i32
        %dma_wait3A_67 = arith.constant 0 : i32
        %dma_wait3A_68 = tpu.memref_slice %arg6[%arg0, %dma_wait3A_66, %dma_wait3A_67] : memref<2x10000x128xf32, #tpu.memory_space<hbm>> -> memref<1x16x128xf32, #tpu.memory_space<hbm>>
        %dma_wait3A_69 = tpu.memref_squeeze %dma_wait3A_68 : memref<1x16x128xf32, #tpu.memory_space<hbm>> -> memref<16x128xf32, #tpu.memory_space<hbm>>
        %dma_wait3A_70 = arith.constant 9984 : i32
        %dma_wait3A_71 = arith.constant 0 : i32
        %dma_wait3A_72 = tpu.memref_slice %arg8[%dma_wait3A_70, %dma_wait3A_71] : memref<10008x128xf32, #tpu.memory_space<vmem_shared>> -> memref<16x128xf32, #tpu.memory_space<vmem_shared>>
        tpu.wait_dma2 semaphore(%run_scoped3A : memref<!tpu.dma_semaphore, #tpu.memory_space<semaphore_mem>>) src(%dma_wait3A_72 : memref<16x128xf32, #tpu.memory_space<vmem_shared>>) dst(%dma_wait3A_69 : memref<16x128xf32, #tpu.memory_space<hbm>>)
        tpu.yield
      }) : () -> ()
    } else {
    }
    return
  }
}

#map = affine_map<(d0, d1) -> (0, 0)>
#map1 = affine_map<(d0, d1) -> (0)>
#map2 = affine_map<(d0, d1) -> (0, 0, 0)>
module attributes {stable_mosaic.version = 14 : i64} {
  func.func @body(%arg0: i32, %arg1: i32, %arg2: memref<10000x128xf32, #tpu.memory_space<hbm>>, %arg3: memref<320000xi32, #tpu.memory_space<hbm>>, %arg4: memref<320000xi32, #tpu.memory_space<hbm>>, %arg5: memref<10000x128xf32, #tpu.memory_space<hbm>>, %arg6: memref<2x10000x128xf32, #tpu.memory_space<hbm>>, %arg7: memref<80x128xf32, #tpu.memory_space<vmem>>, %arg8: memref<10008x128xf32, #tpu.memory_space<vmem_shared>>, %arg9: memref<!tpu.dma_semaphore, #tpu.memory_space<semaphore_mem>>, %arg10: memref<80x128xf32, #tpu.memory_space<vmem>>, %arg11: memref<!tpu.dma_semaphore, #tpu.memory_space<semaphore_mem>>, %arg12: memref<80xi32, #tpu.memory_space<vmem>>, %arg13: memref<80xi32, #tpu.memory_space<vmem>>, %arg14: memref<80xi32, #tpu.memory_space<vmem>>, %arg15: memref<80xi32, #tpu.memory_space<vmem>>, %arg16: memref<!tpu.dma_semaphore, #tpu.memory_space<semaphore_mem>>, %arg17: memref<!tpu.dma_semaphore, #tpu.memory_space<semaphore_mem>>) attributes {dimension_semantics = [#tpu.dimension_semantics<core_parallel>, #tpu.dimension_semantics<subcore_parallel>], iteration_bounds = array<i64: 2, 16>, scalar_prefetch = 0 : i64, scratch_operands = 11 : i64, tpu.core_type = #tpu.core_type<sc_vector_subcore>, window_params = [{transform_indices = #map}, {transform_indices = #map1}, {transform_indices = #map1}, {transform_indices = #map}, {transform_indices = #map2}]} {
    %mul3A = arith.constant 2 : i32
    %mul3A_0 = arith.muli %arg1, %mul3A : i32
    %add3A = arith.addi %mul3A_0, %arg0 : i32
    %mul3A_1 = arith.constant 624 : i32
    %mul3A_2 = arith.muli %arg1, %mul3A_1 : i32
    "tpu.region"() ({
      %run_scoped3A = tpu.sem_alloc : memref<!tpu.dma_semaphore, #tpu.memory_space<semaphore_mem>>
      %dma_start3A_59 = arith.constant 0 : i32
      %dma_start3A_60 = tpu.memref_slice %arg8[%mul3A_2, %dma_start3A_59] : memref<10008x128xf32, #tpu.memory_space<vmem_shared>> -> memref<624x128xf32, #tpu.memory_space<vmem_shared>>
      %dma_start3A_61 = arith.constant 0 : i32
      %dma_start3A_62 = tpu.memref_slice %arg5[%mul3A_2, %dma_start3A_61] : memref<10000x128xf32, #tpu.memory_space<hbm>> -> memref<624x128xf32, #tpu.memory_space<hbm>>
      tpu.enqueue_dma source(%dma_start3A_62 : memref<624x128xf32, #tpu.memory_space<hbm>>) target(%dma_start3A_60 : memref<624x128xf32, #tpu.memory_space<vmem_shared>>) target_semaphore(%run_scoped3A : memref<!tpu.dma_semaphore, #tpu.memory_space<semaphore_mem>>)
      %dma_wait3A_63 = arith.constant 0 : i32
      %dma_wait3A_64 = tpu.memref_slice %arg8[%mul3A_2, %dma_wait3A_63] : memref<10008x128xf32, #tpu.memory_space<vmem_shared>> -> memref<624x128xf32, #tpu.memory_space<vmem_shared>>
      %dma_wait3A_65 = arith.constant 0 : i32
      %dma_wait3A_66 = tpu.memref_slice %arg5[%mul3A_2, %dma_wait3A_65] : memref<10000x128xf32, #tpu.memory_space<hbm>> -> memref<624x128xf32, #tpu.memory_space<hbm>>
      tpu.wait_dma2 semaphore(%run_scoped3A : memref<!tpu.dma_semaphore, #tpu.memory_space<semaphore_mem>>) src(%dma_wait3A_66 : memref<624x128xf32, #tpu.memory_space<hbm>>) dst(%dma_wait3A_64 : memref<624x128xf32, #tpu.memory_space<vmem_shared>>)
      tpu.yield
    }) : () -> ()
    %eq3A = arith.constant 0 : i32
    %eq3A_3 = arith.cmpi eq, %arg1, %eq3A : i32
    %convert_element_type3A = arith.extui %eq3A_3 : i1 to i32
    %cond3A = arith.constant 0 : i32
    %cond3A_4 = arith.cmpi ne, %convert_element_type3A, %cond3A : i32
    scf.if %cond3A_4 {
      "tpu.region"() ({
        %run_scoped3A = tpu.sem_alloc : memref<!tpu.dma_semaphore, #tpu.memory_space<semaphore_mem>>
        %dma_start3A_59 = arith.constant 9984 : i32
        %dma_start3A_60 = arith.constant 0 : i32
        %dma_start3A_61 = tpu.memref_slice %arg8[%dma_start3A_59, %dma_start3A_60] : memref<10008x128xf32, #tpu.memory_space<vmem_shared>> -> memref<16x128xf32, #tpu.memory_space<vmem_shared>>
        %dma_start3A_62 = arith.constant 9984 : i32
        %dma_start3A_63 = arith.constant 0 : i32
        %dma_start3A_64 = tpu.memref_slice %arg5[%dma_start3A_62, %dma_start3A_63] : memref<10000x128xf32, #tpu.memory_space<hbm>> -> memref<16x128xf32, #tpu.memory_space<hbm>>
        tpu.enqueue_dma source(%dma_start3A_64 : memref<16x128xf32, #tpu.memory_space<hbm>>) target(%dma_start3A_61 : memref<16x128xf32, #tpu.memory_space<vmem_shared>>) target_semaphore(%run_scoped3A : memref<!tpu.dma_semaphore, #tpu.memory_space<semaphore_mem>>)
        %dma_wait3A_65 = arith.constant 9984 : i32
        %dma_wait3A_66 = arith.constant 0 : i32
        %dma_wait3A_67 = tpu.memref_slice %arg8[%dma_wait3A_65, %dma_wait3A_66] : memref<10008x128xf32, #tpu.memory_space<vmem_shared>> -> memref<16x128xf32, #tpu.memory_space<vmem_shared>>
        %dma_wait3A_68 = arith.constant 9984 : i32
        %dma_wait3A_69 = arith.constant 0 : i32
        %dma_wait3A_70 = tpu.memref_slice %arg5[%dma_wait3A_68, %dma_wait3A_69] : memref<10000x128xf32, #tpu.memory_space<hbm>> -> memref<16x128xf32, #tpu.memory_space<hbm>>
        tpu.wait_dma2 semaphore(%run_scoped3A : memref<!tpu.dma_semaphore, #tpu.memory_space<semaphore_mem>>) src(%dma_wait3A_70 : memref<16x128xf32, #tpu.memory_space<hbm>>) dst(%dma_wait3A_67 : memref<16x128xf32, #tpu.memory_space<vmem_shared>>)
        tpu.yield
      }) : () -> ()
    } else {
    }
    %barrier3A = arith.constant 0 : index
    tpu.barrier barrier_id(%barrier3A)
    %mul3A_5 = arith.constant 10000 : i32
    %mul3A_6 = arith.muli %add3A, %mul3A_5 : i32
    %min3A = arith.constant 0 : i32
    %min3A_7 = arith.constant 124 : i32
    %min3A_8 = arith.minsi %min3A, %min3A_7 : i32
    %mul3A_9 = arith.constant 80 : i32
    %mul3A_10 = arith.muli %min3A_8, %mul3A_9 : i32
    %add3A_11 = arith.addi %mul3A_6, %mul3A_10 : i32
    %dma_start3A = tpu.memref_slice %arg3[%add3A_11] : memref<320000xi32, #tpu.memory_space<hbm>> -> memref<80xi32, #tpu.memory_space<hbm>>
    %dma_start3A_12 = tpu.memref_slice %arg3[%add3A_11] : memref<320000xi32, #tpu.memory_space<hbm>> -> memref<80xi32, #tpu.memory_space<hbm>>
    tpu.enqueue_dma source(%dma_start3A_12 : memref<80xi32, #tpu.memory_space<hbm>>) target(%arg12 : memref<80xi32, #tpu.memory_space<vmem>>) target_semaphore(%arg16 : memref<!tpu.dma_semaphore, #tpu.memory_space<semaphore_mem>>)
    %dma_start3A_13 = tpu.memref_slice %arg4[%add3A_11] : memref<320000xi32, #tpu.memory_space<hbm>> -> memref<80xi32, #tpu.memory_space<hbm>>
    %dma_start3A_14 = tpu.memref_slice %arg4[%add3A_11] : memref<320000xi32, #tpu.memory_space<hbm>> -> memref<80xi32, #tpu.memory_space<hbm>>
    tpu.enqueue_dma source(%dma_start3A_14 : memref<80xi32, #tpu.memory_space<hbm>>) target(%arg13 : memref<80xi32, #tpu.memory_space<vmem>>) target_semaphore(%arg16 : memref<!tpu.dma_semaphore, #tpu.memory_space<semaphore_mem>>)
    %dma_wait3A = arith.constant 0 : i32
    %dma_wait3A_15 = tpu.memref_slice %arg3[%dma_wait3A] : memref<320000xi32, #tpu.memory_space<hbm>> -> memref<80xi32, #tpu.memory_space<hbm>>
    %dma_wait3A_16 = arith.constant 0 : i32
    %dma_wait3A_17 = tpu.memref_slice %arg3[%dma_wait3A_16] : memref<320000xi32, #tpu.memory_space<hbm>> -> memref<80xi32, #tpu.memory_space<hbm>>
    tpu.wait_dma2 semaphore(%arg16 : memref<!tpu.dma_semaphore, #tpu.memory_space<semaphore_mem>>) src(%dma_wait3A_17 : memref<80xi32, #tpu.memory_space<hbm>>) dst(%arg12 : memref<80xi32, #tpu.memory_space<vmem>>)
    %dma_wait3A_18 = arith.constant 0 : i32
    %dma_wait3A_19 = tpu.memref_slice %arg4[%dma_wait3A_18] : memref<320000xi32, #tpu.memory_space<hbm>> -> memref<80xi32, #tpu.memory_space<hbm>>
    %dma_wait3A_20 = arith.constant 0 : i32
    %dma_wait3A_21 = tpu.memref_slice %arg4[%dma_wait3A_20] : memref<320000xi32, #tpu.memory_space<hbm>> -> memref<80xi32, #tpu.memory_space<hbm>>
    tpu.wait_dma2 semaphore(%arg16 : memref<!tpu.dma_semaphore, #tpu.memory_space<semaphore_mem>>) src(%dma_wait3A_21 : memref<80xi32, #tpu.memory_space<hbm>>) dst(%arg13 : memref<80xi32, #tpu.memory_space<vmem>>)
    %dma_start3A_22 = arith.constant 0 : i32
    %dma_start3A_23 = arith.constant 0 : i32
    %dma_start3A_24 = tpu.memref_slice %arg2[%dma_start3A_22, %dma_start3A_23] : memref<10000x128xf32, #tpu.memory_space<hbm>> -> memref<10000x128xf32, #tpu.memory_space<hbm>>
    tpu.enqueue_indirect_dma source(%dma_start3A_24 : memref<10000x128xf32, #tpu.memory_space<hbm>>) target(%arg7 : memref<80x128xf32, #tpu.memory_space<vmem>>) offsets(%arg12 : memref<80xi32, #tpu.memory_space<vmem>>) semaphore(%arg9 : memref<!tpu.dma_semaphore, #tpu.memory_space<semaphore_mem>>)
    %mul3A_25 = arith.constant 10000 : i32
    %mul3A_26 = arith.muli %add3A, %mul3A_25 : i32
    %min3A_27 = arith.constant 1 : i32
    %min3A_28 = arith.constant 124 : i32
    %min3A_29 = arith.minsi %min3A_27, %min3A_28 : i32
    %mul3A_30 = arith.constant 80 : i32
    %mul3A_31 = arith.muli %min3A_29, %mul3A_30 : i32
    %add3A_32 = arith.addi %mul3A_26, %mul3A_31 : i32
    %dma_start3A_33 = tpu.memref_slice %arg3[%add3A_32] : memref<320000xi32, #tpu.memory_space<hbm>> -> memref<80xi32, #tpu.memory_space<hbm>>
    %dma_start3A_34 = tpu.memref_slice %arg3[%add3A_32] : memref<320000xi32, #tpu.memory_space<hbm>> -> memref<80xi32, #tpu.memory_space<hbm>>
    tpu.enqueue_dma source(%dma_start3A_34 : memref<80xi32, #tpu.memory_space<hbm>>) target(%arg14 : memref<80xi32, #tpu.memory_space<vmem>>) target_semaphore(%arg17 : memref<!tpu.dma_semaphore, #tpu.memory_space<semaphore_mem>>)
    %dma_start3A_35 = tpu.memref_slice %arg4[%add3A_32] : memref<320000xi32, #tpu.memory_space<hbm>> -> memref<80xi32, #tpu.memory_space<hbm>>
    %dma_start3A_36 = tpu.memref_slice %arg4[%add3A_32] : memref<320000xi32, #tpu.memory_space<hbm>> -> memref<80xi32, #tpu.memory_space<hbm>>
    tpu.enqueue_dma source(%dma_start3A_36 : memref<80xi32, #tpu.memory_space<hbm>>) target(%arg15 : memref<80xi32, #tpu.memory_space<vmem>>) target_semaphore(%arg17 : memref<!tpu.dma_semaphore, #tpu.memory_space<semaphore_mem>>)
    %scan3A = arith.constant 0 : i32
    %scan3A_37 = arith.constant 0 : i32
    %scan3A_38 = arith.constant 62 : i32
    %scan3A_39 = arith.addi %scan3A_37, %scan3A_38 : i32
    %scan3A_40 = arith.constant 1 : i32
    scf.for %scan3A_59 = %scan3A_37 to %scan3A_39 step %scan3A_40  : i32 {
      %mul3A_60 = arith.constant 2 : i32
      %mul3A_61 = arith.muli %mul3A_60, %scan3A_59 : i32
      %add3A_62 = arith.constant 1 : i32
      %add3A_63 = arith.addi %mul3A_61, %add3A_62 : i32
      %dma_wait3A_64 = arith.constant 0 : i32
      %dma_wait3A_65 = tpu.memref_slice %arg3[%dma_wait3A_64] : memref<320000xi32, #tpu.memory_space<hbm>> -> memref<80xi32, #tpu.memory_space<hbm>>
      %dma_wait3A_66 = arith.constant 0 : i32
      %dma_wait3A_67 = tpu.memref_slice %arg3[%dma_wait3A_66] : memref<320000xi32, #tpu.memory_space<hbm>> -> memref<80xi32, #tpu.memory_space<hbm>>
      tpu.wait_dma2 semaphore(%arg17 : memref<!tpu.dma_semaphore, #tpu.memory_space<semaphore_mem>>) src(%dma_wait3A_67 : memref<80xi32, #tpu.memory_space<hbm>>) dst(%arg14 : memref<80xi32, #tpu.memory_space<vmem>>)
      %dma_wait3A_68 = arith.constant 0 : i32
      %dma_wait3A_69 = tpu.memref_slice %arg4[%dma_wait3A_68] : memref<320000xi32, #tpu.memory_space<hbm>> -> memref<80xi32, #tpu.memory_space<hbm>>
      %dma_wait3A_70 = arith.constant 0 : i32
      %dma_wait3A_71 = tpu.memref_slice %arg4[%dma_wait3A_70] : memref<320000xi32, #tpu.memory_space<hbm>> -> memref<80xi32, #tpu.memory_space<hbm>>
      tpu.wait_dma2 semaphore(%arg17 : memref<!tpu.dma_semaphore, #tpu.memory_space<semaphore_mem>>) src(%dma_wait3A_71 : memref<80xi32, #tpu.memory_space<hbm>>) dst(%arg15 : memref<80xi32, #tpu.memory_space<vmem>>)
      %dma_start3A_72 = arith.constant 0 : i32
      %dma_start3A_73 = arith.constant 0 : i32
      %dma_start3A_74 = tpu.memref_slice %arg2[%dma_start3A_72, %dma_start3A_73] : memref<10000x128xf32, #tpu.memory_space<hbm>> -> memref<10000x128xf32, #tpu.memory_space<hbm>>
      tpu.enqueue_indirect_dma source(%dma_start3A_74 : memref<10000x128xf32, #tpu.memory_space<hbm>>) target(%arg10 : memref<80x128xf32, #tpu.memory_space<vmem>>) offsets(%arg14 : memref<80xi32, #tpu.memory_space<vmem>>) semaphore(%arg11 : memref<!tpu.dma_semaphore, #tpu.memory_space<semaphore_mem>>)
      %dma_wait3A_75 = arith.constant 0 : i32
      %dma_wait3A_76 = arith.constant 0 : i32
      %dma_wait3A_77 = tpu.memref_slice %arg2[%dma_wait3A_75, %dma_wait3A_76] : memref<10000x128xf32, #tpu.memory_space<hbm>> -> memref<10000x128xf32, #tpu.memory_space<hbm>>
      tpu.wait_indirect_dma semaphore(%arg9 : memref<!tpu.dma_semaphore, #tpu.memory_space<semaphore_mem>>) src(%dma_wait3A_77 : memref<10000x128xf32, #tpu.memory_space<hbm>>) dst(%arg7 : memref<80x128xf32, #tpu.memory_space<vmem>>)
      "tpu.region"() ({
        %run_scoped3A = tpu.sem_alloc : memref<!tpu.dma_semaphore, #tpu.memory_space<semaphore_mem>>
        %dma_start3A_118 = arith.constant 0 : i32
        %dma_start3A_119 = arith.constant 0 : i32
        %dma_start3A_120 = tpu.memref_slice %arg8[%dma_start3A_118, %dma_start3A_119] : memref<10008x128xf32, #tpu.memory_space<vmem_shared>> -> memref<10008x128xf32, #tpu.memory_space<vmem_shared>>
        tpu.enqueue_indirect_dma source(%arg7 : memref<80x128xf32, #tpu.memory_space<vmem>>) target(%dma_start3A_120 : memref<10008x128xf32, #tpu.memory_space<vmem_shared>>) offsets(%arg13 : memref<80xi32, #tpu.memory_space<vmem>>) semaphore(%run_scoped3A : memref<!tpu.dma_semaphore, #tpu.memory_space<semaphore_mem>>) {add = true}
        %dma_wait3A_121 = arith.constant 0 : i32
        %dma_wait3A_122 = arith.constant 0 : i32
        %dma_wait3A_123 = tpu.memref_slice %arg8[%dma_wait3A_121, %dma_wait3A_122] : memref<10008x128xf32, #tpu.memory_space<vmem_shared>> -> memref<10008x128xf32, #tpu.memory_space<vmem_shared>>
        tpu.wait_indirect_dma semaphore(%run_scoped3A : memref<!tpu.dma_semaphore, #tpu.memory_space<semaphore_mem>>) src(%arg7 : memref<80x128xf32, #tpu.memory_space<vmem>>) dst(%dma_wait3A_123 : memref<10008x128xf32, #tpu.memory_space<vmem_shared>>)
        tpu.yield
      }) : () -> ()
      %add3A_78 = arith.constant 1 : i32
      %add3A_79 = arith.addi %add3A_63, %add3A_78 : i32
      %mul3A_80 = arith.constant 10000 : i32
      %mul3A_81 = arith.muli %add3A, %mul3A_80 : i32
      %min3A_82 = arith.constant 124 : i32
      %min3A_83 = arith.minsi %add3A_79, %min3A_82 : i32
      %mul3A_84 = arith.constant 80 : i32
      %mul3A_85 = arith.muli %min3A_83, %mul3A_84 : i32
      %add3A_86 = arith.addi %mul3A_81, %mul3A_85 : i32
      %dma_start3A_87 = tpu.memref_slice %arg3[%add3A_86] : memref<320000xi32, #tpu.memory_space<hbm>> -> memref<80xi32, #tpu.memory_space<hbm>>
      %dma_start3A_88 = tpu.memref_slice %arg3[%add3A_86] : memref<320000xi32, #tpu.memory_space<hbm>> -> memref<80xi32, #tpu.memory_space<hbm>>
      tpu.enqueue_dma source(%dma_start3A_88 : memref<80xi32, #tpu.memory_space<hbm>>) target(%arg12 : memref<80xi32, #tpu.memory_space<vmem>>) target_semaphore(%arg16 : memref<!tpu.dma_semaphore, #tpu.memory_space<semaphore_mem>>)
      %dma_start3A_89 = tpu.memref_slice %arg4[%add3A_86] : memref<320000xi32, #tpu.memory_space<hbm>> -> memref<80xi32, #tpu.memory_space<hbm>>
      %dma_start3A_90 = tpu.memref_slice %arg4[%add3A_86] : memref<320000xi32, #tpu.memory_space<hbm>> -> memref<80xi32, #tpu.memory_space<hbm>>
      tpu.enqueue_dma source(%dma_start3A_90 : memref<80xi32, #tpu.memory_space<hbm>>) target(%arg13 : memref<80xi32, #tpu.memory_space<vmem>>) target_semaphore(%arg16 : memref<!tpu.dma_semaphore, #tpu.memory_space<semaphore_mem>>)
      %dma_wait3A_91 = arith.constant 0 : i32
      %dma_wait3A_92 = tpu.memref_slice %arg3[%dma_wait3A_91] : memref<320000xi32, #tpu.memory_space<hbm>> -> memref<80xi32, #tpu.memory_space<hbm>>
      %dma_wait3A_93 = arith.constant 0 : i32
      %dma_wait3A_94 = tpu.memref_slice %arg3[%dma_wait3A_93] : memref<320000xi32, #tpu.memory_space<hbm>> -> memref<80xi32, #tpu.memory_space<hbm>>
      tpu.wait_dma2 semaphore(%arg16 : memref<!tpu.dma_semaphore, #tpu.memory_space<semaphore_mem>>) src(%dma_wait3A_94 : memref<80xi32, #tpu.memory_space<hbm>>) dst(%arg12 : memref<80xi32, #tpu.memory_space<vmem>>)
      %dma_wait3A_95 = arith.constant 0 : i32
      %dma_wait3A_96 = tpu.memref_slice %arg4[%dma_wait3A_95] : memref<320000xi32, #tpu.memory_space<hbm>> -> memref<80xi32, #tpu.memory_space<hbm>>
      %dma_wait3A_97 = arith.constant 0 : i32
      %dma_wait3A_98 = tpu.memref_slice %arg4[%dma_wait3A_97] : memref<320000xi32, #tpu.memory_space<hbm>> -> memref<80xi32, #tpu.memory_space<hbm>>
      tpu.wait_dma2 semaphore(%arg16 : memref<!tpu.dma_semaphore, #tpu.memory_space<semaphore_mem>>) src(%dma_wait3A_98 : memref<80xi32, #tpu.memory_space<hbm>>) dst(%arg13 : memref<80xi32, #tpu.memory_space<vmem>>)
      %dma_start3A_99 = arith.constant 0 : i32
      %dma_start3A_100 = arith.constant 0 : i32
      %dma_start3A_101 = tpu.memref_slice %arg2[%dma_start3A_99, %dma_start3A_100] : memref<10000x128xf32, #tpu.memory_space<hbm>> -> memref<10000x128xf32, #tpu.memory_space<hbm>>
      tpu.enqueue_indirect_dma source(%dma_start3A_101 : memref<10000x128xf32, #tpu.memory_space<hbm>>) target(%arg7 : memref<80x128xf32, #tpu.memory_space<vmem>>) offsets(%arg12 : memref<80xi32, #tpu.memory_space<vmem>>) semaphore(%arg9 : memref<!tpu.dma_semaphore, #tpu.memory_space<semaphore_mem>>)
      %dma_wait3A_102 = arith.constant 0 : i32
      %dma_wait3A_103 = arith.constant 0 : i32
      %dma_wait3A_104 = tpu.memref_slice %arg2[%dma_wait3A_102, %dma_wait3A_103] : memref<10000x128xf32, #tpu.memory_space<hbm>> -> memref<10000x128xf32, #tpu.memory_space<hbm>>
      tpu.wait_indirect_dma semaphore(%arg11 : memref<!tpu.dma_semaphore, #tpu.memory_space<semaphore_mem>>) src(%dma_wait3A_104 : memref<10000x128xf32, #tpu.memory_space<hbm>>) dst(%arg10 : memref<80x128xf32, #tpu.memory_space<vmem>>)
      "tpu.region"() ({
        %run_scoped3A = tpu.sem_alloc : memref<!tpu.dma_semaphore, #tpu.memory_space<semaphore_mem>>
        %dma_start3A_118 = arith.constant 0 : i32
        %dma_start3A_119 = arith.constant 0 : i32
        %dma_start3A_120 = tpu.memref_slice %arg8[%dma_start3A_118, %dma_start3A_119] : memref<10008x128xf32, #tpu.memory_space<vmem_shared>> -> memref<10008x128xf32, #tpu.memory_space<vmem_shared>>
        tpu.enqueue_indirect_dma source(%arg10 : memref<80x128xf32, #tpu.memory_space<vmem>>) target(%dma_start3A_120 : memref<10008x128xf32, #tpu.memory_space<vmem_shared>>) offsets(%arg15 : memref<80xi32, #tpu.memory_space<vmem>>) semaphore(%run_scoped3A : memref<!tpu.dma_semaphore, #tpu.memory_space<semaphore_mem>>) {add = true}
        %dma_wait3A_121 = arith.constant 0 : i32
        %dma_wait3A_122 = arith.constant 0 : i32
        %dma_wait3A_123 = tpu.memref_slice %arg8[%dma_wait3A_121, %dma_wait3A_122] : memref<10008x128xf32, #tpu.memory_space<vmem_shared>> -> memref<10008x128xf32, #tpu.memory_space<vmem_shared>>
        tpu.wait_indirect_dma semaphore(%run_scoped3A : memref<!tpu.dma_semaphore, #tpu.memory_space<semaphore_mem>>) src(%arg10 : memref<80x128xf32, #tpu.memory_space<vmem>>) dst(%dma_wait3A_123 : memref<10008x128xf32, #tpu.memory_space<vmem_shared>>)
        tpu.yield
      }) : () -> ()
      %add3A_105 = arith.constant 2 : i32
      %add3A_106 = arith.addi %add3A_63, %add3A_105 : i32
      %mul3A_107 = arith.constant 10000 : i32
      %mul3A_108 = arith.muli %add3A, %mul3A_107 : i32
      %min3A_109 = arith.constant 124 : i32
      %min3A_110 = arith.minsi %add3A_106, %min3A_109 : i32
      %mul3A_111 = arith.constant 80 : i32
      %mul3A_112 = arith.muli %min3A_110, %mul3A_111 : i32
      %add3A_113 = arith.addi %mul3A_108, %mul3A_112 : i32
      %dma_start3A_114 = tpu.memref_slice %arg3[%add3A_113] : memref<320000xi32, #tpu.memory_space<hbm>> -> memref<80xi32, #tpu.memory_space<hbm>>
      %dma_start3A_115 = tpu.memref_slice %arg3[%add3A_113] : memref<320000xi32, #tpu.memory_space<hbm>> -> memref<80xi32, #tpu.memory_space<hbm>>
      tpu.enqueue_dma source(%dma_start3A_115 : memref<80xi32, #tpu.memory_space<hbm>>) target(%arg14 : memref<80xi32, #tpu.memory_space<vmem>>) target_semaphore(%arg17 : memref<!tpu.dma_semaphore, #tpu.memory_space<semaphore_mem>>)
      %dma_start3A_116 = tpu.memref_slice %arg4[%add3A_113] : memref<320000xi32, #tpu.memory_space<hbm>> -> memref<80xi32, #tpu.memory_space<hbm>>
      %dma_start3A_117 = tpu.memref_slice %arg4[%add3A_113] : memref<320000xi32, #tpu.memory_space<hbm>> -> memref<80xi32, #tpu.memory_space<hbm>>
      tpu.enqueue_dma source(%dma_start3A_117 : memref<80xi32, #tpu.memory_space<hbm>>) target(%arg15 : memref<80xi32, #tpu.memory_space<vmem>>) target_semaphore(%arg17 : memref<!tpu.dma_semaphore, #tpu.memory_space<semaphore_mem>>)
    }
    %scan3A_41 = arith.constant 62 : i32
    %dma_wait3A_42 = arith.constant 0 : i32
    %dma_wait3A_43 = tpu.memref_slice %arg3[%dma_wait3A_42] : memref<320000xi32, #tpu.memory_space<hbm>> -> memref<80xi32, #tpu.memory_space<hbm>>
    %dma_wait3A_44 = arith.constant 0 : i32
    %dma_wait3A_45 = tpu.memref_slice %arg3[%dma_wait3A_44] : memref<320000xi32, #tpu.memory_space<hbm>> -> memref<80xi32, #tpu.memory_space<hbm>>
    tpu.wait_dma2 semaphore(%arg17 : memref<!tpu.dma_semaphore, #tpu.memory_space<semaphore_mem>>) src(%dma_wait3A_45 : memref<80xi32, #tpu.memory_space<hbm>>) dst(%arg14 : memref<80xi32, #tpu.memory_space<vmem>>)
    %dma_wait3A_46 = arith.constant 0 : i32
    %dma_wait3A_47 = tpu.memref_slice %arg4[%dma_wait3A_46] : memref<320000xi32, #tpu.memory_space<hbm>> -> memref<80xi32, #tpu.memory_space<hbm>>
    %dma_wait3A_48 = arith.constant 0 : i32
    %dma_wait3A_49 = tpu.memref_slice %arg4[%dma_wait3A_48] : memref<320000xi32, #tpu.memory_space<hbm>> -> memref<80xi32, #tpu.memory_space<hbm>>
    tpu.wait_dma2 semaphore(%arg17 : memref<!tpu.dma_semaphore, #tpu.memory_space<semaphore_mem>>) src(%dma_wait3A_49 : memref<80xi32, #tpu.memory_space<hbm>>) dst(%arg15 : memref<80xi32, #tpu.memory_space<vmem>>)
    %dma_wait3A_50 = arith.constant 0 : i32
    %dma_wait3A_51 = arith.constant 0 : i32
    %dma_wait3A_52 = tpu.memref_slice %arg2[%dma_wait3A_50, %dma_wait3A_51] : memref<10000x128xf32, #tpu.memory_space<hbm>> -> memref<10000x128xf32, #tpu.memory_space<hbm>>
    tpu.wait_indirect_dma semaphore(%arg9 : memref<!tpu.dma_semaphore, #tpu.memory_space<semaphore_mem>>) src(%dma_wait3A_52 : memref<10000x128xf32, #tpu.memory_space<hbm>>) dst(%arg7 : memref<80x128xf32, #tpu.memory_space<vmem>>)
    "tpu.region"() ({
      %run_scoped3A = tpu.sem_alloc : memref<!tpu.dma_semaphore, #tpu.memory_space<semaphore_mem>>
      %dma_start3A_59 = arith.constant 0 : i32
      %dma_start3A_60 = arith.constant 0 : i32
      %dma_start3A_61 = tpu.memref_slice %arg8[%dma_start3A_59, %dma_start3A_60] : memref<10008x128xf32, #tpu.memory_space<vmem_shared>> -> memref<10008x128xf32, #tpu.memory_space<vmem_shared>>
      tpu.enqueue_indirect_dma source(%arg7 : memref<80x128xf32, #tpu.memory_space<vmem>>) target(%dma_start3A_61 : memref<10008x128xf32, #tpu.memory_space<vmem_shared>>) offsets(%arg13 : memref<80xi32, #tpu.memory_space<vmem>>) semaphore(%run_scoped3A : memref<!tpu.dma_semaphore, #tpu.memory_space<semaphore_mem>>) {add = true}
      %dma_wait3A_62 = arith.constant 0 : i32
      %dma_wait3A_63 = arith.constant 0 : i32
      %dma_wait3A_64 = tpu.memref_slice %arg8[%dma_wait3A_62, %dma_wait3A_63] : memref<10008x128xf32, #tpu.memory_space<vmem_shared>> -> memref<10008x128xf32, #tpu.memory_space<vmem_shared>>
      tpu.wait_indirect_dma semaphore(%run_scoped3A : memref<!tpu.dma_semaphore, #tpu.memory_space<semaphore_mem>>) src(%arg7 : memref<80x128xf32, #tpu.memory_space<vmem>>) dst(%dma_wait3A_64 : memref<10008x128xf32, #tpu.memory_space<vmem_shared>>)
      tpu.yield
    }) : () -> ()
    %barrier3A_53 = arith.constant 0 : index
    tpu.barrier barrier_id(%barrier3A_53)
    "tpu.region"() ({
      %run_scoped3A = tpu.sem_alloc : memref<!tpu.dma_semaphore, #tpu.memory_space<semaphore_mem>>
      %dma_start3A_59 = arith.constant 0 : i32
      %dma_start3A_60 = tpu.memref_slice %arg6[%arg0, %mul3A_2, %dma_start3A_59] : memref<2x10000x128xf32, #tpu.memory_space<hbm>> -> memref<1x624x128xf32, #tpu.memory_space<hbm>>
      %dma_start3A_61 = tpu.memref_squeeze %dma_start3A_60 : memref<1x624x128xf32, #tpu.memory_space<hbm>> -> memref<624x128xf32, #tpu.memory_space<hbm>>
      %dma_start3A_62 = arith.constant 0 : i32
      %dma_start3A_63 = tpu.memref_slice %arg8[%mul3A_2, %dma_start3A_62] : memref<10008x128xf32, #tpu.memory_space<vmem_shared>> -> memref<624x128xf32, #tpu.memory_space<vmem_shared>>
      tpu.enqueue_dma source(%dma_start3A_63 : memref<624x128xf32, #tpu.memory_space<vmem_shared>>) target(%dma_start3A_61 : memref<624x128xf32, #tpu.memory_space<hbm>>) target_semaphore(%run_scoped3A : memref<!tpu.dma_semaphore, #tpu.memory_space<semaphore_mem>>)
      %dma_wait3A_64 = arith.constant 0 : i32
      %dma_wait3A_65 = tpu.memref_slice %arg6[%arg0, %mul3A_2, %dma_wait3A_64] : memref<2x10000x128xf32, #tpu.memory_space<hbm>> -> memref<1x624x128xf32, #tpu.memory_space<hbm>>
      %dma_wait3A_66 = tpu.memref_squeeze %dma_wait3A_65 : memref<1x624x128xf32, #tpu.memory_space<hbm>> -> memref<624x128xf32, #tpu.memory_space<hbm>>
      %dma_wait3A_67 = arith.constant 0 : i32
      %dma_wait3A_68 = tpu.memref_slice %arg8[%mul3A_2, %dma_wait3A_67] : memref<10008x128xf32, #tpu.memory_space<vmem_shared>> -> memref<624x128xf32, #tpu.memory_space<vmem_shared>>
      tpu.wait_dma2 semaphore(%run_scoped3A : memref<!tpu.dma_semaphore, #tpu.memory_space<semaphore_mem>>) src(%dma_wait3A_68 : memref<624x128xf32, #tpu.memory_space<vmem_shared>>) dst(%dma_wait3A_66 : memref<624x128xf32, #tpu.memory_space<hbm>>)
      tpu.yield
    }) : () -> ()
    %eq3A_54 = arith.constant 0 : i32
    %eq3A_55 = arith.cmpi eq, %arg1, %eq3A_54 : i32
    %convert_element_type3A_56 = arith.extui %eq3A_55 : i1 to i32
    %cond3A_57 = arith.constant 0 : i32
    %cond3A_58 = arith.cmpi ne, %convert_element_type3A_56, %cond3A_57 : i32
    scf.if %cond3A_58 {
      "tpu.region"() ({
        %run_scoped3A = tpu.sem_alloc : memref<!tpu.dma_semaphore, #tpu.memory_space<semaphore_mem>>
        %dma_start3A_59 = arith.constant 9984 : i32
        %dma_start3A_60 = arith.constant 0 : i32
        %dma_start3A_61 = tpu.memref_slice %arg6[%arg0, %dma_start3A_59, %dma_start3A_60] : memref<2x10000x128xf32, #tpu.memory_space<hbm>> -> memref<1x16x128xf32, #tpu.memory_space<hbm>>
        %dma_start3A_62 = tpu.memref_squeeze %dma_start3A_61 : memref<1x16x128xf32, #tpu.memory_space<hbm>> -> memref<16x128xf32, #tpu.memory_space<hbm>>
        %dma_start3A_63 = arith.constant 9984 : i32
        %dma_start3A_64 = arith.constant 0 : i32
        %dma_start3A_65 = tpu.memref_slice %arg8[%dma_start3A_63, %dma_start3A_64] : memref<10008x128xf32, #tpu.memory_space<vmem_shared>> -> memref<16x128xf32, #tpu.memory_space<vmem_shared>>
        tpu.enqueue_dma source(%dma_start3A_65 : memref<16x128xf32, #tpu.memory_space<vmem_shared>>) target(%dma_start3A_62 : memref<16x128xf32, #tpu.memory_space<hbm>>) target_semaphore(%run_scoped3A : memref<!tpu.dma_semaphore, #tpu.memory_space<semaphore_mem>>)
        %dma_wait3A_66 = arith.constant 9984 : i32
        %dma_wait3A_67 = arith.constant 0 : i32
        %dma_wait3A_68 = tpu.memref_slice %arg6[%arg0, %dma_wait3A_66, %dma_wait3A_67] : memref<2x10000x128xf32, #tpu.memory_space<hbm>> -> memref<1x16x128xf32, #tpu.memory_space<hbm>>
        %dma_wait3A_69 = tpu.memref_squeeze %dma_wait3A_68 : memref<1x16x128xf32, #tpu.memory_space<hbm>> -> memref<16x128xf32, #tpu.memory_space<hbm>>
        %dma_wait3A_70 = arith.constant 9984 : i32
        %dma_wait3A_71 = arith.constant 0 : i32
        %dma_wait3A_72 = tpu.memref_slice %arg8[%dma_wait3A_70, %dma_wait3A_71] : memref<10008x128xf32, #tpu.memory_space<vmem_shared>> -> memref<16x128xf32, #tpu.memory_space<vmem_shared>>
        tpu.wait_dma2 semaphore(%run_scoped3A : memref<!tpu.dma_semaphore, #tpu.memory_space<semaphore_mem>>) src(%dma_wait3A_72 : memref<16x128xf32, #tpu.memory_space<vmem_shared>>) dst(%dma_wait3A_69 : memref<16x128xf32, #tpu.memory_space<hbm>>)
        tpu.yield
      }) : () -> ()
    } else {
    }
    return
  }
}

module attributes {stable_mosaic.version = 14 : i64} {
  func.func @_tc1_body(%arg0: i32, %arg1: memref<1000x128xf32, #tpu.memory_space<vmem>>, %arg2: memref<2x1000x128xf32, #tpu.memory_space<vmem>>, %arg3: memref<2x1000x128xf32, #tpu.memory_space<vmem>>, %arg4: memref<128x256xf32, #tpu.memory_space<vmem>>, %arg5: memref<128x256xf32, #tpu.memory_space<vmem>>, %arg6: memref<1x256xf32, #tpu.memory_space<vmem>>, %arg7: memref<1000x128xf32, #tpu.memory_space<vmem>>, %arg8: memref<1000x128xf32, #tpu.memory_space<vmem>>) attributes {dimension_semantics = [#tpu.dimension_semantics<arbitrary>], iteration_bounds = array<i64: 10>, scalar_prefetch = 0 : i64, scratch_operands = 0 : i64, tpu.core_type = #tpu.core_type<tc>, window_params = [{transform_indices = @transform_0, window_bounds = array<i64: 1000, 128>}, {transform_indices = @transform_1, window_bounds = array<i64: 2, 1000, 128>}, {transform_indices = @transform_2, window_bounds = array<i64: 2, 1000, 128>}, {pipeline_mode = #tpu.pipeline_mode<synchronous>, transform_indices = @transform_3, window_bounds = array<i64: 128, 256>}, {pipeline_mode = #tpu.pipeline_mode<synchronous>, transform_indices = @transform_4, window_bounds = array<i64: 128, 256>}, {pipeline_mode = #tpu.pipeline_mode<synchronous>, transform_indices = @transform_5, window_bounds = array<i64: 1, 256>}, {transform_indices = @transform_6, window_bounds = array<i64: 1000, 128>}, {transform_indices = @transform_7, window_bounds = array<i64: 1000, 128>}]} {
    %get3A = arith.constant 0 : index
    %get3A_0 = arith.constant 0 : index
    %get3A_1 = arith.constant 0 : index
    %get3A_2 = vector.load %arg3[%get3A, %get3A_0, %get3A_1] : memref<2x1000x128xf32, #tpu.memory_space<vmem>>, vector<2x1000x128xf32>
    %slice3A = vector.extract_strided_slice %get3A_2 {offsets = [0, 0, 0], sizes = [1, 1000, 1], strides = [1, 1, 1]} : vector<2x1000x128xf32> to vector<1x1000x1xf32>
    %squeeze3A = vector.shape_cast %slice3A : vector<1x1000x1xf32> to vector<1000x1xf32>
    %slice3A_3 = vector.extract_strided_slice %get3A_2 {offsets = [1, 0, 0], sizes = [1, 1000, 1], strides = [1, 1, 1]} : vector<2x1000x128xf32> to vector<1x1000x1xf32>
    %squeeze3A_4 = vector.shape_cast %slice3A_3 : vector<1x1000x1xf32> to vector<1000x1xf32>
    %add3A = arith.addf %squeeze3A, %squeeze3A_4 : vector<1000x1xf32>
    %max3A = arith.constant 1.000000e+00 : f32
    %max3A_5 = vector.broadcast %max3A : f32 to vector<1000x1xf32>
    %max3A_6 = arith.maximumf %add3A, %max3A_5 : vector<1000x1xf32>
    %div3A = arith.constant 1.000000e+00 : f32
    %div3A_7 = vector.broadcast %div3A : f32 to vector<1000x1xf32>
    %div3A_8 = arith.divf %div3A_7, %max3A_6 : vector<1000x1xf32>
    %get3A_9 = arith.constant 0 : index
    %get3A_10 = arith.constant 0 : index
    %get3A_11 = arith.constant 0 : index
    %get3A_12 = vector.load %arg2[%get3A_9, %get3A_10, %get3A_11] : memref<2x1000x128xf32, #tpu.memory_space<vmem>>, vector<1x1000x128xf32>
    %get3A_13 = vector.shape_cast %get3A_12 : vector<1x1000x128xf32> to vector<1000x128xf32>
    %get3A_14 = arith.constant 1 : index
    %get3A_15 = arith.constant 0 : index
    %get3A_16 = arith.constant 0 : index
    %get3A_17 = vector.load %arg2[%get3A_14, %get3A_15, %get3A_16] : memref<2x1000x128xf32, #tpu.memory_space<vmem>>, vector<1x1000x128xf32>
    %get3A_18 = vector.shape_cast %get3A_17 : vector<1x1000x128xf32> to vector<1000x128xf32>
    %add3A_19 = arith.addf %get3A_13, %get3A_18 : vector<1000x128xf32>
    %mul3A = vector.broadcast %div3A_8 : vector<1000x1xf32> to vector<1000x128xf32>
    %mul3A_20 = arith.mulf %add3A_19, %mul3A : vector<1000x128xf32>
    %get3A_21 = arith.constant 0 : index
    %get3A_22 = arith.constant 0 : index
    %get3A_23 = vector.load %arg1[%get3A_21, %get3A_22] : memref<1000x128xf32, #tpu.memory_space<vmem>>, vector<1000x128xf32>
    %get3A_24 = arith.constant 0 : index
    %get3A_25 = arith.constant 0 : index
    %get3A_26 = vector.load %arg4[%get3A_24, %get3A_25] : memref<128x256xf32, #tpu.memory_space<vmem>>, vector<128x256xf32>
    %dot_general3A = arith.constant dense<0.000000e+00> : vector<1000x256xf32>
    %dot_general3A_27 = tpu.matmul %get3A_23, %get3A_26, %dot_general3A {dimension_numbers = #tpu.dot_dimension_numbers<[1], [0], [0], [1], [0, 0, 1, 1], [], []>, transpose_lhs_hint = false} : vector<1000x128xf32>, vector<128x256xf32>, vector<1000x256xf32> -> vector<1000x256xf32>
    %get3A_28 = arith.constant 0 : index
    %get3A_29 = arith.constant 0 : index
    %get3A_30 = vector.load %arg5[%get3A_28, %get3A_29] : memref<128x256xf32, #tpu.memory_space<vmem>>, vector<128x256xf32>
    %dot_general3A_31 = arith.constant dense<0.000000e+00> : vector<1000x256xf32>
    %dot_general3A_32 = tpu.matmul %mul3A_20, %get3A_30, %dot_general3A_31 {dimension_numbers = #tpu.dot_dimension_numbers<[1], [0], [0], [1], [0, 0, 1, 1], [], []>, transpose_lhs_hint = false} : vector<1000x128xf32>, vector<128x256xf32>, vector<1000x256xf32> -> vector<1000x256xf32>
    %add3A_33 = arith.addf %dot_general3A_27, %dot_general3A_32 : vector<1000x256xf32>
    %get3A_34 = arith.constant 0 : index
    %get3A_35 = arith.constant 0 : index
    %get3A_36 = vector.load %arg6[%get3A_34, %get3A_35] : memref<1x256xf32, #tpu.memory_space<vmem>>, vector<1x256xf32>
    %add3A_37 = vector.broadcast %get3A_36 : vector<1x256xf32> to vector<1000x256xf32>
    %add3A_38 = arith.addf %add3A_33, %add3A_37 : vector<1000x256xf32>
    %max3A_39 = arith.constant 0.000000e+00 : f32
    %max3A_40 = vector.broadcast %max3A_39 : f32 to vector<1000x256xf32>
    %max3A_41 = arith.maximumf %add3A_38, %max3A_40 : vector<1000x256xf32>
    %slice3A_42 = vector.extract_strided_slice %max3A_41 {offsets = [0, 0], sizes = [1000, 128], strides = [1, 1]} : vector<1000x256xf32> to vector<1000x128xf32>
    %swap3A = arith.constant 0 : index
    %swap3A_43 = arith.constant 0 : index
    %swap3A_44 = vector.load %arg7[%swap3A, %swap3A_43] : memref<1000x128xf32, #tpu.memory_space<vmem>>, vector<1000x128xf32>
    tpu.vector_store %arg7[%swap3A, %swap3A_43], %slice3A_42 {strides = array<i32>} : memref<1000x128xf32, #tpu.memory_space<vmem>>, vector<1000x128xf32>,
    %slice3A_45 = vector.extract_strided_slice %max3A_41 {offsets = [0, 128], sizes = [1000, 128], strides = [1, 1]} : vector<1000x256xf32> to vector<1000x128xf32>
    %swap3A_46 = arith.constant 0 : index
    %swap3A_47 = arith.constant 0 : index
    %swap3A_48 = vector.load %arg8[%swap3A_46, %swap3A_47] : memref<1000x128xf32, #tpu.memory_space<vmem>>, vector<1000x128xf32>
    tpu.vector_store %arg8[%swap3A_46, %swap3A_47], %slice3A_45 {strides = array<i32>} : memref<1000x128xf32, #tpu.memory_space<vmem>>, vector<1000x128xf32>,
    return
  }
  func.func @transform_0(%arg0: i32) -> (i32, i32) {
    %c0_i32 = arith.constant 0 : i32
    %c0_i32_0 = arith.constant 0 : i32
    return %arg0, %c0_i32 : i32, i32
  }
  func.func @transform_1(%arg0: i32) -> (i32, i32, i32) {
    %c0_i32 = arith.constant 0 : i32
    %c0_i32_0 = arith.constant 0 : i32
    %c0_i32_1 = arith.constant 0 : i32
    return %c0_i32, %arg0, %c0_i32_0 : i32, i32, i32
  }
  func.func @transform_2(%arg0: i32) -> (i32, i32, i32) {
    %c0_i32 = arith.constant 0 : i32
    %c0_i32_0 = arith.constant 0 : i32
    %c0_i32_1 = arith.constant 0 : i32
    return %c0_i32, %arg0, %c0_i32_0 : i32, i32, i32
  }
  func.func @transform_3(%arg0: i32) -> (i32, i32) {
    %c0_i32 = arith.constant 0 : i32
    %c0_i32_0 = arith.constant 0 : i32
    %c0_i32_1 = arith.constant 0 : i32
    return %c0_i32, %c0_i32_0 : i32, i32
  }
  func.func @transform_4(%arg0: i32) -> (i32, i32) {
    %c0_i32 = arith.constant 0 : i32
    %c0_i32_0 = arith.constant 0 : i32
    %c0_i32_1 = arith.constant 0 : i32
    return %c0_i32, %c0_i32_0 : i32, i32
  }
  func.func @transform_5(%arg0: i32) -> (i32, i32) {
    %c0_i32 = arith.constant 0 : i32
    %c0_i32_0 = arith.constant 0 : i32
    %c0_i32_1 = arith.constant 0 : i32
    return %c0_i32, %c0_i32_0 : i32, i32
  }
  func.func @transform_6(%arg0: i32) -> (i32, i32) {
    %c0_i32 = arith.constant 0 : i32
    %c0_i32_0 = arith.constant 0 : i32
    return %arg0, %c0_i32 : i32, i32
  }
  func.func @transform_7(%arg0: i32) -> (i32, i32) {
    %c0_i32 = arith.constant 0 : i32
    %c0_i32_0 = arith.constant 0 : i32
    return %arg0, %c0_i32 : i32, i32
  }
}

module attributes {stable_mosaic.version = 14 : i64} {
  func.func @_tc2_body(%arg0: i32, %arg1: memref<1000x128xf32, #tpu.memory_space<vmem>>, %arg2: memref<1000x128xf32, #tpu.memory_space<vmem>>, %arg3: memref<2x1000x128xf32, #tpu.memory_space<vmem>>, %arg4: memref<2x1000x128xf32, #tpu.memory_space<vmem>>, %arg5: memref<2x1000x128xf32, #tpu.memory_space<vmem>>, %arg6: memref<256x256xf32, #tpu.memory_space<vmem>>, %arg7: memref<256x256xf32, #tpu.memory_space<vmem>>, %arg8: memref<1x256xf32, #tpu.memory_space<vmem>>, %arg9: memref<256x128xf32, #tpu.memory_space<vmem>>, %arg10: memref<256x128xf32, #tpu.memory_space<vmem>>, %arg11: memref<1x128xf32, #tpu.memory_space<vmem>>, %arg12: memref<1000x128xf32, #tpu.memory_space<vmem>>, %arg13: memref<1000x128xf32, #tpu.memory_space<vmem>>) attributes {dimension_semantics = [#tpu.dimension_semantics<arbitrary>], iteration_bounds = array<i64: 10>, scalar_prefetch = 0 : i64, scratch_operands = 0 : i64, tpu.core_type = #tpu.core_type<tc>, window_params = [{transform_indices = @transform_0, window_bounds = array<i64: 1000, 128>}, {transform_indices = @transform_1, window_bounds = array<i64: 1000, 128>}, {transform_indices = @transform_2, window_bounds = array<i64: 2, 1000, 128>}, {transform_indices = @transform_3, window_bounds = array<i64: 2, 1000, 128>}, {transform_indices = @transform_4, window_bounds = array<i64: 2, 1000, 128>}, {pipeline_mode = #tpu.pipeline_mode<synchronous>, transform_indices = @transform_5, window_bounds = array<i64: 256, 256>}, {pipeline_mode = #tpu.pipeline_mode<synchronous>, transform_indices = @transform_6, window_bounds = array<i64: 256, 256>}, {pipeline_mode = #tpu.pipeline_mode<synchronous>, transform_indices = @transform_7, window_bounds = array<i64: 1, 256>}, {pipeline_mode = #tpu.pipeline_mode<synchronous>, transform_indices = @transform_8, window_bounds = array<i64: 256, 128>}, {pipeline_mode = #tpu.pipeline_mode<synchronous>, transform_indices = @transform_9, window_bounds = array<i64: 256, 128>}, {pipeline_mode = #tpu.pipeline_mode<synchronous>, transform_indices = @transform_10, window_bounds = array<i64: 1, 128>}, {transform_indices = @transform_11, window_bounds = array<i64: 1000, 128>}, {transform_indices = @transform_12, window_bounds = array<i64: 1000, 128>}]} {
    %get3A = arith.constant 0 : index
    %get3A_0 = arith.constant 0 : index
    %get3A_1 = arith.constant 0 : index
    %get3A_2 = vector.load %arg5[%get3A, %get3A_0, %get3A_1] : memref<2x1000x128xf32, #tpu.memory_space<vmem>>, vector<2x1000x128xf32>
    %slice3A = vector.extract_strided_slice %get3A_2 {offsets = [0, 0, 0], sizes = [1, 1000, 1], strides = [1, 1, 1]} : vector<2x1000x128xf32> to vector<1x1000x1xf32>
    %squeeze3A = vector.shape_cast %slice3A : vector<1x1000x1xf32> to vector<1000x1xf32>
    %slice3A_3 = vector.extract_strided_slice %get3A_2 {offsets = [1, 0, 0], sizes = [1, 1000, 1], strides = [1, 1, 1]} : vector<2x1000x128xf32> to vector<1x1000x1xf32>
    %squeeze3A_4 = vector.shape_cast %slice3A_3 : vector<1x1000x1xf32> to vector<1000x1xf32>
    %add3A = arith.addf %squeeze3A, %squeeze3A_4 : vector<1000x1xf32>
    %max3A = arith.constant 1.000000e+00 : f32
    %max3A_5 = vector.broadcast %max3A : f32 to vector<1000x1xf32>
    %max3A_6 = arith.maximumf %add3A, %max3A_5 : vector<1000x1xf32>
    %div3A = arith.constant 1.000000e+00 : f32
    %div3A_7 = vector.broadcast %div3A : f32 to vector<1000x1xf32>
    %div3A_8 = arith.divf %div3A_7, %max3A_6 : vector<1000x1xf32>
    %get3A_9 = arith.constant 0 : index
    %get3A_10 = arith.constant 0 : index
    %get3A_11 = arith.constant 0 : index
    %get3A_12 = vector.load %arg3[%get3A_9, %get3A_10, %get3A_11] : memref<2x1000x128xf32, #tpu.memory_space<vmem>>, vector<1x1000x128xf32>
    %get3A_13 = vector.shape_cast %get3A_12 : vector<1x1000x128xf32> to vector<1000x128xf32>
    %get3A_14 = arith.constant 1 : index
    %get3A_15 = arith.constant 0 : index
    %get3A_16 = arith.constant 0 : index
    %get3A_17 = vector.load %arg3[%get3A_14, %get3A_15, %get3A_16] : memref<2x1000x128xf32, #tpu.memory_space<vmem>>, vector<1x1000x128xf32>
    %get3A_18 = vector.shape_cast %get3A_17 : vector<1x1000x128xf32> to vector<1000x128xf32>
    %add3A_19 = arith.addf %get3A_13, %get3A_18 : vector<1000x128xf32>
    %mul3A = vector.broadcast %div3A_8 : vector<1000x1xf32> to vector<1000x128xf32>
    %mul3A_20 = arith.mulf %add3A_19, %mul3A : vector<1000x128xf32>
    %get3A_21 = arith.constant 0 : index
    %get3A_22 = arith.constant 0 : index
    %get3A_23 = arith.constant 0 : index
    %get3A_24 = vector.load %arg4[%get3A_21, %get3A_22, %get3A_23] : memref<2x1000x128xf32, #tpu.memory_space<vmem>>, vector<1x1000x128xf32>
    %get3A_25 = vector.shape_cast %get3A_24 : vector<1x1000x128xf32> to vector<1000x128xf32>
    %get3A_26 = arith.constant 1 : index
    %get3A_27 = arith.constant 0 : index
    %get3A_28 = arith.constant 0 : index
    %get3A_29 = vector.load %arg4[%get3A_26, %get3A_27, %get3A_28] : memref<2x1000x128xf32, #tpu.memory_space<vmem>>, vector<1x1000x128xf32>
    %get3A_30 = vector.shape_cast %get3A_29 : vector<1x1000x128xf32> to vector<1000x128xf32>
    %add3A_31 = arith.addf %get3A_25, %get3A_30 : vector<1000x128xf32>
    %mul3A_32 = vector.broadcast %div3A_8 : vector<1000x1xf32> to vector<1000x128xf32>
    %mul3A_33 = arith.mulf %add3A_31, %mul3A_32 : vector<1000x128xf32>
    %get3A_34 = arith.constant 0 : index
    %get3A_35 = arith.constant 0 : index
    %get3A_36 = vector.load %arg6[%get3A_34, %get3A_35] : memref<256x256xf32, #tpu.memory_space<vmem>>, vector<256x256xf32>
    %get3A_37 = arith.constant 0 : index
    %get3A_38 = arith.constant 0 : index
    %get3A_39 = vector.load %arg7[%get3A_37, %get3A_38] : memref<256x256xf32, #tpu.memory_space<vmem>>, vector<256x256xf32>
    %get3A_40 = arith.constant 0 : index
    %get3A_41 = arith.constant 0 : index
    %get3A_42 = vector.load %arg1[%get3A_40, %get3A_41] : memref<1000x128xf32, #tpu.memory_space<vmem>>, vector<1000x128xf32>
    %slice3A_43 = vector.extract_strided_slice %get3A_36 {offsets = [0, 0], sizes = [128, 256], strides = [1, 1]} : vector<256x256xf32> to vector<128x256xf32>
    %dot_general3A = arith.constant dense<0.000000e+00> : vector<1000x256xf32>
    %dot_general3A_44 = tpu.matmul %get3A_42, %slice3A_43, %dot_general3A {dimension_numbers = #tpu.dot_dimension_numbers<[1], [0], [0], [1], [0, 0, 1, 1], [], []>, transpose_lhs_hint = false} : vector<1000x128xf32>, vector<128x256xf32>, vector<1000x256xf32> -> vector<1000x256xf32>
    %get3A_45 = arith.constant 0 : index
    %get3A_46 = arith.constant 0 : index
    %get3A_47 = vector.load %arg2[%get3A_45, %get3A_46] : memref<1000x128xf32, #tpu.memory_space<vmem>>, vector<1000x128xf32>
    %slice3A_48 = vector.extract_strided_slice %get3A_36 {offsets = [128, 0], sizes = [128, 256], strides = [1, 1]} : vector<256x256xf32> to vector<128x256xf32>
    %dot_general3A_49 = arith.constant dense<0.000000e+00> : vector<1000x256xf32>
    %dot_general3A_50 = tpu.matmul %get3A_47, %slice3A_48, %dot_general3A_49 {dimension_numbers = #tpu.dot_dimension_numbers<[1], [0], [0], [1], [0, 0, 1, 1], [], []>, transpose_lhs_hint = false} : vector<1000x128xf32>, vector<128x256xf32>, vector<1000x256xf32> -> vector<1000x256xf32>
    %add3A_51 = arith.addf %dot_general3A_44, %dot_general3A_50 : vector<1000x256xf32>
    %slice3A_52 = vector.extract_strided_slice %get3A_39 {offsets = [0, 0], sizes = [128, 256], strides = [1, 1]} : vector<256x256xf32> to vector<128x256xf32>
    %dot_general3A_53 = arith.constant dense<0.000000e+00> : vector<1000x256xf32>
    %dot_general3A_54 = tpu.matmul %mul3A_20, %slice3A_52, %dot_general3A_53 {dimension_numbers = #tpu.dot_dimension_numbers<[1], [0], [0], [1], [0, 0, 1, 1], [], []>, transpose_lhs_hint = false} : vector<1000x128xf32>, vector<128x256xf32>, vector<1000x256xf32> -> vector<1000x256xf32>
    %add3A_55 = arith.addf %add3A_51, %dot_general3A_54 : vector<1000x256xf32>
    %slice3A_56 = vector.extract_strided_slice %get3A_39 {offsets = [128, 0], sizes = [128, 256], strides = [1, 1]} : vector<256x256xf32> to vector<128x256xf32>
    %dot_general3A_57 = arith.constant dense<0.000000e+00> : vector<1000x256xf32>
    %dot_general3A_58 = tpu.matmul %mul3A_33, %slice3A_56, %dot_general3A_57 {dimension_numbers = #tpu.dot_dimension_numbers<[1], [0], [0], [1], [0, 0, 1, 1], [], []>, transpose_lhs_hint = false} : vector<1000x128xf32>, vector<128x256xf32>, vector<1000x256xf32> -> vector<1000x256xf32>
    %add3A_59 = arith.addf %add3A_55, %dot_general3A_58 : vector<1000x256xf32>
    %get3A_60 = arith.constant 0 : index
    %get3A_61 = arith.constant 0 : index
    %get3A_62 = vector.load %arg8[%get3A_60, %get3A_61] : memref<1x256xf32, #tpu.memory_space<vmem>>, vector<1x256xf32>
    %add3A_63 = vector.broadcast %get3A_62 : vector<1x256xf32> to vector<1000x256xf32>
    %add3A_64 = arith.addf %add3A_59, %add3A_63 : vector<1000x256xf32>
    %max3A_65 = arith.constant 0.000000e+00 : f32
    %max3A_66 = vector.broadcast %max3A_65 : f32 to vector<1000x256xf32>
    %max3A_67 = arith.maximumf %add3A_64, %max3A_66 : vector<1000x256xf32>
    %get3A_68 = arith.constant 0 : index
    %get3A_69 = arith.constant 0 : index
    %get3A_70 = vector.load %arg9[%get3A_68, %get3A_69] : memref<256x128xf32, #tpu.memory_space<vmem>>, vector<256x128xf32>
    %dot_general3A_71 = arith.constant dense<0.000000e+00> : vector<1000x128xf32>
    %dot_general3A_72 = tpu.matmul %max3A_67, %get3A_70, %dot_general3A_71 {dimension_numbers = #tpu.dot_dimension_numbers<[1], [0], [0], [1], [0, 0, 1, 1], [], []>, transpose_lhs_hint = false} : vector<1000x256xf32>, vector<256x128xf32>, vector<1000x128xf32> -> vector<1000x128xf32>
    %swap3A = arith.constant 0 : index
    %swap3A_73 = arith.constant 0 : index
    %swap3A_74 = vector.load %arg12[%swap3A, %swap3A_73] : memref<1000x128xf32, #tpu.memory_space<vmem>>, vector<1000x128xf32>
    tpu.vector_store %arg12[%swap3A, %swap3A_73], %dot_general3A_72 {strides = array<i32>} : memref<1000x128xf32, #tpu.memory_space<vmem>>, vector<1000x128xf32>,
    %get3A_75 = arith.constant 0 : index
    %get3A_76 = arith.constant 0 : index
    %get3A_77 = vector.load %arg10[%get3A_75, %get3A_76] : memref<256x128xf32, #tpu.memory_space<vmem>>, vector<256x128xf32>
    %dot_general3A_78 = arith.constant dense<0.000000e+00> : vector<1000x128xf32>
    %dot_general3A_79 = tpu.matmul %max3A_67, %get3A_77, %dot_general3A_78 {dimension_numbers = #tpu.dot_dimension_numbers<[1], [0], [0], [1], [0, 0, 1, 1], [], []>, transpose_lhs_hint = false} : vector<1000x256xf32>, vector<256x128xf32>, vector<1000x128xf32> -> vector<1000x128xf32>
    %get3A_80 = arith.constant 0 : index
    %get3A_81 = arith.constant 0 : index
    %get3A_82 = vector.load %arg11[%get3A_80, %get3A_81] : memref<1x128xf32, #tpu.memory_space<vmem>>, vector<1x128xf32>
    %add3A_83 = vector.broadcast %get3A_82 : vector<1x128xf32> to vector<1000x128xf32>
    %add3A_84 = arith.addf %dot_general3A_79, %add3A_83 : vector<1000x128xf32>
    %swap3A_85 = arith.constant 0 : index
    %swap3A_86 = arith.constant 0 : index
    %swap3A_87 = vector.load %arg13[%swap3A_85, %swap3A_86] : memref<1000x128xf32, #tpu.memory_space<vmem>>, vector<1000x128xf32>
    tpu.vector_store %arg13[%swap3A_85, %swap3A_86], %add3A_84 {strides = array<i32>} : memref<1000x128xf32, #tpu.memory_space<vmem>>, vector<1000x128xf32>,
    return
  }
  func.func @transform_0(%arg0: i32) -> (i32, i32) {
    %c0_i32 = arith.constant 0 : i32
    %c0_i32_0 = arith.constant 0 : i32
    return %arg0, %c0_i32 : i32, i32
  }
  func.func @transform_1(%arg0: i32) -> (i32, i32) {
    %c0_i32 = arith.constant 0 : i32
    %c0_i32_0 = arith.constant 0 : i32
    return %arg0, %c0_i32 : i32, i32
  }
  func.func @transform_2(%arg0: i32) -> (i32, i32, i32) {
    %c0_i32 = arith.constant 0 : i32
    %c0_i32_0 = arith.constant 0 : i32
    %c0_i32_1 = arith.constant 0 : i32
    return %c0_i32, %arg0, %c0_i32_0 : i32, i32, i32
  }
  func.func @transform_3(%arg0: i32) -> (i32, i32, i32) {
    %c0_i32 = arith.constant 0 : i32
    %c0_i32_0 = arith.constant 0 : i32
    %c0_i32_1 = arith.constant 0 : i32
    return %c0_i32, %arg0, %c0_i32_0 : i32, i32, i32
  }
  func.func @transform_4(%arg0: i32) -> (i32, i32, i32) {
    %c0_i32 = arith.constant 0 : i32
    %c0_i32_0 = arith.constant 0 : i32
    %c0_i32_1 = arith.constant 0 : i32
    return %c0_i32, %arg0, %c0_i32_0 : i32, i32, i32
  }
  func.func @transform_5(%arg0: i32) -> (i32, i32) {
    %c0_i32 = arith.constant 0 : i32
    %c0_i32_0 = arith.constant 0 : i32
    %c0_i32_1 = arith.constant 0 : i32
    return %c0_i32, %c0_i32_0 : i32, i32
  }
  func.func @transform_6(%arg0: i32) -> (i32, i32) {
    %c0_i32 = arith.constant 0 : i32
    %c0_i32_0 = arith.constant 0 : i32
    %c0_i32_1 = arith.constant 0 : i32
    return %c0_i32, %c0_i32_0 : i32, i32
  }
  func.func @transform_7(%arg0: i32) -> (i32, i32) {
    %c0_i32 = arith.constant 0 : i32
    %c0_i32_0 = arith.constant 0 : i32
    %c0_i32_1 = arith.constant 0 : i32
    return %c0_i32, %c0_i32_0 : i32, i32
  }
  func.func @transform_8(%arg0: i32) -> (i32, i32) {
    %c0_i32 = arith.constant 0 : i32
    %c0_i32_0 = arith.constant 0 : i32
    %c0_i32_1 = arith.constant 0 : i32
    return %c0_i32, %c0_i32_0 : i32, i32
  }
  func.func @transform_9(%arg0: i32) -> (i32, i32) {
    %c0_i32 = arith.constant 0 : i32
    %c0_i32_0 = arith.constant 0 : i32
    %c0_i32_1 = arith.constant 0 : i32
    return %c0_i32, %c0_i32_0 : i32, i32
  }
  func.func @transform_10(%arg0: i32) -> (i32, i32) {
    %c0_i32 = arith.constant 0 : i32
    %c0_i32_0 = arith.constant 0 : i32
    %c0_i32_1 = arith.constant 0 : i32
    return %c0_i32, %c0_i32_0 : i32, i32
  }
  func.func @transform_11(%arg0: i32) -> (i32, i32) {
    %c0_i32 = arith.constant 0 : i32
    %c0_i32_0 = arith.constant 0 : i32
    return %arg0, %c0_i32 : i32, i32
  }
  func.func @transform_12(%arg0: i32) -> (i32, i32) {
    %c0_i32 = arith.constant 0 : i32
    %c0_i32_0 = arith.constant 0 : i32
    return %arg0, %c0_i32 : i32, i32
  }
}

module attributes {stable_mosaic.version = 14 : i64} {
  func.func @_tc3_body(%arg0: i32, %arg1: memref<1000x128xf32, #tpu.memory_space<vmem>>, %arg2: memref<2x1000x128xf32, #tpu.memory_space<vmem>>, %arg3: memref<2x1000x128xf32, #tpu.memory_space<vmem>>, %arg4: memref<1000x128xf32, #tpu.memory_space<vmem>>) attributes {dimension_semantics = [#tpu.dimension_semantics<arbitrary>], iteration_bounds = array<i64: 10>, scalar_prefetch = 0 : i64, scratch_operands = 0 : i64, tpu.core_type = #tpu.core_type<tc>, window_params = [{transform_indices = @transform_0, window_bounds = array<i64: 1000, 128>}, {transform_indices = @transform_1, window_bounds = array<i64: 2, 1000, 128>}, {transform_indices = @transform_2, window_bounds = array<i64: 2, 1000, 128>}, {transform_indices = @transform_3, window_bounds = array<i64: 1000, 128>}]} {
    %get3A = arith.constant 0 : index
    %get3A_0 = arith.constant 0 : index
    %get3A_1 = arith.constant 0 : index
    %get3A_2 = vector.load %arg3[%get3A, %get3A_0, %get3A_1] : memref<2x1000x128xf32, #tpu.memory_space<vmem>>, vector<2x1000x128xf32>
    %slice3A = vector.extract_strided_slice %get3A_2 {offsets = [0, 0, 0], sizes = [1, 1000, 1], strides = [1, 1, 1]} : vector<2x1000x128xf32> to vector<1x1000x1xf32>
    %squeeze3A = vector.shape_cast %slice3A : vector<1x1000x1xf32> to vector<1000x1xf32>
    %slice3A_3 = vector.extract_strided_slice %get3A_2 {offsets = [1, 0, 0], sizes = [1, 1000, 1], strides = [1, 1, 1]} : vector<2x1000x128xf32> to vector<1x1000x1xf32>
    %squeeze3A_4 = vector.shape_cast %slice3A_3 : vector<1x1000x1xf32> to vector<1000x1xf32>
    %add3A = arith.addf %squeeze3A, %squeeze3A_4 : vector<1000x1xf32>
    %max3A = arith.constant 1.000000e+00 : f32
    %max3A_5 = vector.broadcast %max3A : f32 to vector<1000x1xf32>
    %max3A_6 = arith.maximumf %add3A, %max3A_5 : vector<1000x1xf32>
    %div3A = arith.constant 1.000000e+00 : f32
    %div3A_7 = vector.broadcast %div3A : f32 to vector<1000x1xf32>
    %div3A_8 = arith.divf %div3A_7, %max3A_6 : vector<1000x1xf32>
    %get3A_9 = arith.constant 0 : index
    %get3A_10 = arith.constant 0 : index
    %get3A_11 = vector.load %arg1[%get3A_9, %get3A_10] : memref<1000x128xf32, #tpu.memory_space<vmem>>, vector<1000x128xf32>
    %get3A_12 = arith.constant 0 : index
    %get3A_13 = arith.constant 0 : index
    %get3A_14 = arith.constant 0 : index
    %get3A_15 = vector.load %arg2[%get3A_12, %get3A_13, %get3A_14] : memref<2x1000x128xf32, #tpu.memory_space<vmem>>, vector<1x1000x128xf32>
    %get3A_16 = vector.shape_cast %get3A_15 : vector<1x1000x128xf32> to vector<1000x128xf32>
    %get3A_17 = arith.constant 1 : index
    %get3A_18 = arith.constant 0 : index
    %get3A_19 = arith.constant 0 : index
    %get3A_20 = vector.load %arg2[%get3A_17, %get3A_18, %get3A_19] : memref<2x1000x128xf32, #tpu.memory_space<vmem>>, vector<1x1000x128xf32>
    %get3A_21 = vector.shape_cast %get3A_20 : vector<1x1000x128xf32> to vector<1000x128xf32>
    %add3A_22 = arith.addf %get3A_16, %get3A_21 : vector<1000x128xf32>
    %mul3A = vector.broadcast %div3A_8 : vector<1000x1xf32> to vector<1000x128xf32>
    %mul3A_23 = arith.mulf %add3A_22, %mul3A : vector<1000x128xf32>
    %add3A_24 = arith.addf %get3A_11, %mul3A_23 : vector<1000x128xf32>
    %swap3A = arith.constant 0 : index
    %swap3A_25 = arith.constant 0 : index
    %swap3A_26 = vector.load %arg4[%swap3A, %swap3A_25] : memref<1000x128xf32, #tpu.memory_space<vmem>>, vector<1000x128xf32>
    tpu.vector_store %arg4[%swap3A, %swap3A_25], %add3A_24 {strides = array<i32>} : memref<1000x128xf32, #tpu.memory_space<vmem>>, vector<1000x128xf32>,
    return
  }
  func.func @transform_0(%arg0: i32) -> (i32, i32) {
    %c0_i32 = arith.constant 0 : i32
    %c0_i32_0 = arith.constant 0 : i32
    return %arg0, %c0_i32 : i32, i32
  }
  func.func @transform_1(%arg0: i32) -> (i32, i32, i32) {
    %c0_i32 = arith.constant 0 : i32
    %c0_i32_0 = arith.constant 0 : i32
    %c0_i32_1 = arith.constant 0 : i32
    return %c0_i32, %arg0, %c0_i32_0 : i32, i32, i32
  }
  func.func @transform_2(%arg0: i32) -> (i32, i32, i32) {
    %c0_i32 = arith.constant 0 : i32
    %c0_i32_0 = arith.constant 0 : i32
    %c0_i32_1 = arith.constant 0 : i32
    return %c0_i32, %arg0, %c0_i32_0 : i32, i32, i32
  }
  func.func @transform_3(%arg0: i32) -> (i32, i32) {
    %c0_i32 = arith.constant 0 : i32
    %c0_i32_0 = arith.constant 0 : i32
    return %arg0, %c0_i32 : i32, i32
  }
}

</mosaic_0001>

<sc_bundles>
// kernel: kernel.10.cloned.1.call-start
scs
__scs_entry_jumppad:
0x0: {  	(pc) =	sbr.rel $0x88, $3  }
0x1: {  	(tag) =	ssettag $0x0;
	lr =	simm.s32 $0x1  }
0x2: {  	[smem:$0x3F96] =	sst lr;
	_ =	strace $0xD0000000  }
0x3: {  	_ = 	snop  }
0x4: {  	_ = 	snop  }
0x5: {  	_ = 	snop  }
0x6: {  	_ = 	snop  }
0x7: {  	_ = 	snop  }
__scs_overlays_trampoline_lowered:
0x8: {  	[smem:$0x3FA5] =	sst s0  }
0x9: {  	[smem:$0x3FA6] =	sst s1  }
0xa: {  	[smem:$0x3FA7] =	sst s2  }
0xb: {  	[smem:$0x3FA8] =	sst s3  }
0xc: {  	[smem:$0x3FA9] =	sst s4  }
0xd: {  	[smem:$0x3FAA] =	sst s5  }
0xe: {  	[smem:$0x3FAB] =	sst s6  }
0xf: {  	[smem:$0x3FAC] =	sst s7  }
0x10: {  	[smem:$0x3FAD] =	sst s8  }
0x11: {  	[smem:$0x3FAE] =	sst s9;
	s0 =	simm.s32 @!p0 $0x0  }
0x12: {  	s1 =	sld [smem:$0x3F94];
	s0 =	simm.s32 @p0 $0x1  }
0x13: {  	[smem:$0x3FAF] =	sst s0;
	s0 =	simm.s32 @!p1 $0x0  }
0x14: {  	s2 =	sld [smem:$0x3F93];
	s0 =	simm.s32 @p1 $0x1  }
0x15: {  	[smem:$0x3FB0] =	sst s0;
	s0 =	simm.s32 @!p2 $0x0  }
0x16: {  	s3 =	sld [smem:$0x3FDB];
	s0 =	simm.s32 @p2 $0x1  }
0x17: {  	s4 =	simm.s32 $0x1BF5;
	[smem:$0x3FB2] =	sst s0  }
0x18: {  	s0 =	sld [smem:$0x3F95];
	_ =	swait.ge [sflag:s4], $0x0  }
0x19: {  	s7 =	sld [smem:$0x3F96]  }
0x1a: {  	s8 =	sadd.s32 $0xFFFFE003, lr  }
0x1b: {  	s9 =	sadd.s32 $0xFFFFFEF7, lr;
	s5 =	simm.s32 $0xFFFFFFFF;
	p2 =	slt.u32 s8, $0xFFFFF086  }
0x1c: {  	p1 =	slt.u32 s9, $0xF7A;
	s5 =	simm.s32 @!p2 $0x0  }
0x1d: {  	s5 =	simm.s32 @p1 $0x1;
	p0 =	seq.s32 s7, s2  }
0x1e: {  	s7 =	smul.u32 @!p0 $0xF7A, s2;
	p2 =	seq.s32 @!p0 s5, $0x0  }
0x1f: {  	s9 =	smul.u32 $0xF7A, s1;
	s8 =	simm.s32 @!p0 $0x1BF5;
	p2 =	por !p2, p0  }
0x20: {  	[sflag:s8] =	ssyncset.s32 @!p0 $0xFFFFF086;
	s6 =	sadd.s32 @!p0 s3, s7;
	s7 =	simm.s32 @!p0 $0x108  }
0x21: {  	s3 =	sadd.s32 s3, s9;
	s6 =	sadd.s32 @!p0 $0x88, s6;
	s7 =	simm.s32 @p2 $0x1082  }
0x22: {  	[simem:s7], [sflag:s8] =	dma.local @!p0 [hbm:s6], $0xF7A  }
0x23: {  	s9 =	sor.u32 $0xD0000000, s2;
	s6 =	simm.s32 $0x108;
	_ =	swait.ge @!p0 [sflag:s8], $0x0  }
0x24: {  	s3 =	sadd.s32 $0x88, s3;
	s6 =	simm.s32 @!p1 $0x1082;
	[sflag:s4] =	ssyncset.s32 $0xFFFFF086  }
0x25: {  	[simem:s6], [sflag:s4] =	dma.local [hbm:s3], $0xF7A  }
0x26: {  	[smem:$0x3F96] =	sst s1;
	(tag) =	ssettag s2;
	_ =	strace s9  }
0x27: {  	s1 =	sld [smem:$0x3FA6]  }
0x28: {  	s2 =	sld [smem:$0x3FA7]  }
0x29: {  	s4 =	sld [smem:$0x3FA9]  }
0x2a: {  	p0 =	seq.s32 s5, $0x0;
	s5 =	sld [smem:$0x3FAA]  }
0x2b: {  	s6 =	sld [smem:$0x3FAB]  }
0x2c: {  	s7 =	sld [smem:$0x3FAC]  }
0x2d: {  	s3 =	simm.s32 $0x108;
	s8 =	sld [smem:$0x3FAD]  }
0x2e: {  	s3 =	simm.s32 @!p0 $0x1082;
	s9 =	sld [smem:$0x3FAE]  }
0x2f: {  	lr =	sadd.s32 s0, s3;
	s0 =	sld [smem:$0x3FA5]  }
0x30: {  	s3 =	sld [smem:$0x3FA8]  }
0x31: {  	[smem:$0x3FB1] =	sst s10  }
0x32: {  	s10 =	sld [smem:$0x3FAF];
	_ =	sdelay $0x3  }
0x33: {  	p0 =	seq.s32 s10, $0x1;
	s10 =	sld [smem:$0x3FB1];
	_ =	sdelay $0x3  }
0x34: {  	[smem:$0x3FB1] =	sst s10  }
0x35: {  	s10 =	sld [smem:$0x3FB0];
	_ =	sdelay $0x3  }
0x36: {  	p1 =	seq.s32 s10, $0x1;
	s10 =	sld [smem:$0x3FB1];
	_ =	sdelay $0x3  }
0x37: {  	[smem:$0x3FB1] =	sst s10  }
0x38: {  	s10 =	sld [smem:$0x3FB2]  }
0x39: {  	_ = 	snop;
	(pc) =	sbr.ind lr, $3  }
0x3a: {  	_ = 	snop  }
0x3b: {  	_ = 	snop  }
0x3c: {  	p2 =	seq.s32 s10, $0x1;
	s10 =	sld [smem:$0x3FB1]  }
0x3d: {  	_ =	shalt  }
0x3e: {  	_ =	shalt  }
0x3f: {  	_ =	shalt  }
0x40: {  	_ =	shalt  }
0x41: {  	_ =	shalt  }
0x42: {  	_ =	shalt  }
0x43: {  	_ =	shalt  }
0x44: {  	_ =	shalt  }
0x45: {  	_ =	shalt  }
0x46: {  	_ =	shalt  }
0x47: {  	_ =	shalt  }
0x48: {  	_ =	shalt  }
0x49: {  	_ =	shalt  }
0x4a: {  	_ =	shalt  }
0x4b: {  	_ =	shalt  }
0x4c: {  	_ =	shalt  }
0x4d: {  	_ =	shalt  }
0x4e: {  	_ =	shalt  }
0x4f: {  	_ =	shalt  }
0x50: {  	_ =	shalt  }
0x51: {  	_ =	shalt  }
0x52: {  	_ =	shalt  }
0x53: {  	_ =	shalt  }
0x54: {  	_ =	shalt  }
0x55: {  	_ =	shalt  }
0x56: {  	_ =	shalt  }
0x57: {  	_ =	shalt  }
0x58: {  	_ =	shalt  }
0x59: {  	_ =	shalt  }
0x5a: {  	_ =	shalt  }
0x5b: {  	_ =	shalt  }
0x5c: {  	_ =	shalt  }
0x5d: {  	_ =	shalt  }
0x5e: {  	_ =	shalt  }
0x5f: {  	_ =	shalt  }
0x60: {  	_ =	shalt  }
0x61: {  	_ =	shalt  }
0x62: {  	_ =	shalt  }
0x63: {  	_ =	shalt  }
0x64: {  	_ =	shalt  }
0x65: {  	_ =	shalt  }
0x66: {  	_ =	shalt  }
0x67: {  	_ =	shalt  }
0x68: {  	_ =	shalt  }
0x69: {  	_ =	shalt  }
0x6a: {  	_ =	shalt  }
0x6b: {  	_ =	shalt  }
0x6c: {  	_ =	shalt  }
0x6d: {  	_ =	shalt  }
0x6e: {  	_ =	shalt  }
0x6f: {  	_ =	shalt  }
0x70: {  	_ =	shalt  }
0x71: {  	_ =	shalt  }
0x72: {  	_ =	shalt  }
0x73: {  	_ =	shalt  }
0x74: {  	_ =	shalt  }
0x75: {  	_ =	shalt  }
0x76: {  	_ =	shalt  }
0x77: {  	_ =	shalt  }
0x78: {  	_ =	shalt  }
0x79: {  	_ =	shalt  }
0x7a: {  	_ =	shalt  }
0x7b: {  	_ =	shalt  }
0x7c: {  	_ =	shalt  }
0x7d: {  	_ =	shalt  }
0x7e: {  	_ =	shalt  }
0x7f: {  	_ =	shalt  }
0x80: {  	_ =	shalt  }
0x81: {  	_ =	shalt  }
0x82: {  	_ =	shalt  }
0x83: {  	_ =	shalt  }
0x84: {  	_ =	shalt  }
0x85: {  	_ =	shalt  }
0x86: {  	_ =	shalt  }
0x87: {  	_ =	shalt  }
.Lfunc_end0:
.L_simem_size_0:
called_computation_lowered:
.L_overlay_start_0:
0x88: {  	s2 =	sld [smem:$0x3FD9]  }
0x89: {  	s3 =	sld [smem:$0x3FFE];
	_ =	sdelay $0x1  }
0x8a: {  	s1 =	srdreg.scid  }
0x8b: {  	s0 =	sand.u32 $0x1, s1  }
0x8c: {  	s17 =	sshll.u32 s0, $0xA;
	s2 =	sadd.s32 s3, s2  }
0x8d: {  	s2 =	sadd.s32 s2, s17  }
0x8e: {  	[smem:$0x3FBD] =	sst s2  }
0x8f: {  	_ = 	snop  }
0x90: {  	s2 =	sld [smem:$0x3FD0];
	(tm) =	ssettm $0x1  }
0x91: {  	s18 =	sld [smem:$0x3FFB];
	_ =	sdelay $0x3  }
0x92: {  	_ =	strace s18  }
0x93: {  	s3 =	sld [smem:$0x3FFC];
	_ =	sdelay $0x3  }
0x94: {  	_ =	strace s3  }
0x95: {  	s3 =	sld [smem:$0x3FFD];
	_ =	sdelay $0x3  }
0x96: {  	_ =	strace s3  }
0x97: {  	_ =	strace $0x8FFFFFFF  }
0x98: {  	s19 =	sld [smem:$0x3FDB];
	_ =	sdelay $0x1  }
0x99: {  	s4 =	simm.s32 $_scs_section_size  }
0x9a: {  	s5 =	simm.s32 $_size__tile_overlayer_lowered;
	s6 =	simm.s32 $_tile_overlayer_lowered  }
0x9b: {  	s22 =	simm.s32 $0x1BFF;
	s21 =	sshll.u32 s6, $0x1;
	s3 =	sadd.s32 s4, s19  }
0x9c: {  	s7 =	simm.s32 $0x0;
	s20 =	sshll.u32 s5, $0x1;
	s5 =	sadd.s32 s21, s3  }
0x9d: {  	[timem:s7], [sflag:s22] =	dma.local [hbm:s5], s20  }
0x9e: {  	_ =	swait.ge [sflag:s22], s20  }
0x9f: {  	s4 =	ssub.s32 $0x0, s20;
	[sflag:s22] =	ssyncset.done $0x0  }
0xa0: {  	[sflag:s22] =	ssyncadd.s32 s4;
	_ =	sdelay $0x1  }
0xa1: {  	s23 =	simm.s32 $0x1B8B  }
0xa2: {  	_ =	swait.ge [sflag:s23], $0x1  }
0xa3: {  	[sflag:s23] =	ssyncset.done $0x0  }
0xa4: {  	s25 =	simm.s32 $0x1B8E;
	s24 =	sld [smem:$0x3FFE];
	[sflag:s23] =	ssyncadd.s32 $0xFFFFFFFF  }
0xa5: {  	s26 =	simm.s32 $execute0_lowered;
	[smem:$0x3FD2] =	sst s25  }
0xa6: {  	s5 =	sshll.u32 s26, $0x1;
	_ =	strace $0x80000046;
	[dreg:$0x1] =	wrdreg $0xFFFFFFFF  }
0xa7: {  	s28 =	simm.s32 $_size_execute0_lowered;
	s3 =	sadd.s32 s3, s5;
	[dreg:$0x0] =	wrdreg $0x0  }
0xa8: {  	s5 =	sshll.u32 s28, $0x1;
	[dreg:$0x2] =	wrdreg s3  }
0xa9: {  	[dreg:$0x3] =	wrdreg s5  }
0xaa: {  	[dreg:$0x4] =	wrdreg $0xC0  }
0xab: {  	_ =	task [dreg:s7], $0x5FFFF  }
0xac: {  	[dreg:$0x1] =	wrdreg $0xFFFFFFFF  }
0xad: {  	[dreg:$0x0] =	wrdreg $0x60  }
0xae: {  	[dreg:$0x2] =	wrdreg s24  }
0xaf: {  	[dreg:$0x3] =	wrdreg s2  }
0xb0: {  	[dreg:$0x4] =	wrdreg $0x28000  }
0xb1: {  	[dreg:$0x5] =	wrdreg $0x9  }
0xb2: {  	_ =	task.clear_ibuf [dreg:s7], $0x6FFFF;
	_ =	strace $0x90000046  }
0xb3: {  	s29 =	simm.s32 $0x9;
	_ =	strace $0x80000048  }
0xb4: {  	_ =	swait.ge [sflag:s29], $0x1  }
0xb5: {  	[sflag:s29] =	ssyncadd.s32 $0xFFFFFFFF  }
0xb6: {  	_ =	strace $0x90000048  }
0xb7: {  	_ =	sfence  }
0xb8: {  	s30 =	sld [smem:$0x0];
	_ =	sdelay $0x2  }
0xb9: {  	s31 =	sshll.u32 s1, $0xD;
	s1 =	sshrl.u32 s1, $0x2  }
0xba: {  	s3 =	sand.u32 $0x4000, s31;
	s1 =	sadd.s32 s1, s30  }
0xbb: {  	s0 =	sor.u32 s3, s0;
	s1 =	sshll.u32 s1, $0x11  }
0xbc: {  	s0 =	sor.u32 s1, s0  }
0xbd: {  	s0 =	sadd.s32 $0x8F2B, s0  }
0xbe: {  	[sflag:s0] =	ssyncadd.remote.s32 $0x1  }
0xbf: {  	_ =	sfence.sel $0xFFFF  }
0xc0: {  	[dreg:$0x0] =	wrdreg $0xFFFFFFFF;
	(pc) =	sbr.abs _section_cstart, $3  }
0xc1: {  	[dreg:$0x1] =	wrdreg $0xFFFFFFFF  }
0xc2: {  	_ =	task.clear_ibuf [dreg:s7], $0x2FFFF;
	_ =	strace $0x9FFFFFFF  }
0xc3: {  	(tm) =	ssettm $0x7FFFFFFF  }
tec
execute0_lowered:
.L_overlay_start_1:
0x0: {  	(tag) =	ssettag $0x1  }
0x1: {  	s5 =	rddreg [dreg:$0x0]  }
0x2: {  	s7 =	rddreg [dreg:$0x1]  }
0x3: {  	s1 =	rddreg [dreg:$0x2]  }
0x4: {  	s0 =	rddreg [dreg:$0x3]  }
0x5: {  	s2 =	simm.s32 $0x0;
	s3 =	srdreg.scid;
	s16 =	stileid.u32  }
0x6: {  	s19 =	simm.s32 $0x160C0;
	s20 =	simm.s32 $0x16140;
	s21 =	simm.s32 $0x1  }
0x7: {  	s22 =	simm.s32 $0x50;
	s23 =	simm.s32 $0x2;
	[smem:$0x7FF] =	sst s2  }
0x8: {  	s9 =	sand.u32 $0x1, s3;
	s3 =	sadd.s32 $0x3C00, s5;
	s8 =	smul.u32 $0x4E000, s16  }
0x9: {  	s4 =	sadd.s32 $0x17800, s5;
	s10 =	sadd.s32 $0x17E00, s5;
	s11 =	sshll.u32 s16, $0x1  }
0xa: {  	s12 =	smul.u32 $0x13800, s16;
	s28 =	sshll.u32 s16, $0x6;
	s18 =	sadd.s32 $0x138000, s1  }
0xb: {  	s30 =	smul.u32 $0x4E20, s16;
	p0 =	sne.s32 s16, $0x0;
	_ =	strace $0x80000047  }
0xc: {  	s6 =	ssub.s32 $0x2, s9;
	s25 =	sor.u32 s9, s11;
	s14 =	smul.u32 $0x138800, s9  }
0xd: {  	s15 =	smul.u32 $0x2710, s9;
	s18 =	sshrl.u32 @!p0 s18, $0x3;
	s24 =	sshrl.u32 s6, $0x1  }
0xe: {  	s8 =	sshrl.u32 s8, $0x2;
	s26 =	sshrl.u32 s12, $0x3;
	s11 =	smul.u32 $0x2710, s25  }
0xf: {  	s13 =	ssub.s32 s6, s24;
	s17 =	sadd.s32 s8, s1;
	s5 =	sadd.s32 s7, s26  }
0x10: {  	s6 =	sor.u32 $0x1C03, s28;
	s7 =	sadd.s32 $0x27000, s7;
	s12 =	sadd.s32 s12, s14  }
0x11: {  	s14 =	sshrl.u32 s14, $0x3;
	s15 =	sadd.s32 s15, s30;
	s24 =	simm.s32 $0x0  }
0x12: {  	s29 =	sshrl.u32 s11, $0x3;
	s12 =	sshrl.u32 s12, $0x3;
	s14 =	sadd.s32 s10, s14  }
0x13: {  	s31 =	sadd.s32 $0xF0, s15;
	s15 =	sadd.s32 $0xA0, s15;
	s16 =	sshrl.u32 s17, $0x3  }
0x14: {  	s17 =	simm.s32 $0x3;
	s8 =	sadd.s32 s3, s29;
	s10 =	sadd.s32 s10, s12  }
0x15: {  	s11 =	sadd.s32 $0x27000, s14;
	s12 =	smax.u32 s13, $0x1;
	s14 =	sshrl.u32 s31, $0x3  }
0x16: {  	s9 =	sadd.s32 $0xA, s8;
	s13 =	sadd.s32 $0x4D8, s8;
	s14 =	sadd.s32 s14, s3  }
.LBB2_1:
0x17: {  	[spmem:s16], [sflag:s6] =	dma.local [hbm:s5], $0x2700  }
0x18: {  	_ =	swait.ge [sflag:s17], $0x2700  }
0x19: {  	[sflag:s17] =	ssyncset.done $0x0  }
0x1a: {  	[sflag:s17] =	ssyncadd.s32 $0xFFFFD900  }
0x1b: {  	[tilespmem:s2], [sflag:$0x3] =	stream.linear.gather [hbm4b:s4+s2], $0x2800, $0x38;
	[tilespmem:$0x161C0] =	vst v63  }
0x1c: {  	_ =	swait.ge [sflag:s17], $0x2800  }
0x1d: {  	[sflag:s17] =	ssyncset.done $0x0  }
0x1e: {  	s25 =	simm.s32 @!p0 $0x3;
	[sflag:s17] =	ssyncadd.s32 $0xFFFFD800  }
0x1f: {  	[spmem:s18], [sflag:s6] =	dma.local @!p0 [hbm:s7], $0x100  }
0x20: {  	_ =	swait.ge @!p0 [sflag:s25], $0x100  }
0x21: {  	[sflag:s25] =	ssyncset.done @!p0 $0x0  }
0x22: {  	[sflag:s25] =	ssyncadd.s32 @!p0 $0xFFFFFF00  }
0x23: {  	[bflag:$0x0] =	sbarrier.arrive $0xFFFF  }
0x24: {  	[tilespmem:s19], [sflag:$0x1] =	stream.linear.gather [hbm4b:s8+s2], $0x50, $0x38;
	[tilespmem:$0x161C0] =	vst v63  }
0x25: {  	_ = 	snop  }
0x26: {  	[tilespmem:s20], [sflag:$0x2] =	stream.linear.gather [hbm4b:s9+s2], $0x50, $0x38;
	[tilespmem:$0x161C0] =	vst v63  }
0x27: {  	_ =	swait.ge [sflag:s21], $0x50  }
0x28: {  	[sflag:s21] =	ssyncset.done $0x0  }
0x29: {  	[sflag:s21] =	ssyncadd.s32 $0xFFFFFFB0  }
0x2a: {  	[spmem:s1] =	stream.indirect.scatter.add.f32 [tilespmem:s2], [sflag:$0x3], $0x80, s19, s22, $0xb8;
	[tilespmem:$0x161C0] =	vst v63  }
0x2b: {  	_ =	swait.ge [sflag:s17], $0x2800  }
0x2c: {  	s31 =	sshrl.u32 s15, $0x3;
	[sflag:s17] =	ssyncset.done $0x0  }
0x2d: {  	s25 =	sadd.s32 s3, s31;
	[sflag:s17] =	ssyncadd.s32 $0xFFFFD800  }
0x2e: {  	[tilespmem:s19], [sflag:$0x1] =	stream.linear.gather [hbm4b:s25+s2], $0x50, $0x38;
	[tilespmem:$0x161C0] =	vst v63  }
0x2f: {  	_ =	swait.ge [sflag:s23], $0x50  }
0x30: {  	[sflag:s23] =	ssyncset.done $0x0  }
0x31: {  	[sflag:s23] =	ssyncadd.s32 $0xFFFFFFB0  }
0x32: {  	[spmem:s1] =	stream.indirect.scatter.add.f32 [tilespmem:s2], [sflag:$0x3], $0x80, s20, s22, $0xb8;
	[tilespmem:$0x161C0] =	vst v63  }
0x33: {  	_ =	swait.ge [sflag:s17], $0x2800  }
0x34: {  	s28 =	sadd.s32 $0x0, s14;
	[sflag:s17] =	ssyncset.done $0x0  }
0x35: {  	s26 =	sadd.s32 $0xA0, s15;
	s25 =	simm.s32 $0x14;
	[sflag:s17] =	ssyncadd.s32 $0xFFFFD800  }
.LBB2_2:
0x36: {  	[tilespmem:s20], [sflag:$0x2] =	stream.linear.gather [hbm4b:s28+s2], $0x50, $0x38;
	[tilespmem:$0x161C0] =	vst v63  }
0x37: {  	s28 =	smov.u32 s25  }
0x38: {  	p1 =	sne.s32 s25, $0x4B0;
	s25 =	sadd.s32 $0x14, s25;
	_ =	swait.ge [sflag:s21], $0x50  }
0x39: {  	[sflag:s21] =	ssyncset.done $0x0  }
0x3a: {  	[sflag:s21] =	ssyncadd.s32 $0xFFFFFFB0  }
0x3b: {  	[spmem:s1] =	stream.indirect.scatter.add.f32 [tilespmem:s2], [sflag:$0x3], $0x80, s19, s22, $0xb8;
	[tilespmem:$0x161C0] =	vst v63  }
0x3c: {  	_ =	swait.ge [sflag:s17], $0x2800  }
0x3d: {  	s29 =	sshrl.u32 s26, $0x3;
	[sflag:s17] =	ssyncset.done $0x0  }
0x3e: {  	s29 =	sadd.s32 s3, s29;
	[sflag:s17] =	ssyncadd.s32 $0xFFFFD800  }
0x3f: {  	[tilespmem:s19], [sflag:$0x1] =	stream.linear.gather [hbm4b:s29+s2], $0x50, $0x38;
	[tilespmem:$0x161C0] =	vst v63  }
0x40: {  	_ =	swait.ge [sflag:s23], $0x50  }
0x41: {  	[sflag:s23] =	ssyncset.done $0x0  }
.Ltmp0:
0x42: {  	[sflag:s23] =	ssyncadd.s32 $0xFFFFFFB0;
	(pc) =	sbr.rel @p1 .LBB2_2-.Ltmp0, $4  }
0x43: {  	[spmem:s1] =	stream.indirect.scatter.add.f32 [tilespmem:s2], [sflag:$0x3], $0x80, s20, s22, $0xb8;
	[tilespmem:$0x161C0] =	vst v63  }
0x44: {  	_ =	swait.ge [sflag:s17], $0x2800  }
0x45: {  	[sflag:s17] =	ssyncset.done $0x0  }
0x46: {  	s26 =	sadd.s32 $0xA0, s26;
	s28 =	sadd.s32 s28, s14;
	[sflag:s17] =	ssyncadd.s32 $0xFFFFD800  }
0x47: {  	[tilespmem:s20], [sflag:$0x2] =	stream.linear.gather [hbm4b:s28+s2], $0x50, $0x38;
	[tilespmem:$0x161C0] =	vst v63  }
0x48: {  	_ =	swait.ge [sflag:s21], $0x50  }
0x49: {  	[sflag:s21] =	ssyncset.done $0x0  }
0x4a: {  	[sflag:s21] =	ssyncadd.s32 $0xFFFFFFB0  }
0x4b: {  	[spmem:s1] =	stream.indirect.scatter.add.f32 [tilespmem:s2], [sflag:$0x3], $0x80, s19, s22, $0xb8;
	[tilespmem:$0x161C0] =	vst v63  }
0x4c: {  	_ =	swait.ge [sflag:s17], $0x2800  }
0x4d: {  	[sflag:s17] =	ssyncset.done $0x0  }
0x4e: {  	[sflag:s17] =	ssyncadd.s32 $0xFFFFD800  }
0x4f: {  	[tilespmem:s19], [sflag:$0x1] =	stream.linear.gather [hbm4b:s13+s2], $0x50, $0x38;
	[tilespmem:$0x161C0] =	vst v63  }
0x50: {  	_ =	swait.ge [sflag:s23], $0x50  }
0x51: {  	[sflag:s23] =	ssyncset.done $0x0  }
0x52: {  	[sflag:s23] =	ssyncadd.s32 $0xFFFFFFB0  }
0x53: {  	[spmem:s1] =	stream.indirect.scatter.add.f32 [tilespmem:s2], [sflag:$0x3], $0x80, s20, s22, $0xb8;
	[tilespmem:$0x161C0] =	vst v63  }
0x54: {  	_ =	swait.ge [sflag:s17], $0x2800  }
0x55: {  	[sflag:s17] =	ssyncset.done $0x0  }
0x56: {  	[sflag:s17] =	ssyncadd.s32 $0xFFFFD800  }
0x57: {  	[tilespmem:s20], [sflag:$0x2] =	stream.linear.gather [hbm4b:s13+s2], $0x50, $0x38;
	[tilespmem:$0x161C0] =	vst v63  }
0x58: {  	_ =	swait.ge [sflag:s21], $0x50  }
0x59: {  	[sflag:s21] =	ssyncset.done $0x0  }
0x5a: {  	[sflag:s21] =	ssyncadd.s32 $0xFFFFFFB0  }
0x5b: {  	[spmem:s1] =	stream.indirect.scatter.add.f32 [tilespmem:s2], [sflag:$0x3], $0x80, s19, s22, $0xb8;
	[tilespmem:$0x161C0] =	vst v63  }
0x5c: {  	_ =	swait.ge [sflag:s17], $0x2800  }
0x5d: {  	[sflag:s17] =	ssyncset.done $0x0  }
0x5e: {  	[sflag:s17] =	ssyncadd.s32 $0xFFFFD800  }
0x5f: {  	_ =	swait.ge [sflag:s23], $0x50  }
0x60: {  	[sflag:s23] =	ssyncset.done $0x0  }
0x61: {  	[sflag:s23] =	ssyncadd.s32 $0xFFFFFFB0  }
0x62: {  	[bflag:$0x0] =	sbarrier.arrive $0xFFFF  }
0x63: {  	[hbm:s10], [sflag:s6] =	dma.local [spmem:s16], $0x2700  }
0x64: {  	s24 =	sadd.s32 $0x1, s24;
	_ =	swait.ge [sflag:s17], $0x2700  }
0x65: {  	p1 =	sne.s32 s24, s12;
	[sflag:s17] =	ssyncset.done $0x0  }
.Ltmp1:
0x66: {  	s25 =	simm.s32 @!p0 $0x3;
	[sflag:s17] =	ssyncadd.s32 $0xFFFFD900;
	(pc) =	sbr.rel @p1 .LBB2_1-.Ltmp1, $4  }
0x67: {  	[hbm:s11], [sflag:s6] =	dma.local @!p0 [spmem:s18], $0x100  }
0x68: {  	_ =	swait.ge @!p0 [sflag:s25], $0x100  }
0x69: {  	[sflag:s25] =	ssyncset.done @!p0 $0x0  }
0x6a: {  	[sflag:s25] =	ssyncadd.s32 @!p0 $0xFFFFFF00  }
0x6b: {  	_ =	sfence.sel $0x180000  }
0x6c: {  	[bflag:$0x0] =	sbarrier.arrive $0xFFFF  }
0x6d: {  	_ =	strace $0x90000047  }
0x6e: {  	s0 =	sadd.s32 @!p0 $0x100000, s0;
	[bflag:$0x2] =	sbarrier.arrive $0xFFFF  }
0x6f: {  	[sflag:s0] =	ssyncadd.tile.s32 @!p0 $0x1;
	_ =	shalt  }
.Lfunc_end2:
_tile_overlayer_lowered:
.L_overlay_start_2:
0x70: {  	(tag) =	ssettag $0x2  }
0x71: {  	s0 =	rddreg [dreg:$0x0];
	s2 =	stileid.u32  }
0x72: {  	s1 =	rddreg [dreg:$0x1];
	p0 =	sne.s32 s2, $0x0  }
0x73: {  	s3 =	rddreg [dreg:$0x2];
	[bflag:$0x3] =	sbarrier.arrive $0xFFFF;
	s2 =	simm.s32 @!p0 $0x1C03  }
0x74: {  	[timem:s3], [sflag:s2] =	dma.local @!p0 [hbm:s0], s1  }
0x75: {  	s0 =	simm.s32 @!p0 $0x3  }
0x76: {  	_ =	swait.ge @!p0 [sflag:s0], s1  }
0x77: {  	s1 =	ssub.s32 @!p0 $0x0, s1;
	[sflag:s0] =	ssyncset.done @!p0 $0x0  }
0x78: {  	[sflag:s0] =	ssyncadd.s32 @!p0 s1  }
0x79: {  	[bflag:$0x3] =	sbarrier.arrive $0xFFFF  }
0x7a: {  	_ =	shalt  }

// kernel: kernel.13.cloned.1.call-start
scs
__scs_entry_jumppad:
0x0: {  	(pc) =	sbr.rel $0x88, $3  }
0x1: {  	(tag) =	ssettag $0x0;
	lr =	simm.s32 $0x1  }
0x2: {  	[smem:$0x3F96] =	sst lr;
	_ =	strace $0xD0000000  }
0x3: {  	_ = 	snop  }
0x4: {  	_ = 	snop  }
0x5: {  	_ = 	snop  }
0x6: {  	_ = 	snop  }
0x7: {  	_ = 	snop  }
__scs_overlays_trampoline_lowered:
0x8: {  	[smem:$0x3FA5] =	sst s0  }
0x9: {  	[smem:$0x3FA6] =	sst s1  }
0xa: {  	[smem:$0x3FA7] =	sst s2  }
0xb: {  	[smem:$0x3FA8] =	sst s3  }
0xc: {  	[smem:$0x3FA9] =	sst s4  }
0xd: {  	[smem:$0x3FAA] =	sst s5  }
0xe: {  	[smem:$0x3FAB] =	sst s6  }
0xf: {  	[smem:$0x3FAC] =	sst s7  }
0x10: {  	[smem:$0x3FAD] =	sst s8  }
0x11: {  	[smem:$0x3FAE] =	sst s9;
	s0 =	simm.s32 @!p0 $0x0  }
0x12: {  	s1 =	sld [smem:$0x3F94];
	s0 =	simm.s32 @p0 $0x1  }
0x13: {  	[smem:$0x3FAF] =	sst s0;
	s0 =	simm.s32 @!p1 $0x0  }
0x14: {  	s2 =	sld [smem:$0x3F93];
	s0 =	simm.s32 @p1 $0x1  }
0x15: {  	[smem:$0x3FB0] =	sst s0;
	s0 =	simm.s32 @!p2 $0x0  }
0x16: {  	s3 =	sld [smem:$0x3FDB];
	s0 =	simm.s32 @p2 $0x1  }
0x17: {  	s4 =	simm.s32 $0x1BF5;
	[smem:$0x3FB2] =	sst s0  }
0x18: {  	s0 =	sld [smem:$0x3F95];
	_ =	swait.ge [sflag:s4], $0x0  }
0x19: {  	s7 =	sld [smem:$0x3F96]  }
0x1a: {  	s8 =	sadd.s32 $0xFFFFE003, lr  }
0x1b: {  	s9 =	sadd.s32 $0xFFFFFEF7, lr;
	s5 =	simm.s32 $0xFFFFFFFF;
	p2 =	slt.u32 s8, $0xFFFFF086  }
0x1c: {  	p1 =	slt.u32 s9, $0xF7A;
	s5 =	simm.s32 @!p2 $0x0  }
0x1d: {  	s5 =	simm.s32 @p1 $0x1;
	p0 =	seq.s32 s7, s2  }
0x1e: {  	s7 =	smul.u32 @!p0 $0xF7A, s2;
	p2 =	seq.s32 @!p0 s5, $0x0  }
0x1f: {  	s9 =	smul.u32 $0xF7A, s1;
	s8 =	simm.s32 @!p0 $0x1BF5;
	p2 =	por !p2, p0  }
0x20: {  	[sflag:s8] =	ssyncset.s32 @!p0 $0xFFFFF086;
	s6 =	sadd.s32 @!p0 s3, s7;
	s7 =	simm.s32 @!p0 $0x108  }
0x21: {  	s3 =	sadd.s32 s3, s9;
	s6 =	sadd.s32 @!p0 $0x88, s6;
	s7 =	simm.s32 @p2 $0x1082  }
0x22: {  	[simem:s7], [sflag:s8] =	dma.local @!p0 [hbm:s6], $0xF7A  }
0x23: {  	s9 =	sor.u32 $0xD0000000, s2;
	s6 =	simm.s32 $0x108;
	_ =	swait.ge @!p0 [sflag:s8], $0x0  }
0x24: {  	s3 =	sadd.s32 $0x88, s3;
	s6 =	simm.s32 @!p1 $0x1082;
	[sflag:s4] =	ssyncset.s32 $0xFFFFF086  }
0x25: {  	[simem:s6], [sflag:s4] =	dma.local [hbm:s3], $0xF7A  }
0x26: {  	[smem:$0x3F96] =	sst s1;
	(tag) =	ssettag s2;
	_ =	strace s9  }
0x27: {  	s1 =	sld [smem:$0x3FA6]  }
0x28: {  	s2 =	sld [smem:$0x3FA7]  }
0x29: {  	s4 =	sld [smem:$0x3FA9]  }
0x2a: {  	p0 =	seq.s32 s5, $0x0;
	s5 =	sld [smem:$0x3FAA]  }
0x2b: {  	s6 =	sld [smem:$0x3FAB]  }
0x2c: {  	s7 =	sld [smem:$0x3FAC]  }
0x2d: {  	s3 =	simm.s32 $0x108;
	s8 =	sld [smem:$0x3FAD]  }
0x2e: {  	s3 =	simm.s32 @!p0 $0x1082;
	s9 =	sld [smem:$0x3FAE]  }
0x2f: {  	lr =	sadd.s32 s0, s3;
	s0 =	sld [smem:$0x3FA5]  }
0x30: {  	s3 =	sld [smem:$0x3FA8]  }
0x31: {  	[smem:$0x3FB1] =	sst s10  }
0x32: {  	s10 =	sld [smem:$0x3FAF];
	_ =	sdelay $0x3  }
0x33: {  	p0 =	seq.s32 s10, $0x1;
	s10 =	sld [smem:$0x3FB1];
	_ =	sdelay $0x3  }
0x34: {  	[smem:$0x3FB1] =	sst s10  }
0x35: {  	s10 =	sld [smem:$0x3FB0];
	_ =	sdelay $0x3  }
0x36: {  	p1 =	seq.s32 s10, $0x1;
	s10 =	sld [smem:$0x3FB1];
	_ =	sdelay $0x3  }
0x37: {  	[smem:$0x3FB1] =	sst s10  }
0x38: {  	s10 =	sld [smem:$0x3FB2]  }
0x39: {  	_ = 	snop;
	(pc) =	sbr.ind lr, $3  }
0x3a: {  	_ = 	snop  }
0x3b: {  	_ = 	snop  }
0x3c: {  	p2 =	seq.s32 s10, $0x1;
	s10 =	sld [smem:$0x3FB1]  }
0x3d: {  	_ =	shalt  }
0x3e: {  	_ =	shalt  }
0x3f: {  	_ =	shalt  }
0x40: {  	_ =	shalt  }
0x41: {  	_ =	shalt  }
0x42: {  	_ =	shalt  }
0x43: {  	_ =	shalt  }
0x44: {  	_ =	shalt  }
0x45: {  	_ =	shalt  }
0x46: {  	_ =	shalt  }
0x47: {  	_ =	shalt  }
0x48: {  	_ =	shalt  }
0x49: {  	_ =	shalt  }
0x4a: {  	_ =	shalt  }
0x4b: {  	_ =	shalt  }
0x4c: {  	_ =	shalt  }
0x4d: {  	_ =	shalt  }
0x4e: {  	_ =	shalt  }
0x4f: {  	_ =	shalt  }
0x50: {  	_ =	shalt  }
0x51: {  	_ =	shalt  }
0x52: {  	_ =	shalt  }
0x53: {  	_ =	shalt  }
0x54: {  	_ =	shalt  }
0x55: {  	_ =	shalt  }
0x56: {  	_ =	shalt  }
0x57: {  	_ =	shalt  }
0x58: {  	_ =	shalt  }
0x59: {  	_ =	shalt  }
0x5a: {  	_ =	shalt  }
0x5b: {  	_ =	shalt  }
0x5c: {  	_ =	shalt  }
0x5d: {  	_ =	shalt  }
0x5e: {  	_ =	shalt  }
0x5f: {  	_ =	shalt  }
0x60: {  	_ =	shalt  }
0x61: {  	_ =	shalt  }
0x62: {  	_ =	shalt  }
0x63: {  	_ =	shalt  }
0x64: {  	_ =	shalt  }
0x65: {  	_ =	shalt  }
0x66: {  	_ =	shalt  }
0x67: {  	_ =	shalt  }
0x68: {  	_ =	shalt  }
0x69: {  	_ =	shalt  }
0x6a: {  	_ =	shalt  }
0x6b: {  	_ =	shalt  }
0x6c: {  	_ =	shalt  }
0x6d: {  	_ =	shalt  }
0x6e: {  	_ =	shalt  }
0x6f: {  	_ =	shalt  }
0x70: {  	_ =	shalt  }
0x71: {  	_ =	shalt  }
0x72: {  	_ =	shalt  }
0x73: {  	_ =	shalt  }
0x74: {  	_ =	shalt  }
0x75: {  	_ =	shalt  }
0x76: {  	_ =	shalt  }
0x77: {  	_ =	shalt  }
0x78: {  	_ =	shalt  }
0x79: {  	_ =	shalt  }
0x7a: {  	_ =	shalt  }
0x7b: {  	_ =	shalt  }
0x7c: {  	_ =	shalt  }
0x7d: {  	_ =	shalt  }
0x7e: {  	_ =	shalt  }
0x7f: {  	_ =	shalt  }
0x80: {  	_ =	shalt  }
0x81: {  	_ =	shalt  }
0x82: {  	_ =	shalt  }
0x83: {  	_ =	shalt  }
0x84: {  	_ =	shalt  }
0x85: {  	_ =	shalt  }
0x86: {  	_ =	shalt  }
0x87: {  	_ =	shalt  }
.Lfunc_end0:
.L_simem_size_0:
called_computation.1_lowered:
.L_overlay_start_0:
0x88: {  	s2 =	sld [smem:$0x3FD9]  }
0x89: {  	s3 =	sld [smem:$0x3FFE];
	_ =	sdelay $0x1  }
0x8a: {  	s1 =	srdreg.scid  }
0x8b: {  	s0 =	sand.u32 $0x1, s1  }
0x8c: {  	s17 =	sshll.u32 s0, $0xA;
	s2 =	sadd.s32 s3, s2  }
0x8d: {  	s2 =	sadd.s32 s2, s17  }
0x8e: {  	[smem:$0x3FBD] =	sst s2  }
0x8f: {  	_ = 	snop  }
0x90: {  	s4 =	sld [smem:$0x3FC9]  }
0x91: {  	s18 =	sld [smem:$0x3FD0];
	(tm) =	ssettm $0x1  }
0x92: {  	s19 =	sld [smem:$0x3FFB];
	_ =	sdelay $0x3  }
0x93: {  	_ =	strace s19  }
0x94: {  	s2 =	sld [smem:$0x3FFC];
	_ =	sdelay $0x3  }
0x95: {  	_ =	strace s2  }
0x96: {  	s2 =	sld [smem:$0x3FFD];
	_ =	sdelay $0x3  }
0x97: {  	_ =	strace s2  }
0x98: {  	_ =	strace $0x8FFFFFFF  }
0x99: {  	s20 =	sld [smem:$0x3FDB];
	_ =	sdelay $0x1  }
0x9a: {  	s5 =	simm.s32 $_scs_section_size  }
0x9b: {  	s6 =	simm.s32 $_size__tile_overlayer_lowered;
	s7 =	simm.s32 $_tile_overlayer_lowered  }
0x9c: {  	s8 =	simm.s32 $0x1BFF;
	s21 =	sshll.u32 s7, $0x1;
	s5 =	sadd.s32 s5, s20  }
0x9d: {  	s22 =	simm.s32 $0x0;
	s6 =	sshll.u32 s6, $0x1;
	s7 =	sadd.s32 s21, s5  }
0x9e: {  	[timem:s22], [sflag:s8] =	dma.local [hbm:s7], s6  }
0x9f: {  	_ =	swait.ge [sflag:s8], s6  }
0xa0: {  	s6 =	ssub.s32 $0x0, s6;
	[sflag:s8] =	ssyncset.done $0x0  }
0xa1: {  	[sflag:s8] =	ssyncadd.s32 s6;
	_ =	sdelay $0x1  }
0xa2: {  	s23 =	simm.s32 $0x1B8B  }
0xa3: {  	_ =	swait.ge [sflag:s23], $0x1  }
0xa4: {  	[sflag:s23] =	ssyncset.done $0x0  }
0xa5: {  	[sflag:s23] =	ssyncadd.s32 $0xFFFFFFFF  }
0xa6: {  	s6 =	sld [smem:$0x0]  }
0xa7: {  	s7 =	sand.u32 $0xFFFFFFFE, s1  }
0xa8: {  	p0 =	sne.s32 s1, s7  }
0xa9: {  	s7 =	sshll.u32 @p0 s7, $0xE  }
0xaa: {  	s7 =	sadd.s32 @p0 $0x11B8D, s7;
	s8 =	sshll.u32 @p0 s6, $0x11  }
0xab: {  	s7 =	sor.u32 @p0 s8, s7  }
0xac: {  	[sflag:s7] =	ssyncadd.remote.s32 @p0 $0x1;
	_ =	sdelay $0x1  }
0xad: {  	s7 =	simm.s32 @p0 $0x1B8D  }
0xae: {  	_ =	swait.eq @p0 [sflag:s7], $0x1  }
0xaf: {  	[sflag:s7] =	ssyncadd.s32 @p0 $0xFFFFFFFF  }
0xb0: {  	s8 =	sshll.u32 @!p0 s1, $0xE  }
0xb1: {  	s8 =	sor.u32 @!p0 $0x4000, s8;
	s7 =	simm.s32 @!p0 $0x1B8D  }
0xb2: {  	s6 =	sshll.u32 @!p0 s6, $0x11;
	s8 =	sadd.s32 @!p0 $0x11B8D, s8;
	_ =	swait.eq @!p0 [sflag:s7], $0x1  }
0xb3: {  	s6 =	sor.u32 @!p0 s6, s8;
	[sflag:s7] =	ssyncadd.s32 @!p0 $0xFFFFFFFF  }
0xb4: {  	s25 =	simm.s32 $0x1B8E;
	s24 =	sld [smem:$0x3FFE];
	[sflag:s6] =	ssyncadd.remote.s32 @!p0 $0x1  }
0xb5: {  	s26 =	simm.s32 $execute0_lowered;
	[smem:$0x3FD2] =	sst s25  }
0xb6: {  	s7 =	sshll.u32 s26, $0x1;
	_ =	strace $0x80000049;
	[dreg:$0x1] =	wrdreg $0xFFFFFFFF  }
0xb7: {  	s28 =	simm.s32 $_size_execute0_lowered;
	s5 =	sadd.s32 s5, s7;
	[dreg:$0x0] =	wrdreg $0x0  }
0xb8: {  	s7 =	sshll.u32 s28, $0x1;
	[dreg:$0x2] =	wrdreg s5  }
0xb9: {  	[dreg:$0x3] =	wrdreg s7  }
0xba: {  	[dreg:$0x4] =	wrdreg $0xC0  }
0xbb: {  	_ =	task [dreg:s22], $0x5FFFF  }
0xbc: {  	[dreg:$0x1] =	wrdreg $0xFFFFFFFF  }
0xbd: {  	[dreg:$0x0] =	wrdreg $0x60  }
0xbe: {  	[dreg:$0x2] =	wrdreg s4  }
0xbf: {  	[dreg:$0x3] =	wrdreg s24  }
0xc0: {  	[dreg:$0x4] =	wrdreg s18  }
0xc1: {  	[dreg:$0x5] =	wrdreg $0x28000  }
0xc2: {  	[dreg:$0x6] =	wrdreg $0xA  }
0xc3: {  	_ =	task.clear_ibuf [dreg:s22], $0x7FFFF;
	_ =	strace $0x90000049  }
0xc4: {  	s29 =	simm.s32 $0xA;
	_ =	strace $0x8000004B  }
0xc5: {  	_ =	swait.ge [sflag:s29], $0x1  }
0xc6: {  	[sflag:s29] =	ssyncadd.s32 $0xFFFFFFFF  }
0xc7: {  	_ =	strace $0x9000004B  }
0xc8: {  	_ =	sfence  }
0xc9: {  	s30 =	sld [smem:$0x0];
	_ =	sdelay $0x2  }
0xca: {  	s31 =	sshll.u32 s1, $0xD;
	s1 =	sshrl.u32 s1, $0x2  }
0xcb: {  	s4 =	sand.u32 $0x4000, s31;
	s1 =	sadd.s32 s1, s30  }
0xcc: {  	s0 =	sor.u32 s4, s0;
	s1 =	sshll.u32 s1, $0x11  }
0xcd: {  	s0 =	sor.u32 s1, s0  }
0xce: {  	s0 =	sadd.s32 $0x8F2B, s0  }
0xcf: {  	[sflag:s0] =	ssyncadd.remote.s32 $0x1  }
0xd0: {  	_ =	sfence.sel $0xFFFF  }
0xd1: {  	[dreg:$0x0] =	wrdreg $0xFFFFFFFF;
	(pc) =	sbr.abs _section_cstart, $3  }
0xd2: {  	[dreg:$0x1] =	wrdreg $0xFFFFFFFF  }
0xd3: {  	_ =	task.clear_ibuf [dreg:s22], $0x2FFFF;
	_ =	strace $0x9FFFFFFF  }
0xd4: {  	(tm) =	ssettm $0x7FFFFFFF  }
0xd5: {  	_ =	shalt  }
tec
execute0_lowered:
.L_overlay_start_1:
0x0: {  	(tag) =	ssettag $0x1  }
0x1: {  	s1 =	rddreg [dreg:$0x0]  }
0x2: {  	s0 =	rddreg [dreg:$0x1]  }
0x3: {  	s6 =	rddreg [dreg:$0x2]  }
0x4: {  	s2 =	rddreg [dreg:$0x3];
	s3 =	simm.s32 $0x0  }
0x5: {  	s4 =	srdreg.scid;
	s7 =	stileid.u32;
	s28 =	simm.s32 $0x50  }
0x6: {  	s29 =	simm.s32 $0x189C0;
	s30 =	simm.s32 $0x18A40;
	s31 =	simm.s32 $0x4  }
0x7: {  	[smem:$0x7FF] =	sst s3;
	s9 =	sand.u32 $0x1, s4;
	s4 =	sadd.s32 $0xDA00, s0  }
0x8: {  	s10 =	smul.u32 $0x4E000, s7;
	s5 =	sadd.s32 $0x3C00, s0;
	s0 =	sadd.s32 $0x66000, s0  }
0x9: {  	s12 =	sshll.u32 s7, $0x1;
	s13 =	smul.u32 $0x13800, s7;
	s15 =	sshll.u32 s7, $0x6  }
0xa: {  	s17 =	sadd.s32 $0x138000, s2;
	s22 =	smul.u32 $0x4E20, s7;
	p0 =	sne.s32 s7, $0x0  }
0xb: {  	s7 =	simm.s32 $0x2;
	_ =	strace $0x8000004A;
	s8 =	ssub.s32 $0x2, s9  }
0xc: {  	s26 =	sor.u32 s9, s12;
	[dreg:$0x7] =	wrdreg s17;
	s19 =	smul.u32 $0x138800, s9  }
0xd: {  	s9 =	smul.u32 $0x2710, s9;
	s11 =	sshrl.u32 s8, $0x1;
	s10 =	sshrl.u32 s10, $0x2  }
0xe: {  	s12 =	sshrl.u32 s13, $0x3;
	s14 =	smul.u32 $0x2710, s26;
	s10 =	sadd.s32 s10, s2  }
0xf: {  	s11 =	ssub.s32 s8, s11;
	s16 =	sadd.s32 s6, s12;
	[dreg:$0x5] =	wrdreg s10  }
0x10: {  	s8 =	sor.u32 $0x1C05, s15;
	s6 =	sadd.s32 $0x27000, s6;
	[dreg:$0x6] =	wrdreg s16  }
0x11: {  	s24 =	sadd.s32 s13, s19;
	s9 =	sadd.s32 s9, s22;
	[dreg:$0x8] =	wrdreg s6  }
0x12: {  	s18 =	sshrl.u32 s14, $0x3;
	s10 =	sshrl.u32 s19, $0x3;
	s26 =	sadd.s32 $0xF0, s9  }
0x13: {  	s17 =	smax.u32 s11, $0x1;
	s22 =	sadd.s32 $0xA0, s9;
	s9 =	simm.s32 $0x0  }
0x14: {  	s20 =	sadd.s32 s4, s18;
	s21 =	sadd.s32 $0xA, s18;
	s15 =	sadd.s32 s5, s18  }
0x15: {  	s10 =	sadd.s32 s0, s10;
	s6 =	sadd.s32 $0x4D8, s18;
	[dreg:$0x9] =	wrdreg s20  }
0x16: {  	[dreg:$0xa] =	wrdreg s15;
	s23 =	sadd.s32 s4, s21;
	s12 =	sadd.s32 s5, s21  }
0x17: {  	s25 =	sadd.s32 $0x27000, s10;
	s18 =	sadd.s32 s4, s6;
	[dreg:$0xb] =	wrdreg s23  }
0x18: {  	s19 =	sadd.s32 s5, s6;
	s6 =	simm.s32 $0x1;
	[dreg:$0xc] =	wrdreg s12  }
0x19: {  	s12 =	sshrl.u32 s24, $0x3;
	[dreg:$0xe] =	wrdreg s25;
	s23 =	simm.s32 $0x5  }
0x1a: {  	s24 =	simm.s32 $0x188C0;
	s25 =	simm.s32 $0x18940;
	s0 =	sadd.s32 s0, s12  }
0x1b: {  	[dreg:$0xd] =	wrdreg s0;
	s0 =	sshrl.u32 s26, $0x3;
	s26 =	simm.s32 $0x3  }
0x1c: {  	s20 =	sadd.s32 s0, s5;
	s21 =	sadd.s32 s0, s4;
	s0 =	simm.s32 $0x160C0  }
.LBB2_1:
0x1d: {  	s10 =	rddreg [dreg:$0x5]  }
0x1e: {  	s11 =	rddreg [dreg:$0x6];
	s10 =	sshrl.u32 s10, $0x3  }
0x1f: {  	[spmem:s10], [sflag:s8] =	dma.local [hbm:s11], $0x2700  }
0x20: {  	_ =	swait.ge [sflag:s23], $0x2700  }
0x21: {  	[sflag:s23] =	ssyncset.done $0x0;
	s11 =	rddreg [dreg:$0x7]  }
0x22: {  	s12 =	rddreg [dreg:$0x8];
	[sflag:s23] =	ssyncadd.s32 $0xFFFFD900;
	s11 =	sshrl.u32 @!p0 s11, $0x3  }
0x23: {  	[spmem:s11], [sflag:s8] =	dma.local @!p0 [hbm:s12], $0x100  }
0x24: {  	s12 =	simm.s32 @!p0 $0x5  }
0x25: {  	_ =	swait.ge @!p0 [sflag:s12], $0x100  }
0x26: {  	[sflag:s12] =	ssyncset.done @!p0 $0x0  }
0x27: {  	[sflag:s12] =	ssyncadd.s32 @!p0 $0xFFFFFF00  }
0x28: {  	[bflag:$0x0] =	sbarrier.arrive $0xFFFF  }
0x29: {  	s15 =	rddreg [dreg:$0x9]  }
0x2a: {  	[tilespmem:s24], [sflag:$0x3] =	stream.linear.gather [hbm4b:s15+s3], $0x50, $0x38;
	[tilespmem:$0x18AC0] =	vst v63  }
0x2b: {  	s16 =	rddreg [dreg:$0xa]  }
0x2c: {  	[tilespmem:s25], [sflag:$0x3] =	stream.linear.gather [hbm4b:s16+s3], $0x50, $0x38;
	[tilespmem:$0x18AC0] =	vst v63  }
0x2d: {  	_ =	swait.ge [sflag:s26], $0x50  }
0x2e: {  	[sflag:s26] =	ssyncset.done $0x0  }
0x2f: {  	[sflag:s26] =	ssyncadd.s32 $0xFFFFFFB0  }
0x30: {  	_ =	swait.ge [sflag:s26], $0x50  }
0x31: {  	[sflag:s26] =	ssyncset.done $0x0  }
0x32: {  	[sflag:s26] =	ssyncadd.s32 $0xFFFFFFB0  }
0x33: {  	[tilespmem:s3], [sflag:$0x1] =	stream.indirect.gather [hbm4b:s1+s28], $0x80, s24, s28, $0xb8;
	[tilespmem:$0x18AC0] =	vst v63  }
0x34: {  	s13 =	rddreg [dreg:$0xb]  }
0x35: {  	[tilespmem:s29], [sflag:$0x4] =	stream.linear.gather [hbm4b:s13+s3], $0x50, $0x38;
	[tilespmem:$0x18AC0] =	vst v63  }
0x36: {  	s14 =	rddreg [dreg:$0xc]  }
0x37: {  	[tilespmem:s30], [sflag:$0x4] =	stream.linear.gather [hbm4b:s14+s3], $0x50, $0x38;
	[tilespmem:$0x18AC0] =	vst v63  }
0x38: {  	_ =	swait.ge [sflag:s31], $0x50  }
0x39: {  	[sflag:s31] =	ssyncset.done $0x0  }
0x3a: {  	[sflag:s31] =	ssyncadd.s32 $0xFFFFFFB0  }
0x3b: {  	_ =	swait.ge [sflag:s31], $0x50  }
0x3c: {  	[sflag:s31] =	ssyncset.done $0x0  }
0x3d: {  	[sflag:s31] =	ssyncadd.s32 $0xFFFFFFB0  }
0x3e: {  	[tilespmem:s0], [sflag:$0x2] =	stream.indirect.gather [hbm4b:s1+s28], $0x80, s29, s28, $0xb8;
	[tilespmem:$0x18AC0] =	vst v63  }
0x3f: {  	_ =	swait.ge [sflag:s6], $0x2800  }
0x40: {  	[sflag:s6] =	ssyncset.done $0x0  }
0x41: {  	[sflag:s6] =	ssyncadd.s32 $0xFFFFD800  }
0x42: {  	[spmem:s2] =	stream.indirect.scatter.add.f32 [tilespmem:s3], [sflag:$0x5], $0x80, s25, s28, $0xb8;
	[tilespmem:$0x18AC0] =	vst v63  }
0x43: {  	_ =	swait.ge [sflag:s23], $0x2800  }
0x44: {  	s15 =	sshrl.u32 s22, $0x3;
	[sflag:s23] =	ssyncset.done $0x0  }
0x45: {  	s13 =	sadd.s32 s4, s15;
	[sflag:s23] =	ssyncadd.s32 $0xFFFFD800  }
0x46: {  	[tilespmem:s24], [sflag:$0x3] =	stream.linear.gather [hbm4b:s13+s3], $0x50, $0x38;
	[tilespmem:$0x18AC0] =	vst v63  }
0x47: {  	s12 =	sadd.s32 s5, s15  }
0x48: {  	[tilespmem:s25], [sflag:$0x3] =	stream.linear.gather [hbm4b:s12+s3], $0x50, $0x38;
	[tilespmem:$0x18AC0] =	vst v63  }
0x49: {  	_ =	swait.ge [sflag:s26], $0x50  }
0x4a: {  	[sflag:s26] =	ssyncset.done $0x0  }
0x4b: {  	[sflag:s26] =	ssyncadd.s32 $0xFFFFFFB0  }
0x4c: {  	_ =	swait.ge [sflag:s26], $0x50  }
0x4d: {  	[sflag:s26] =	ssyncset.done $0x0  }
0x4e: {  	[sflag:s26] =	ssyncadd.s32 $0xFFFFFFB0  }
0x4f: {  	[tilespmem:s3], [sflag:$0x1] =	stream.indirect.gather [hbm4b:s1+s28], $0x80, s24, s28, $0xb8;
	[tilespmem:$0x18AC0] =	vst v63  }
0x50: {  	_ =	swait.ge [sflag:s7], $0x2800  }
0x51: {  	[sflag:s7] =	ssyncset.done $0x0  }
0x52: {  	[sflag:s7] =	ssyncadd.s32 $0xFFFFD800  }
0x53: {  	[spmem:s2] =	stream.indirect.scatter.add.f32 [tilespmem:s0], [sflag:$0x5], $0x80, s30, s28, $0xb8;
	[tilespmem:$0x18AC0] =	vst v63  }
0x54: {  	_ =	swait.ge [sflag:s23], $0x2800  }
0x55: {  	s16 =	sadd.s32 $0x0, s21;
	s14 =	sadd.s32 $0x0, s20;
	[sflag:s23] =	ssyncset.done $0x0  }
0x56: {  	s13 =	sadd.s32 $0xA0, s22;
	s12 =	simm.s32 $0x14;
	[sflag:s23] =	ssyncadd.s32 $0xFFFFD800  }
0x57: {  	[tilespmem:s29], [sflag:$0x4] =	stream.linear.gather [hbm4b:s16+s3], $0x50, $0x38;
	[tilespmem:$0x18AC0] =	vst v63  }
.LBB2_2:
0x58: {  	[tilespmem:s30], [sflag:$0x4] =	stream.linear.gather [hbm4b:s14+s3], $0x50, $0x38;
	[tilespmem:$0x18AC0] =	vst v63  }
0x59: {  	s14 =	smov.u32 s12  }
0x5a: {  	p1 =	sne.s32 s12, $0x4B0;
	s12 =	sadd.s32 $0x14, s12;
	_ =	swait.ge [sflag:s31], $0x50  }
0x5b: {  	[sflag:s31] =	ssyncset.done $0x0  }
0x5c: {  	[sflag:s31] =	ssyncadd.s32 $0xFFFFFFB0  }
0x5d: {  	_ =	swait.ge [sflag:s31], $0x50  }
0x5e: {  	[sflag:s31] =	ssyncset.done $0x0  }
0x5f: {  	[sflag:s31] =	ssyncadd.s32 $0xFFFFFFB0  }
0x60: {  	[tilespmem:s0], [sflag:$0x2] =	stream.indirect.gather [hbm4b:s1+s28], $0x80, s29, s28, $0xb8;
	[tilespmem:$0x18AC0] =	vst v63  }
0x61: {  	_ =	swait.ge [sflag:s6], $0x2800  }
0x62: {  	[sflag:s6] =	ssyncset.done $0x0  }
0x63: {  	[sflag:s6] =	ssyncadd.s32 $0xFFFFD800  }
0x64: {  	[spmem:s2] =	stream.indirect.scatter.add.f32 [tilespmem:s3], [sflag:$0x5], $0x80, s25, s28, $0xb8;
	[tilespmem:$0x18AC0] =	vst v63  }
0x65: {  	_ =	swait.ge [sflag:s23], $0x2800  }
0x66: {  	s15 =	sshrl.u32 s13, $0x3;
	[sflag:s23] =	ssyncset.done $0x0  }
0x67: {  	s16 =	sadd.s32 s4, s15;
	[sflag:s23] =	ssyncadd.s32 $0xFFFFD800  }
0x68: {  	[tilespmem:s24], [sflag:$0x3] =	stream.linear.gather [hbm4b:s16+s3], $0x50, $0x38;
	[tilespmem:$0x18AC0] =	vst v63  }
0x69: {  	s15 =	sadd.s32 s5, s15  }
0x6a: {  	[tilespmem:s25], [sflag:$0x3] =	stream.linear.gather [hbm4b:s15+s3], $0x50, $0x38;
	[tilespmem:$0x18AC0] =	vst v63  }
0x6b: {  	_ =	swait.ge [sflag:s26], $0x50  }
0x6c: {  	[sflag:s26] =	ssyncset.done $0x0  }
0x6d: {  	[sflag:s26] =	ssyncadd.s32 $0xFFFFFFB0  }
0x6e: {  	_ =	swait.ge [sflag:s26], $0x50  }
0x6f: {  	[sflag:s26] =	ssyncset.done $0x0  }
0x70: {  	[sflag:s26] =	ssyncadd.s32 $0xFFFFFFB0  }
0x71: {  	[tilespmem:s3], [sflag:$0x1] =	stream.indirect.gather [hbm4b:s1+s28], $0x80, s24, s28, $0xb8;
	[tilespmem:$0x18AC0] =	vst v63  }
0x72: {  	_ =	swait.ge [sflag:s7], $0x2800  }
0x73: {  	[sflag:s7] =	ssyncset.done $0x0  }
0x74: {  	[sflag:s7] =	ssyncadd.s32 $0xFFFFD800  }
0x75: {  	[spmem:s2] =	stream.indirect.scatter.add.f32 [tilespmem:s0], [sflag:$0x5], $0x80, s30, s28, $0xb8;
	[tilespmem:$0x18AC0] =	vst v63  }
.Ltmp0:
0x76: {  	_ =	swait.ge [sflag:s23], $0x2800;
	(pc) =	sbr.rel @p1 .LBB2_2-.Ltmp0, $4  }
0x77: {  	[sflag:s23] =	ssyncset.done $0x0  }
0x78: {  	s15 =	sadd.s32 s14, s21;
	[sflag:s23] =	ssyncadd.s32 $0xFFFFD800  }
0x79: {  	[tilespmem:s29], [sflag:$0x4] =	stream.linear.gather [hbm4b:s15+s3], $0x50, $0x38;
	[tilespmem:$0x18AC0] =	vst v63  }
0x7a: {  	s13 =	sadd.s32 $0xA0, s13;
	s14 =	sadd.s32 s14, s20  }
0x7b: {  	[tilespmem:s30], [sflag:$0x4] =	stream.linear.gather [hbm4b:s14+s3], $0x50, $0x38;
	[tilespmem:$0x18AC0] =	vst v63  }
0x7c: {  	_ =	swait.ge [sflag:s31], $0x50  }
0x7d: {  	[sflag:s31] =	ssyncset.done $0x0  }
0x7e: {  	[sflag:s31] =	ssyncadd.s32 $0xFFFFFFB0  }
0x7f: {  	_ =	swait.ge [sflag:s31], $0x50  }
0x80: {  	[sflag:s31] =	ssyncset.done $0x0  }
0x81: {  	[sflag:s31] =	ssyncadd.s32 $0xFFFFFFB0  }
0x82: {  	[tilespmem:s0], [sflag:$0x2] =	stream.indirect.gather [hbm4b:s1+s28], $0x80, s29, s28, $0xb8;
	[tilespmem:$0x18AC0] =	vst v63  }
0x83: {  	_ =	swait.ge [sflag:s6], $0x2800  }
0x84: {  	[sflag:s6] =	ssyncset.done $0x0  }
0x85: {  	[sflag:s6] =	ssyncadd.s32 $0xFFFFD800  }
0x86: {  	[spmem:s2] =	stream.indirect.scatter.add.f32 [tilespmem:s3], [sflag:$0x5], $0x80, s25, s28, $0xb8;
	[tilespmem:$0x18AC0] =	vst v63  }
0x87: {  	_ =	swait.ge [sflag:s23], $0x2800  }
0x88: {  	[sflag:s23] =	ssyncset.done $0x0  }
0x89: {  	[sflag:s23] =	ssyncadd.s32 $0xFFFFD800  }
0x8a: {  	[tilespmem:s24], [sflag:$0x3] =	stream.linear.gather [hbm4b:s18+s3], $0x50, $0x38;
	[tilespmem:$0x18AC0] =	vst v63  }
0x8b: {  	_ = 	snop  }
0x8c: {  	[tilespmem:s25], [sflag:$0x3] =	stream.linear.gather [hbm4b:s19+s3], $0x50, $0x38;
	[tilespmem:$0x18AC0] =	vst v63  }
0x8d: {  	_ =	swait.ge [sflag:s26], $0x50  }
0x8e: {  	[sflag:s26] =	ssyncset.done $0x0  }
0x8f: {  	[sflag:s26] =	ssyncadd.s32 $0xFFFFFFB0  }
0x90: {  	_ =	swait.ge [sflag:s26], $0x50  }
0x91: {  	[sflag:s26] =	ssyncset.done $0x0  }
0x92: {  	[sflag:s26] =	ssyncadd.s32 $0xFFFFFFB0  }
0x93: {  	[tilespmem:s3], [sflag:$0x1] =	stream.indirect.gather [hbm4b:s1+s28], $0x80, s24, s28, $0xb8;
	[tilespmem:$0x18AC0] =	vst v63  }
0x94: {  	_ =	swait.ge [sflag:s7], $0x2800  }
0x95: {  	[sflag:s7] =	ssyncset.done $0x0  }
0x96: {  	[sflag:s7] =	ssyncadd.s32 $0xFFFFD800  }
0x97: {  	[spmem:s2] =	stream.indirect.scatter.add.f32 [tilespmem:s0], [sflag:$0x5], $0x80, s30, s28, $0xb8;
	[tilespmem:$0x18AC0] =	vst v63  }
0x98: {  	_ =	swait.ge [sflag:s23], $0x2800  }
0x99: {  	[sflag:s23] =	ssyncset.done $0x0  }
0x9a: {  	[sflag:s23] =	ssyncadd.s32 $0xFFFFD800  }
0x9b: {  	[tilespmem:s29], [sflag:$0x4] =	stream.linear.gather [hbm4b:s18+s3], $0x50, $0x38;
	[tilespmem:$0x18AC0] =	vst v63  }
0x9c: {  	_ = 	snop  }
0x9d: {  	[tilespmem:s30], [sflag:$0x4] =	stream.linear.gather [hbm4b:s19+s3], $0x50, $0x38;
	[tilespmem:$0x18AC0] =	vst v63  }
0x9e: {  	_ =	swait.ge [sflag:s31], $0x50  }
0x9f: {  	[sflag:s31] =	ssyncset.done $0x0  }
0xa0: {  	[sflag:s31] =	ssyncadd.s32 $0xFFFFFFB0  }
0xa1: {  	_ =	swait.ge [sflag:s31], $0x50  }
0xa2: {  	[sflag:s31] =	ssyncset.done $0x0  }
0xa3: {  	[sflag:s31] =	ssyncadd.s32 $0xFFFFFFB0  }
0xa4: {  	_ =	swait.ge [sflag:s6], $0x2800  }
0xa5: {  	[sflag:s6] =	ssyncset.done $0x0  }
0xa6: {  	[sflag:s6] =	ssyncadd.s32 $0xFFFFD800  }
0xa7: {  	[spmem:s2] =	stream.indirect.scatter.add.f32 [tilespmem:s3], [sflag:$0x5], $0x80, s25, s28, $0xb8;
	[tilespmem:$0x18AC0] =	vst v63  }
0xa8: {  	_ =	swait.ge [sflag:s23], $0x2800  }
0xa9: {  	[sflag:s23] =	ssyncset.done $0x0  }
0xaa: {  	[sflag:s23] =	ssyncadd.s32 $0xFFFFD800  }
0xab: {  	[bflag:$0x0] =	sbarrier.arrive $0xFFFF  }
0xac: {  	s12 =	rddreg [dreg:$0xd]  }
0xad: {  	[hbm:s12], [sflag:s8] =	dma.local [spmem:s10], $0x2700  }
0xae: {  	_ =	swait.ge [sflag:s23], $0x2700  }
0xaf: {  	s9 =	sadd.s32 $0x1, s9;
	[sflag:s23] =	ssyncset.done $0x0  }
0xb0: {  	p1 =	sne.s32 s9, s17;
	s10 =	rddreg [dreg:$0xe];
	[sflag:s23] =	ssyncadd.s32 $0xFFFFD900  }
0xb1: {  	[hbm:s10], [sflag:s8] =	dma.local @!p0 [spmem:s11], $0x100  }
.Ltmp1:
0xb2: {  	_ = 	snop;
	(pc) =	sbr.rel @p1 .LBB2_1-.Ltmp1, $4  }
0xb3: {  	s10 =	simm.s32 @!p0 $0x5  }
0xb4: {  	_ =	swait.ge @!p0 [sflag:s10], $0x100  }
0xb5: {  	[sflag:s10] =	ssyncset.done @!p0 $0x0  }
0xb6: {  	[sflag:s10] =	ssyncadd.s32 @!p0 $0xFFFFFF00  }
0xb7: {  	_ =	sfence.sel $0x180000  }
0xb8: {  	[bflag:$0x0] =	sbarrier.arrive $0xFFFF  }
0xb9: {  	_ =	strace $0x9000004A  }
0xba: {  	[bflag:$0x2] =	sbarrier.arrive $0xFFFF  }
0xbb: {  	s0 =	rddreg [dreg:$0x4]  }
0xbc: {  	s0 =	sadd.s32 @!p0 $0x100000, s0  }
0xbd: {  	[sflag:s0] =	ssyncadd.tile.s32 @!p0 $0x1;
	_ =	shalt  }
.Lfunc_end2:
_tile_overlayer_lowered:
.L_overlay_start_2:
0xbe: {  	(tag) =	ssettag $0x2  }
0xbf: {  	s0 =	rddreg [dreg:$0x0];
	s2 =	stileid.u32  }
0xc0: {  	s1 =	rddreg [dreg:$0x1];
	p0 =	sne.s32 s2, $0x0  }
0xc1: {  	s3 =	rddreg [dreg:$0x2];
	[bflag:$0x3] =	sbarrier.arrive $0xFFFF;
	s2 =	simm.s32 @!p0 $0x1C05  }
0xc2: {  	[timem:s3], [sflag:s2] =	dma.local @!p0 [hbm:s0], s1  }
0xc3: {  	s0 =	simm.s32 @!p0 $0x5  }
0xc4: {  	_ =	swait.ge @!p0 [sflag:s0], s1  }
0xc5: {  	s1 =	ssub.s32 @!p0 $0x0, s1;
	[sflag:s0] =	ssyncset.done @!p0 $0x0  }
0xc6: {  	[sflag:s0] =	ssyncadd.s32 @!p0 s1  }
0xc7: {  	[bflag:$0x3] =	sbarrier.arrive $0xFFFF  }
0xc8: {  	_ =	shalt  }

// kernel: kernel.16.cloned.1.call-start
scs
__scs_entry_jumppad:
0x0: {  	(pc) =	sbr.rel $0x88, $3  }
0x1: {  	(tag) =	ssettag $0x0;
	lr =	simm.s32 $0x1  }
0x2: {  	[smem:$0x3F96] =	sst lr;
	_ =	strace $0xD0000000  }
0x3: {  	_ = 	snop  }
0x4: {  	_ = 	snop  }
0x5: {  	_ = 	snop  }
0x6: {  	_ = 	snop  }
0x7: {  	_ = 	snop  }
__scs_overlays_trampoline_lowered:
0x8: {  	[smem:$0x3FA5] =	sst s0  }
0x9: {  	[smem:$0x3FA6] =	sst s1  }
0xa: {  	[smem:$0x3FA7] =	sst s2  }
0xb: {  	[smem:$0x3FA8] =	sst s3  }
0xc: {  	[smem:$0x3FA9] =	sst s4  }
0xd: {  	[smem:$0x3FAA] =	sst s5  }
0xe: {  	[smem:$0x3FAB] =	sst s6  }
0xf: {  	[smem:$0x3FAC] =	sst s7  }
0x10: {  	[smem:$0x3FAD] =	sst s8  }
0x11: {  	[smem:$0x3FAE] =	sst s9;
	s0 =	simm.s32 @!p0 $0x0  }
0x12: {  	s1 =	sld [smem:$0x3F94];
	s0 =	simm.s32 @p0 $0x1  }
0x13: {  	[smem:$0x3FAF] =	sst s0;
	s0 =	simm.s32 @!p1 $0x0  }
0x14: {  	s2 =	sld [smem:$0x3F93];
	s0 =	simm.s32 @p1 $0x1  }
0x15: {  	[smem:$0x3FB0] =	sst s0;
	s0 =	simm.s32 @!p2 $0x0  }
0x16: {  	s3 =	sld [smem:$0x3FDB];
	s0 =	simm.s32 @p2 $0x1  }
0x17: {  	s4 =	simm.s32 $0x1BF5;
	[smem:$0x3FB2] =	sst s0  }
0x18: {  	s0 =	sld [smem:$0x3F95];
	_ =	swait.ge [sflag:s4], $0x0  }
0x19: {  	s7 =	sld [smem:$0x3F96]  }
0x1a: {  	s8 =	sadd.s32 $0xFFFFE003, lr  }
0x1b: {  	s9 =	sadd.s32 $0xFFFFFEF7, lr;
	s5 =	simm.s32 $0xFFFFFFFF;
	p2 =	slt.u32 s8, $0xFFFFF086  }
0x1c: {  	p1 =	slt.u32 s9, $0xF7A;
	s5 =	simm.s32 @!p2 $0x0  }
0x1d: {  	s5 =	simm.s32 @p1 $0x1;
	p0 =	seq.s32 s7, s2  }
0x1e: {  	s7 =	smul.u32 @!p0 $0xF7A, s2;
	p2 =	seq.s32 @!p0 s5, $0x0  }
0x1f: {  	s9 =	smul.u32 $0xF7A, s1;
	s8 =	simm.s32 @!p0 $0x1BF5;
	p2 =	por !p2, p0  }
0x20: {  	[sflag:s8] =	ssyncset.s32 @!p0 $0xFFFFF086;
	s6 =	sadd.s32 @!p0 s3, s7;
	s7 =	simm.s32 @!p0 $0x108  }
0x21: {  	s3 =	sadd.s32 s3, s9;
	s6 =	sadd.s32 @!p0 $0x88, s6;
	s7 =	simm.s32 @p2 $0x1082  }
0x22: {  	[simem:s7], [sflag:s8] =	dma.local @!p0 [hbm:s6], $0xF7A  }
0x23: {  	s9 =	sor.u32 $0xD0000000, s2;
	s6 =	simm.s32 $0x108;
	_ =	swait.ge @!p0 [sflag:s8], $0x0  }
0x24: {  	s3 =	sadd.s32 $0x88, s3;
	s6 =	simm.s32 @!p1 $0x1082;
	[sflag:s4] =	ssyncset.s32 $0xFFFFF086  }
0x25: {  	[simem:s6], [sflag:s4] =	dma.local [hbm:s3], $0xF7A  }
0x26: {  	[smem:$0x3F96] =	sst s1;
	(tag) =	ssettag s2;
	_ =	strace s9  }
0x27: {  	s1 =	sld [smem:$0x3FA6]  }
0x28: {  	s2 =	sld [smem:$0x3FA7]  }
0x29: {  	s4 =	sld [smem:$0x3FA9]  }
0x2a: {  	p0 =	seq.s32 s5, $0x0;
	s5 =	sld [smem:$0x3FAA]  }
0x2b: {  	s6 =	sld [smem:$0x3FAB]  }
0x2c: {  	s7 =	sld [smem:$0x3FAC]  }
0x2d: {  	s3 =	simm.s32 $0x108;
	s8 =	sld [smem:$0x3FAD]  }
0x2e: {  	s3 =	simm.s32 @!p0 $0x1082;
	s9 =	sld [smem:$0x3FAE]  }
0x2f: {  	lr =	sadd.s32 s0, s3;
	s0 =	sld [smem:$0x3FA5]  }
0x30: {  	s3 =	sld [smem:$0x3FA8]  }
0x31: {  	[smem:$0x3FB1] =	sst s10  }
0x32: {  	s10 =	sld [smem:$0x3FAF];
	_ =	sdelay $0x3  }
0x33: {  	p0 =	seq.s32 s10, $0x1;
	s10 =	sld [smem:$0x3FB1];
	_ =	sdelay $0x3  }
0x34: {  	[smem:$0x3FB1] =	sst s10  }
0x35: {  	s10 =	sld [smem:$0x3FB0];
	_ =	sdelay $0x3  }
0x36: {  	p1 =	seq.s32 s10, $0x1;
	s10 =	sld [smem:$0x3FB1];
	_ =	sdelay $0x3  }
0x37: {  	[smem:$0x3FB1] =	sst s10  }
0x38: {  	s10 =	sld [smem:$0x3FB2]  }
0x39: {  	_ = 	snop;
	(pc) =	sbr.ind lr, $3  }
0x3a: {  	_ = 	snop  }
0x3b: {  	_ = 	snop  }
0x3c: {  	p2 =	seq.s32 s10, $0x1;
	s10 =	sld [smem:$0x3FB1]  }
0x3d: {  	_ =	shalt  }
0x3e: {  	_ =	shalt  }
0x3f: {  	_ =	shalt  }
0x40: {  	_ =	shalt  }
0x41: {  	_ =	shalt  }
0x42: {  	_ =	shalt  }
0x43: {  	_ =	shalt  }
0x44: {  	_ =	shalt  }
0x45: {  	_ =	shalt  }
0x46: {  	_ =	shalt  }
0x47: {  	_ =	shalt  }
0x48: {  	_ =	shalt  }
0x49: {  	_ =	shalt  }
0x4a: {  	_ =	shalt  }
0x4b: {  	_ =	shalt  }
0x4c: {  	_ =	shalt  }
0x4d: {  	_ =	shalt  }
0x4e: {  	_ =	shalt  }
0x4f: {  	_ =	shalt  }
0x50: {  	_ =	shalt  }
0x51: {  	_ =	shalt  }
0x52: {  	_ =	shalt  }
0x53: {  	_ =	shalt  }
0x54: {  	_ =	shalt  }
0x55: {  	_ =	shalt  }
0x56: {  	_ =	shalt  }
0x57: {  	_ =	shalt  }
0x58: {  	_ =	shalt  }
0x59: {  	_ =	shalt  }
0x5a: {  	_ =	shalt  }
0x5b: {  	_ =	shalt  }
0x5c: {  	_ =	shalt  }
0x5d: {  	_ =	shalt  }
0x5e: {  	_ =	shalt  }
0x5f: {  	_ =	shalt  }
0x60: {  	_ =	shalt  }
0x61: {  	_ =	shalt  }
0x62: {  	_ =	shalt  }
0x63: {  	_ =	shalt  }
0x64: {  	_ =	shalt  }
0x65: {  	_ =	shalt  }
0x66: {  	_ =	shalt  }
0x67: {  	_ =	shalt  }
0x68: {  	_ =	shalt  }
0x69: {  	_ =	shalt  }
0x6a: {  	_ =	shalt  }
0x6b: {  	_ =	shalt  }
0x6c: {  	_ =	shalt  }
0x6d: {  	_ =	shalt  }
0x6e: {  	_ =	shalt  }
0x6f: {  	_ =	shalt  }
0x70: {  	_ =	shalt  }
0x71: {  	_ =	shalt  }
0x72: {  	_ =	shalt  }
0x73: {  	_ =	shalt  }
0x74: {  	_ =	shalt  }
0x75: {  	_ =	shalt  }
0x76: {  	_ =	shalt  }
0x77: {  	_ =	shalt  }
0x78: {  	_ =	shalt  }
0x79: {  	_ =	shalt  }
0x7a: {  	_ =	shalt  }
0x7b: {  	_ =	shalt  }
0x7c: {  	_ =	shalt  }
0x7d: {  	_ =	shalt  }
0x7e: {  	_ =	shalt  }
0x7f: {  	_ =	shalt  }
0x80: {  	_ =	shalt  }
0x81: {  	_ =	shalt  }
0x82: {  	_ =	shalt  }
0x83: {  	_ =	shalt  }
0x84: {  	_ =	shalt  }
0x85: {  	_ =	shalt  }
0x86: {  	_ =	shalt  }
0x87: {  	_ =	shalt  }
.Lfunc_end0:
.L_simem_size_0:
called_computation.2_lowered:
.L_overlay_start_0:
0x88: {  	s2 =	sld [smem:$0x3FD9]  }
0x89: {  	s3 =	sld [smem:$0x3FFE];
	_ =	sdelay $0x1  }
0x8a: {  	s1 =	srdreg.scid  }
0x8b: {  	s0 =	sand.u32 $0x1, s1  }
0x8c: {  	s17 =	sshll.u32 s0, $0xA;
	s2 =	sadd.s32 s3, s2  }
0x8d: {  	s2 =	sadd.s32 s2, s17  }
0x8e: {  	[smem:$0x3FBD] =	sst s2  }
0x8f: {  	_ = 	snop  }
0x90: {  	s2 =	sld [smem:$0x3FD0];
	(tm) =	ssettm $0x1  }
0x91: {  	s18 =	sld [smem:$0x3FFB];
	_ =	sdelay $0x3  }
0x92: {  	_ =	strace s18  }
0x93: {  	s3 =	sld [smem:$0x3FFC];
	_ =	sdelay $0x3  }
0x94: {  	_ =	strace s3  }
0x95: {  	s3 =	sld [smem:$0x3FFD];
	_ =	sdelay $0x3  }
0x96: {  	_ =	strace s3  }
0x97: {  	_ =	strace $0x8FFFFFFF  }
0x98: {  	s19 =	sld [smem:$0x3FDB];
	_ =	sdelay $0x1  }
0x99: {  	s4 =	simm.s32 $_scs_section_size  }
0x9a: {  	s5 =	simm.s32 $_size__tile_overlayer_lowered;
	s6 =	simm.s32 $_tile_overlayer_lowered  }
0x9b: {  	s22 =	simm.s32 $0x1BFF;
	s21 =	sshll.u32 s6, $0x1;
	s3 =	sadd.s32 s4, s19  }
0x9c: {  	s7 =	simm.s32 $0x0;
	s20 =	sshll.u32 s5, $0x1;
	s5 =	sadd.s32 s21, s3  }
0x9d: {  	[timem:s7], [sflag:s22] =	dma.local [hbm:s5], s20  }
0x9e: {  	_ =	swait.ge [sflag:s22], s20  }
0x9f: {  	s4 =	ssub.s32 $0x0, s20;
	[sflag:s22] =	ssyncset.done $0x0  }
0xa0: {  	[sflag:s22] =	ssyncadd.s32 s4;
	_ =	sdelay $0x1  }
0xa1: {  	s23 =	simm.s32 $0x1B8B  }
0xa2: {  	_ =	swait.ge [sflag:s23], $0x1  }
0xa3: {  	[sflag:s23] =	ssyncset.done $0x0  }
0xa4: {  	s25 =	simm.s32 $0x1B8E;
	s24 =	sld [smem:$0x3FFE];
	[sflag:s23] =	ssyncadd.s32 $0xFFFFFFFF  }
0xa5: {  	s26 =	simm.s32 $execute0_lowered;
	[smem:$0x3FD2] =	sst s25  }
0xa6: {  	s5 =	sshll.u32 s26, $0x1;
	_ =	strace $0x8000004C;
	[dreg:$0x1] =	wrdreg $0xFFFFFFFF  }
0xa7: {  	s28 =	simm.s32 $_size_execute0_lowered;
	s3 =	sadd.s32 s3, s5;
	[dreg:$0x0] =	wrdreg $0x0  }
0xa8: {  	s5 =	sshll.u32 s28, $0x1;
	[dreg:$0x2] =	wrdreg s3  }
0xa9: {  	[dreg:$0x3] =	wrdreg s5  }
0xaa: {  	[dreg:$0x4] =	wrdreg $0xC0  }
0xab: {  	_ =	task [dreg:s7], $0x5FFFF  }
0xac: {  	[dreg:$0x1] =	wrdreg $0xFFFFFFFF  }
0xad: {  	[dreg:$0x0] =	wrdreg $0x60  }
0xae: {  	[dreg:$0x2] =	wrdreg s24  }
0xaf: {  	[dreg:$0x3] =	wrdreg s2  }
0xb0: {  	[dreg:$0x4] =	wrdreg $0x28000  }
0xb1: {  	[dreg:$0x5] =	wrdreg $0x9  }
0xb2: {  	_ =	task.clear_ibuf [dreg:s7], $0x6FFFF;
	_ =	strace $0x9000004C  }
0xb3: {  	s29 =	simm.s32 $0x9;
	_ =	strace $0x8000004E  }
0xb4: {  	_ =	swait.ge [sflag:s29], $0x1  }
0xb5: {  	[sflag:s29] =	ssyncadd.s32 $0xFFFFFFFF  }
0xb6: {  	_ =	strace $0x9000004E  }
0xb7: {  	_ =	sfence  }
0xb8: {  	s30 =	sld [smem:$0x0];
	_ =	sdelay $0x2  }
0xb9: {  	s31 =	sshll.u32 s1, $0xD;
	s1 =	sshrl.u32 s1, $0x2  }
0xba: {  	s3 =	sand.u32 $0x4000, s31;
	s1 =	sadd.s32 s1, s30  }
0xbb: {  	s0 =	sor.u32 s3, s0;
	s1 =	sshll.u32 s1, $0x11  }
0xbc: {  	s0 =	sor.u32 s1, s0  }
0xbd: {  	s0 =	sadd.s32 $0x8F2B, s0  }
0xbe: {  	[sflag:s0] =	ssyncadd.remote.s32 $0x1  }
0xbf: {  	_ =	sfence.sel $0xFFFF  }
0xc0: {  	[dreg:$0x0] =	wrdreg $0xFFFFFFFF;
	(pc) =	sbr.abs _section_cstart, $3  }
0xc1: {  	[dreg:$0x1] =	wrdreg $0xFFFFFFFF  }
0xc2: {  	_ =	task.clear_ibuf [dreg:s7], $0x2FFFF;
	_ =	strace $0x9FFFFFFF  }
0xc3: {  	(tm) =	ssettm $0x7FFFFFFF  }
tec
execute0_lowered:
.L_overlay_start_1:
0x0: {  	(tag) =	ssettag $0x1  }
0x1: {  	s0 =	rddreg [dreg:$0x0]  }
0x2: {  	s6 =	rddreg [dreg:$0x1]  }
0x3: {  	s1 =	rddreg [dreg:$0x2];
	s2 =	simm.s32 $0x0;
	s4 =	srdreg.scid  }
0x4: {  	s7 =	stileid.u32;
	s28 =	simm.s32 $0x50;
	s29 =	simm.s32 $0x189C0  }
0x5: {  	s30 =	simm.s32 $0x18A40;
	s31 =	simm.s32 $0x4;
	[smem:$0x7FF] =	sst s2  }
0x6: {  	s3 =	sadd.s32 $0x66000, s0;
	s9 =	sand.u32 $0x1, s4;
	s4 =	sadd.s32 $0xDA00, s0  }
0x7: {  	s10 =	smul.u32 $0x4E000, s7;
	s5 =	sadd.s32 $0x3C00, s0;
	s0 =	sadd.s32 $0xB4400, s0  }
0x8: {  	s12 =	sshll.u32 s7, $0x1;
	s13 =	smul.u32 $0x13800, s7;
	s15 =	sshll.u32 s7, $0x6  }
0x9: {  	s17 =	sadd.s32 $0x138000, s1;
	s22 =	smul.u32 $0x4E20, s7;
	p0 =	sne.s32 s7, $0x0  }
0xa: {  	s7 =	simm.s32 $0x2;
	_ =	strace $0x8000004D;
	s8 =	ssub.s32 $0x2, s9  }
0xb: {  	s26 =	sor.u32 s9, s12;
	[dreg:$0x6] =	wrdreg s17;
	s19 =	smul.u32 $0x138800, s9  }
0xc: {  	s9 =	smul.u32 $0x2710, s9;
	s11 =	sshrl.u32 s8, $0x1;
	s10 =	sshrl.u32 s10, $0x2  }
0xd: {  	s12 =	sshrl.u32 s13, $0x3;
	s14 =	smul.u32 $0x2710, s26;
	s10 =	sadd.s32 s10, s1  }
0xe: {  	s11 =	ssub.s32 s8, s11;
	s16 =	sadd.s32 s6, s12;
	[dreg:$0x4] =	wrdreg s10  }
0xf: {  	s8 =	sor.u32 $0x1C05, s15;
	s6 =	sadd.s32 $0x27000, s6;
	[dreg:$0x5] =	wrdreg s16  }
0x10: {  	s24 =	sadd.s32 s13, s19;
	s9 =	sadd.s32 s9, s22;
	[dreg:$0x7] =	wrdreg s6  }
0x11: {  	s18 =	sshrl.u32 s14, $0x3;
	s10 =	sshrl.u32 s19, $0x3;
	s26 =	sadd.s32 $0xF0, s9  }
0x12: {  	s17 =	smax.u32 s11, $0x1;
	s22 =	sadd.s32 $0xA0, s9;
	s9 =	simm.s32 $0x0  }
0x13: {  	s20 =	sadd.s32 s4, s18;
	s21 =	sadd.s32 $0xA, s18;
	s15 =	sadd.s32 s5, s18  }
0x14: {  	s10 =	sadd.s32 s0, s10;
	s6 =	sadd.s32 $0x4D8, s18;
	[dreg:$0x8] =	wrdreg s20  }
0x15: {  	[dreg:$0x9] =	wrdreg s15;
	s23 =	sadd.s32 s4, s21;
	s12 =	sadd.s32 s5, s21  }
0x16: {  	s25 =	sadd.s32 $0x27000, s10;
	s18 =	sadd.s32 s4, s6;
	[dreg:$0xa] =	wrdreg s23  }
0x17: {  	s19 =	sadd.s32 s5, s6;
	s6 =	simm.s32 $0x1;
	[dreg:$0xb] =	wrdreg s12  }
0x18: {  	s12 =	sshrl.u32 s24, $0x3;
	[dreg:$0xd] =	wrdreg s25;
	s23 =	simm.s32 $0x5  }
0x19: {  	s24 =	simm.s32 $0x188C0;
	s25 =	simm.s32 $0x18940;
	s0 =	sadd.s32 s0, s12  }
0x1a: {  	[dreg:$0xc] =	wrdreg s0;
	s0 =	sshrl.u32 s26, $0x3;
	s26 =	simm.s32 $0x3  }
0x1b: {  	s20 =	sadd.s32 s0, s5;
	s21 =	sadd.s32 s0, s4;
	s0 =	simm.s32 $0x160C0  }
.LBB2_1:
0x1c: {  	s10 =	rddreg [dreg:$0x4]  }
0x1d: {  	s11 =	rddreg [dreg:$0x5];
	s10 =	sshrl.u32 s10, $0x3  }
0x1e: {  	[spmem:s10], [sflag:s8] =	dma.local [hbm:s11], $0x2700  }
0x1f: {  	_ =	swait.ge [sflag:s23], $0x2700  }
0x20: {  	[sflag:s23] =	ssyncset.done $0x0;
	s11 =	rddreg [dreg:$0x6]  }
0x21: {  	s12 =	rddreg [dreg:$0x7];
	[sflag:s23] =	ssyncadd.s32 $0xFFFFD900;
	s11 =	sshrl.u32 @!p0 s11, $0x3  }
0x22: {  	[spmem:s11], [sflag:s8] =	dma.local @!p0 [hbm:s12], $0x100  }
0x23: {  	s12 =	simm.s32 @!p0 $0x5  }
0x24: {  	_ =	swait.ge @!p0 [sflag:s12], $0x100  }
0x25: {  	[sflag:s12] =	ssyncset.done @!p0 $0x0  }
0x26: {  	[sflag:s12] =	ssyncadd.s32 @!p0 $0xFFFFFF00  }
0x27: {  	[bflag:$0x0] =	sbarrier.arrive $0xFFFF  }
0x28: {  	s15 =	rddreg [dreg:$0x8]  }
0x29: {  	[tilespmem:s24], [sflag:$0x3] =	stream.linear.gather [hbm4b:s15+s2], $0x50, $0x38;
	[tilespmem:$0x18AC0] =	vst v63  }
0x2a: {  	s16 =	rddreg [dreg:$0x9]  }
0x2b: {  	[tilespmem:s25], [sflag:$0x3] =	stream.linear.gather [hbm4b:s16+s2], $0x50, $0x38;
	[tilespmem:$0x18AC0] =	vst v63  }
0x2c: {  	_ =	swait.ge [sflag:s26], $0x50  }
0x2d: {  	[sflag:s26] =	ssyncset.done $0x0  }
0x2e: {  	[sflag:s26] =	ssyncadd.s32 $0xFFFFFFB0  }
0x2f: {  	_ =	swait.ge [sflag:s26], $0x50  }
0x30: {  	[sflag:s26] =	ssyncset.done $0x0  }
0x31: {  	[sflag:s26] =	ssyncadd.s32 $0xFFFFFFB0  }
0x32: {  	[tilespmem:s2], [sflag:$0x1] =	stream.indirect.gather [hbm4b:s3+s28], $0x80, s24, s28, $0xb8;
	[tilespmem:$0x18AC0] =	vst v63  }
0x33: {  	s13 =	rddreg [dreg:$0xa]  }
0x34: {  	[tilespmem:s29], [sflag:$0x4] =	stream.linear.gather [hbm4b:s13+s2], $0x50, $0x38;
	[tilespmem:$0x18AC0] =	vst v63  }
0x35: {  	s14 =	rddreg [dreg:$0xb]  }
0x36: {  	[tilespmem:s30], [sflag:$0x4] =	stream.linear.gather [hbm4b:s14+s2], $0x50, $0x38;
	[tilespmem:$0x18AC0] =	vst v63  }
0x37: {  	_ =	swait.ge [sflag:s31], $0x50  }
0x38: {  	[sflag:s31] =	ssyncset.done $0x0  }
0x39: {  	[sflag:s31] =	ssyncadd.s32 $0xFFFFFFB0  }
0x3a: {  	_ =	swait.ge [sflag:s31], $0x50  }
0x3b: {  	[sflag:s31] =	ssyncset.done $0x0  }
0x3c: {  	[sflag:s31] =	ssyncadd.s32 $0xFFFFFFB0  }
0x3d: {  	[tilespmem:s0], [sflag:$0x2] =	stream.indirect.gather [hbm4b:s3+s28], $0x80, s29, s28, $0xb8;
	[tilespmem:$0x18AC0] =	vst v63  }
0x3e: {  	_ =	swait.ge [sflag:s6], $0x2800  }
0x3f: {  	[sflag:s6] =	ssyncset.done $0x0  }
0x40: {  	[sflag:s6] =	ssyncadd.s32 $0xFFFFD800  }
0x41: {  	[spmem:s1] =	stream.indirect.scatter.add.f32 [tilespmem:s2], [sflag:$0x5], $0x80, s25, s28, $0xb8;
	[tilespmem:$0x18AC0] =	vst v63  }
0x42: {  	_ =	swait.ge [sflag:s23], $0x2800  }
0x43: {  	s15 =	sshrl.u32 s22, $0x3;
	[sflag:s23] =	ssyncset.done $0x0  }
0x44: {  	s13 =	sadd.s32 s4, s15;
	[sflag:s23] =	ssyncadd.s32 $0xFFFFD800  }
0x45: {  	[tilespmem:s24], [sflag:$0x3] =	stream.linear.gather [hbm4b:s13+s2], $0x50, $0x38;
	[tilespmem:$0x18AC0] =	vst v63  }
0x46: {  	s12 =	sadd.s32 s5, s15  }
0x47: {  	[tilespmem:s25], [sflag:$0x3] =	stream.linear.gather [hbm4b:s12+s2], $0x50, $0x38;
	[tilespmem:$0x18AC0] =	vst v63  }
0x48: {  	_ =	swait.ge [sflag:s26], $0x50  }
0x49: {  	[sflag:s26] =	ssyncset.done $0x0  }
0x4a: {  	[sflag:s26] =	ssyncadd.s32 $0xFFFFFFB0  }
0x4b: {  	_ =	swait.ge [sflag:s26], $0x50  }
0x4c: {  	[sflag:s26] =	ssyncset.done $0x0  }
0x4d: {  	[sflag:s26] =	ssyncadd.s32 $0xFFFFFFB0  }
0x4e: {  	[tilespmem:s2], [sflag:$0x1] =	stream.indirect.gather [hbm4b:s3+s28], $0x80, s24, s28, $0xb8;
	[tilespmem:$0x18AC0] =	vst v63  }
0x4f: {  	_ =	swait.ge [sflag:s7], $0x2800  }
0x50: {  	[sflag:s7] =	ssyncset.done $0x0  }
0x51: {  	[sflag:s7] =	ssyncadd.s32 $0xFFFFD800  }
0x52: {  	[spmem:s1] =	stream.indirect.scatter.add.f32 [tilespmem:s0], [sflag:$0x5], $0x80, s30, s28, $0xb8;
	[tilespmem:$0x18AC0] =	vst v63  }
0x53: {  	_ =	swait.ge [sflag:s23], $0x2800  }
0x54: {  	s16 =	sadd.s32 $0x0, s21;
	s14 =	sadd.s32 $0x0, s20;
	[sflag:s23] =	ssyncset.done $0x0  }
0x55: {  	s13 =	sadd.s32 $0xA0, s22;
	s12 =	simm.s32 $0x14;
	[sflag:s23] =	ssyncadd.s32 $0xFFFFD800  }
0x56: {  	[tilespmem:s29], [sflag:$0x4] =	stream.linear.gather [hbm4b:s16+s2], $0x50, $0x38;
	[tilespmem:$0x18AC0] =	vst v63  }
.LBB2_2:
0x57: {  	[tilespmem:s30], [sflag:$0x4] =	stream.linear.gather [hbm4b:s14+s2], $0x50, $0x38;
	[tilespmem:$0x18AC0] =	vst v63  }
0x58: {  	s14 =	smov.u32 s12  }
0x59: {  	p1 =	sne.s32 s12, $0x4B0;
	s12 =	sadd.s32 $0x14, s12;
	_ =	swait.ge [sflag:s31], $0x50  }
0x5a: {  	[sflag:s31] =	ssyncset.done $0x0  }
0x5b: {  	[sflag:s31] =	ssyncadd.s32 $0xFFFFFFB0  }
0x5c: {  	_ =	swait.ge [sflag:s31], $0x50  }
0x5d: {  	[sflag:s31] =	ssyncset.done $0x0  }
0x5e: {  	[sflag:s31] =	ssyncadd.s32 $0xFFFFFFB0  }
0x5f: {  	[tilespmem:s0], [sflag:$0x2] =	stream.indirect.gather [hbm4b:s3+s28], $0x80, s29, s28, $0xb8;
	[tilespmem:$0x18AC0] =	vst v63  }
0x60: {  	_ =	swait.ge [sflag:s6], $0x2800  }
0x61: {  	[sflag:s6] =	ssyncset.done $0x0  }
0x62: {  	[sflag:s6] =	ssyncadd.s32 $0xFFFFD800  }
0x63: {  	[spmem:s1] =	stream.indirect.scatter.add.f32 [tilespmem:s2], [sflag:$0x5], $0x80, s25, s28, $0xb8;
	[tilespmem:$0x18AC0] =	vst v63  }
0x64: {  	_ =	swait.ge [sflag:s23], $0x2800  }
0x65: {  	s15 =	sshrl.u32 s13, $0x3;
	[sflag:s23] =	ssyncset.done $0x0  }
0x66: {  	s16 =	sadd.s32 s4, s15;
	[sflag:s23] =	ssyncadd.s32 $0xFFFFD800  }
0x67: {  	[tilespmem:s24], [sflag:$0x3] =	stream.linear.gather [hbm4b:s16+s2], $0x50, $0x38;
	[tilespmem:$0x18AC0] =	vst v63  }
0x68: {  	s15 =	sadd.s32 s5, s15  }
0x69: {  	[tilespmem:s25], [sflag:$0x3] =	stream.linear.gather [hbm4b:s15+s2], $0x50, $0x38;
	[tilespmem:$0x18AC0] =	vst v63  }
0x6a: {  	_ =	swait.ge [sflag:s26], $0x50  }
0x6b: {  	[sflag:s26] =	ssyncset.done $0x0  }
0x6c: {  	[sflag:s26] =	ssyncadd.s32 $0xFFFFFFB0  }
0x6d: {  	_ =	swait.ge [sflag:s26], $0x50  }
0x6e: {  	[sflag:s26] =	ssyncset.done $0x0  }
0x6f: {  	[sflag:s26] =	ssyncadd.s32 $0xFFFFFFB0  }
0x70: {  	[tilespmem:s2], [sflag:$0x1] =	stream.indirect.gather [hbm4b:s3+s28], $0x80, s24, s28, $0xb8;
	[tilespmem:$0x18AC0] =	vst v63  }
0x71: {  	_ =	swait.ge [sflag:s7], $0x2800  }
0x72: {  	[sflag:s7] =	ssyncset.done $0x0  }
0x73: {  	[sflag:s7] =	ssyncadd.s32 $0xFFFFD800  }
0x74: {  	[spmem:s1] =	stream.indirect.scatter.add.f32 [tilespmem:s0], [sflag:$0x5], $0x80, s30, s28, $0xb8;
	[tilespmem:$0x18AC0] =	vst v63  }
.Ltmp0:
0x75: {  	_ =	swait.ge [sflag:s23], $0x2800;
	(pc) =	sbr.rel @p1 .LBB2_2-.Ltmp0, $4  }
0x76: {  	[sflag:s23] =	ssyncset.done $0x0  }
0x77: {  	s15 =	sadd.s32 s14, s21;
	[sflag:s23] =	ssyncadd.s32 $0xFFFFD800  }
0x78: {  	[tilespmem:s29], [sflag:$0x4] =	stream.linear.gather [hbm4b:s15+s2], $0x50, $0x38;
	[tilespmem:$0x18AC0] =	vst v63  }
0x79: {  	s13 =	sadd.s32 $0xA0, s13;
	s14 =	sadd.s32 s14, s20  }
0x7a: {  	[tilespmem:s30], [sflag:$0x4] =	stream.linear.gather [hbm4b:s14+s2], $0x50, $0x38;
	[tilespmem:$0x18AC0] =	vst v63  }
0x7b: {  	_ =	swait.ge [sflag:s31], $0x50  }
0x7c: {  	[sflag:s31] =	ssyncset.done $0x0  }
0x7d: {  	[sflag:s31] =	ssyncadd.s32 $0xFFFFFFB0  }
0x7e: {  	_ =	swait.ge [sflag:s31], $0x50  }
0x7f: {  	[sflag:s31] =	ssyncset.done $0x0  }
0x80: {  	[sflag:s31] =	ssyncadd.s32 $0xFFFFFFB0  }
0x81: {  	[tilespmem:s0], [sflag:$0x2] =	stream.indirect.gather [hbm4b:s3+s28], $0x80, s29, s28, $0xb8;
	[tilespmem:$0x18AC0] =	vst v63  }
0x82: {  	_ =	swait.ge [sflag:s6], $0x2800  }
0x83: {  	[sflag:s6] =	ssyncset.done $0x0  }
0x84: {  	[sflag:s6] =	ssyncadd.s32 $0xFFFFD800  }
0x85: {  	[spmem:s1] =	stream.indirect.scatter.add.f32 [tilespmem:s2], [sflag:$0x5], $0x80, s25, s28, $0xb8;
	[tilespmem:$0x18AC0] =	vst v63  }
0x86: {  	_ =	swait.ge [sflag:s23], $0x2800  }
0x87: {  	[sflag:s23] =	ssyncset.done $0x0  }
0x88: {  	[sflag:s23] =	ssyncadd.s32 $0xFFFFD800  }
0x89: {  	[tilespmem:s24], [sflag:$0x3] =	stream.linear.gather [hbm4b:s18+s2], $0x50, $0x38;
	[tilespmem:$0x18AC0] =	vst v63  }
0x8a: {  	_ = 	snop  }
0x8b: {  	[tilespmem:s25], [sflag:$0x3] =	stream.linear.gather [hbm4b:s19+s2], $0x50, $0x38;
	[tilespmem:$0x18AC0] =	vst v63  }
0x8c: {  	_ =	swait.ge [sflag:s26], $0x50  }
0x8d: {  	[sflag:s26] =	ssyncset.done $0x0  }
0x8e: {  	[sflag:s26] =	ssyncadd.s32 $0xFFFFFFB0  }
0x8f: {  	_ =	swait.ge [sflag:s26], $0x50  }
0x90: {  	[sflag:s26] =	ssyncset.done $0x0  }
0x91: {  	[sflag:s26] =	ssyncadd.s32 $0xFFFFFFB0  }
0x92: {  	[tilespmem:s2], [sflag:$0x1] =	stream.indirect.gather [hbm4b:s3+s28], $0x80, s24, s28, $0xb8;
	[tilespmem:$0x18AC0] =	vst v63  }
0x93: {  	_ =	swait.ge [sflag:s7], $0x2800  }
0x94: {  	[sflag:s7] =	ssyncset.done $0x0  }
0x95: {  	[sflag:s7] =	ssyncadd.s32 $0xFFFFD800  }
0x96: {  	[spmem:s1] =	stream.indirect.scatter.add.f32 [tilespmem:s0], [sflag:$0x5], $0x80, s30, s28, $0xb8;
	[tilespmem:$0x18AC0] =	vst v63  }
0x97: {  	_ =	swait.ge [sflag:s23], $0x2800  }
0x98: {  	[sflag:s23] =	ssyncset.done $0x0  }
0x99: {  	[sflag:s23] =	ssyncadd.s32 $0xFFFFD800  }
0x9a: {  	[tilespmem:s29], [sflag:$0x4] =	stream.linear.gather [hbm4b:s18+s2], $0x50, $0x38;
	[tilespmem:$0x18AC0] =	vst v63  }
0x9b: {  	_ = 	snop  }
0x9c: {  	[tilespmem:s30], [sflag:$0x4] =	stream.linear.gather [hbm4b:s19+s2], $0x50, $0x38;
	[tilespmem:$0x18AC0] =	vst v63  }
0x9d: {  	_ =	swait.ge [sflag:s31], $0x50  }
0x9e: {  	[sflag:s31] =	ssyncset.done $0x0  }
0x9f: {  	[sflag:s31] =	ssyncadd.s32 $0xFFFFFFB0  }
0xa0: {  	_ =	swait.ge [sflag:s31], $0x50  }
0xa1: {  	[sflag:s31] =	ssyncset.done $0x0  }
0xa2: {  	[sflag:s31] =	ssyncadd.s32 $0xFFFFFFB0  }
0xa3: {  	_ =	swait.ge [sflag:s6], $0x2800  }
0xa4: {  	[sflag:s6] =	ssyncset.done $0x0  }
0xa5: {  	[sflag:s6] =	ssyncadd.s32 $0xFFFFD800  }
0xa6: {  	[spmem:s1] =	stream.indirect.scatter.add.f32 [tilespmem:s2], [sflag:$0x5], $0x80, s25, s28, $0xb8;
	[tilespmem:$0x18AC0] =	vst v63  }
0xa7: {  	_ =	swait.ge [sflag:s23], $0x2800  }
0xa8: {  	[sflag:s23] =	ssyncset.done $0x0  }
0xa9: {  	[sflag:s23] =	ssyncadd.s32 $0xFFFFD800  }
0xaa: {  	[bflag:$0x0] =	sbarrier.arrive $0xFFFF  }
0xab: {  	s12 =	rddreg [dreg:$0xc]  }
0xac: {  	[hbm:s12], [sflag:s8] =	dma.local [spmem:s10], $0x2700  }
0xad: {  	_ =	swait.ge [sflag:s23], $0x2700  }
0xae: {  	s9 =	sadd.s32 $0x1, s9;
	[sflag:s23] =	ssyncset.done $0x0  }
0xaf: {  	p1 =	sne.s32 s9, s17;
	s10 =	rddreg [dreg:$0xd];
	[sflag:s23] =	ssyncadd.s32 $0xFFFFD900  }
0xb0: {  	[hbm:s10], [sflag:s8] =	dma.local @!p0 [spmem:s11], $0x100  }
.Ltmp1:
0xb1: {  	_ = 	snop;
	(pc) =	sbr.rel @p1 .LBB2_1-.Ltmp1, $4  }
0xb2: {  	s10 =	simm.s32 @!p0 $0x5  }
0xb3: {  	_ =	swait.ge @!p0 [sflag:s10], $0x100  }
0xb4: {  	[sflag:s10] =	ssyncset.done @!p0 $0x0  }
0xb5: {  	[sflag:s10] =	ssyncadd.s32 @!p0 $0xFFFFFF00  }
0xb6: {  	_ =	sfence.sel $0x180000  }
0xb7: {  	[bflag:$0x0] =	sbarrier.arrive $0xFFFF  }
0xb8: {  	_ =	strace $0x9000004D  }
0xb9: {  	[bflag:$0x2] =	sbarrier.arrive $0xFFFF  }
0xba: {  	s0 =	rddreg [dreg:$0x3]  }
0xbb: {  	s0 =	sadd.s32 @!p0 $0x100000, s0  }
0xbc: {  	[sflag:s0] =	ssyncadd.tile.s32 @!p0 $0x1;
	_ =	shalt  }
.Lfunc_end2:
_tile_overlayer_lowered:
.L_overlay_start_2:
0xbd: {  	(tag) =	ssettag $0x2  }
0xbe: {  	s0 =	rddreg [dreg:$0x0];
	s2 =	stileid.u32  }
0xbf: {  	s1 =	rddreg [dreg:$0x1];
	p0 =	sne.s32 s2, $0x0  }
0xc0: {  	s3 =	rddreg [dreg:$0x2];
	[bflag:$0x3] =	sbarrier.arrive $0xFFFF;
	s2 =	simm.s32 @!p0 $0x1C05  }
0xc1: {  	[timem:s3], [sflag:s2] =	dma.local @!p0 [hbm:s0], s1  }
0xc2: {  	s0 =	simm.s32 @!p0 $0x5  }
0xc3: {  	_ =	swait.ge @!p0 [sflag:s0], s1  }
0xc4: {  	s1 =	ssub.s32 @!p0 $0x0, s1;
	[sflag:s0] =	ssyncset.done @!p0 $0x0  }
0xc5: {  	[sflag:s0] =	ssyncadd.s32 @!p0 s1  }
0xc6: {  	[bflag:$0x3] =	sbarrier.arrive $0xFFFF  }
0xc7: {  	_ =	shalt  }

// kernel: kernel.19.cloned.1.call-start
scs
__scs_entry_jumppad:
0x0: {  	(pc) =	sbr.rel $0x88, $3  }
0x1: {  	(tag) =	ssettag $0x0;
	lr =	simm.s32 $0x1  }
0x2: {  	[smem:$0x3F96] =	sst lr;
	_ =	strace $0xD0000000  }
0x3: {  	_ = 	snop  }
0x4: {  	_ = 	snop  }
0x5: {  	_ = 	snop  }
0x6: {  	_ = 	snop  }
0x7: {  	_ = 	snop  }
__scs_overlays_trampoline_lowered:
0x8: {  	[smem:$0x3FA5] =	sst s0  }
0x9: {  	[smem:$0x3FA6] =	sst s1  }
0xa: {  	[smem:$0x3FA7] =	sst s2  }
0xb: {  	[smem:$0x3FA8] =	sst s3  }
0xc: {  	[smem:$0x3FA9] =	sst s4  }
0xd: {  	[smem:$0x3FAA] =	sst s5  }
0xe: {  	[smem:$0x3FAB] =	sst s6  }
0xf: {  	[smem:$0x3FAC] =	sst s7  }
0x10: {  	[smem:$0x3FAD] =	sst s8  }
0x11: {  	[smem:$0x3FAE] =	sst s9;
	s0 =	simm.s32 @!p0 $0x0  }
0x12: {  	s1 =	sld [smem:$0x3F94];
	s0 =	simm.s32 @p0 $0x1  }
0x13: {  	[smem:$0x3FAF] =	sst s0;
	s0 =	simm.s32 @!p1 $0x0  }
0x14: {  	s2 =	sld [smem:$0x3F93];
	s0 =	simm.s32 @p1 $0x1  }
0x15: {  	[smem:$0x3FB0] =	sst s0;
	s0 =	simm.s32 @!p2 $0x0  }
0x16: {  	s3 =	sld [smem:$0x3FDB];
	s0 =	simm.s32 @p2 $0x1  }
0x17: {  	s4 =	simm.s32 $0x1BF5;
	[smem:$0x3FB2] =	sst s0  }
0x18: {  	s0 =	sld [smem:$0x3F95];
	_ =	swait.ge [sflag:s4], $0x0  }
0x19: {  	s7 =	sld [smem:$0x3F96]  }
0x1a: {  	s8 =	sadd.s32 $0xFFFFE003, lr  }
0x1b: {  	s9 =	sadd.s32 $0xFFFFFEF7, lr;
	s5 =	simm.s32 $0xFFFFFFFF;
	p2 =	slt.u32 s8, $0xFFFFF086  }
0x1c: {  	p1 =	slt.u32 s9, $0xF7A;
	s5 =	simm.s32 @!p2 $0x0  }
0x1d: {  	s5 =	simm.s32 @p1 $0x1;
	p0 =	seq.s32 s7, s2  }
0x1e: {  	s7 =	smul.u32 @!p0 $0xF7A, s2;
	p2 =	seq.s32 @!p0 s5, $0x0  }
0x1f: {  	s9 =	smul.u32 $0xF7A, s1;
	s8 =	simm.s32 @!p0 $0x1BF5;
	p2 =	por !p2, p0  }
0x20: {  	[sflag:s8] =	ssyncset.s32 @!p0 $0xFFFFF086;
	s6 =	sadd.s32 @!p0 s3, s7;
	s7 =	simm.s32 @!p0 $0x108  }
0x21: {  	s3 =	sadd.s32 s3, s9;
	s6 =	sadd.s32 @!p0 $0x88, s6;
	s7 =	simm.s32 @p2 $0x1082  }
0x22: {  	[simem:s7], [sflag:s8] =	dma.local @!p0 [hbm:s6], $0xF7A  }
0x23: {  	s9 =	sor.u32 $0xD0000000, s2;
	s6 =	simm.s32 $0x108;
	_ =	swait.ge @!p0 [sflag:s8], $0x0  }
0x24: {  	s3 =	sadd.s32 $0x88, s3;
	s6 =	simm.s32 @!p1 $0x1082;
	[sflag:s4] =	ssyncset.s32 $0xFFFFF086  }
0x25: {  	[simem:s6], [sflag:s4] =	dma.local [hbm:s3], $0xF7A  }
0x26: {  	[smem:$0x3F96] =	sst s1;
	(tag) =	ssettag s2;
	_ =	strace s9  }
0x27: {  	s1 =	sld [smem:$0x3FA6]  }
0x28: {  	s2 =	sld [smem:$0x3FA7]  }
0x29: {  	s4 =	sld [smem:$0x3FA9]  }
0x2a: {  	p0 =	seq.s32 s5, $0x0;
	s5 =	sld [smem:$0x3FAA]  }
0x2b: {  	s6 =	sld [smem:$0x3FAB]  }
0x2c: {  	s7 =	sld [smem:$0x3FAC]  }
0x2d: {  	s3 =	simm.s32 $0x108;
	s8 =	sld [smem:$0x3FAD]  }
0x2e: {  	s3 =	simm.s32 @!p0 $0x1082;
	s9 =	sld [smem:$0x3FAE]  }
0x2f: {  	lr =	sadd.s32 s0, s3;
	s0 =	sld [smem:$0x3FA5]  }
0x30: {  	s3 =	sld [smem:$0x3FA8]  }
0x31: {  	[smem:$0x3FB1] =	sst s10  }
0x32: {  	s10 =	sld [smem:$0x3FAF];
	_ =	sdelay $0x3  }
0x33: {  	p0 =	seq.s32 s10, $0x1;
	s10 =	sld [smem:$0x3FB1];
	_ =	sdelay $0x3  }
0x34: {  	[smem:$0x3FB1] =	sst s10  }
0x35: {  	s10 =	sld [smem:$0x3FB0];
	_ =	sdelay $0x3  }
0x36: {  	p1 =	seq.s32 s10, $0x1;
	s10 =	sld [smem:$0x3FB1];
	_ =	sdelay $0x3  }
0x37: {  	[smem:$0x3FB1] =	sst s10  }
0x38: {  	s10 =	sld [smem:$0x3FB2]  }
0x39: {  	_ = 	snop;
	(pc) =	sbr.ind lr, $3  }
0x3a: {  	_ = 	snop  }
0x3b: {  	_ = 	snop  }
0x3c: {  	p2 =	seq.s32 s10, $0x1;
	s10 =	sld [smem:$0x3FB1]  }
0x3d: {  	_ =	shalt  }
0x3e: {  	_ =	shalt  }
0x3f: {  	_ =	shalt  }
0x40: {  	_ =	shalt  }
0x41: {  	_ =	shalt  }
0x42: {  	_ =	shalt  }
0x43: {  	_ =	shalt  }
0x44: {  	_ =	shalt  }
0x45: {  	_ =	shalt  }
0x46: {  	_ =	shalt  }
0x47: {  	_ =	shalt  }
0x48: {  	_ =	shalt  }
0x49: {  	_ =	shalt  }
0x4a: {  	_ =	shalt  }
0x4b: {  	_ =	shalt  }
0x4c: {  	_ =	shalt  }
0x4d: {  	_ =	shalt  }
0x4e: {  	_ =	shalt  }
0x4f: {  	_ =	shalt  }
0x50: {  	_ =	shalt  }
0x51: {  	_ =	shalt  }
0x52: {  	_ =	shalt  }
0x53: {  	_ =	shalt  }
0x54: {  	_ =	shalt  }
0x55: {  	_ =	shalt  }
0x56: {  	_ =	shalt  }
0x57: {  	_ =	shalt  }
0x58: {  	_ =	shalt  }
0x59: {  	_ =	shalt  }
0x5a: {  	_ =	shalt  }
0x5b: {  	_ =	shalt  }
0x5c: {  	_ =	shalt  }
0x5d: {  	_ =	shalt  }
0x5e: {  	_ =	shalt  }
0x5f: {  	_ =	shalt  }
0x60: {  	_ =	shalt  }
0x61: {  	_ =	shalt  }
0x62: {  	_ =	shalt  }
0x63: {  	_ =	shalt  }
0x64: {  	_ =	shalt  }
0x65: {  	_ =	shalt  }
0x66: {  	_ =	shalt  }
0x67: {  	_ =	shalt  }
0x68: {  	_ =	shalt  }
0x69: {  	_ =	shalt  }
0x6a: {  	_ =	shalt  }
0x6b: {  	_ =	shalt  }
0x6c: {  	_ =	shalt  }
0x6d: {  	_ =	shalt  }
0x6e: {  	_ =	shalt  }
0x6f: {  	_ =	shalt  }
0x70: {  	_ =	shalt  }
0x71: {  	_ =	shalt  }
0x72: {  	_ =	shalt  }
0x73: {  	_ =	shalt  }
0x74: {  	_ =	shalt  }
0x75: {  	_ =	shalt  }
0x76: {  	_ =	shalt  }
0x77: {  	_ =	shalt  }
0x78: {  	_ =	shalt  }
0x79: {  	_ =	shalt  }
0x7a: {  	_ =	shalt  }
0x7b: {  	_ =	shalt  }
0x7c: {  	_ =	shalt  }
0x7d: {  	_ =	shalt  }
0x7e: {  	_ =	shalt  }
0x7f: {  	_ =	shalt  }
0x80: {  	_ =	shalt  }
0x81: {  	_ =	shalt  }
0x82: {  	_ =	shalt  }
0x83: {  	_ =	shalt  }
0x84: {  	_ =	shalt  }
0x85: {  	_ =	shalt  }
0x86: {  	_ =	shalt  }
0x87: {  	_ =	shalt  }
.Lfunc_end0:
.L_simem_size_0:
called_computation.3_lowered:
.L_overlay_start_0:
0x88: {  	s2 =	sld [smem:$0x3FD9]  }
0x89: {  	s3 =	sld [smem:$0x3FFE];
	_ =	sdelay $0x1  }
0x8a: {  	s1 =	srdreg.scid  }
0x8b: {  	s0 =	sand.u32 $0x1, s1  }
0x8c: {  	s17 =	sshll.u32 s0, $0xA;
	s2 =	sadd.s32 s3, s2  }
0x8d: {  	s2 =	sadd.s32 s2, s17  }
0x8e: {  	[smem:$0x3FBD] =	sst s2  }
0x8f: {  	_ = 	snop  }
0x90: {  	s18 =	sld [smem:$0x3FD0];
	(tm) =	ssettm $0x1  }
0x91: {  	s19 =	sld [smem:$0x3FFB];
	_ =	sdelay $0x3  }
0x92: {  	_ =	strace s19  }
0x93: {  	s2 =	sld [smem:$0x3FFC];
	_ =	sdelay $0x3  }
0x94: {  	_ =	strace s2  }
0x95: {  	s2 =	sld [smem:$0x3FFD];
	_ =	sdelay $0x3  }
0x96: {  	_ =	strace s2  }
0x97: {  	_ =	strace $0x8FFFFFFF  }
0x98: {  	s20 =	sld [smem:$0x3FDB];
	_ =	sdelay $0x1  }
0x99: {  	s4 =	simm.s32 $_scs_section_size  }
0x9a: {  	s5 =	simm.s32 $_size__tile_overlayer_lowered;
	s6 =	simm.s32 $_tile_overlayer_lowered  }
0x9b: {  	s7 =	simm.s32 $0x1BFF;
	s21 =	sshll.u32 s6, $0x1;
	s4 =	sadd.s32 s4, s20  }
0x9c: {  	s22 =	simm.s32 $0x0;
	s5 =	sshll.u32 s5, $0x1;
	s6 =	sadd.s32 s21, s4  }
0x9d: {  	[timem:s22], [sflag:s7] =	dma.local [hbm:s6], s5  }
0x9e: {  	_ =	swait.ge [sflag:s7], s5  }
0x9f: {  	s5 =	ssub.s32 $0x0, s5;
	[sflag:s7] =	ssyncset.done $0x0  }
0xa0: {  	[sflag:s7] =	ssyncadd.s32 s5;
	_ =	sdelay $0x1  }
0xa1: {  	s23 =	simm.s32 $0x1B8B  }
0xa2: {  	_ =	swait.ge [sflag:s23], $0x1  }
0xa3: {  	[sflag:s23] =	ssyncset.done $0x0  }
0xa4: {  	[sflag:s23] =	ssyncadd.s32 $0xFFFFFFFF  }
0xa5: {  	s5 =	sld [smem:$0x0]  }
0xa6: {  	s6 =	sand.u32 $0xFFFFFFFE, s1  }
0xa7: {  	p0 =	sne.s32 s1, s6  }
0xa8: {  	s6 =	sshll.u32 @p0 s6, $0xE  }
0xa9: {  	s6 =	sadd.s32 @p0 $0x11B8D, s6;
	s7 =	sshll.u32 @p0 s5, $0x11  }
0xaa: {  	s6 =	sor.u32 @p0 s7, s6  }
0xab: {  	[sflag:s6] =	ssyncadd.remote.s32 @p0 $0x1;
	_ =	sdelay $0x1  }
0xac: {  	s6 =	simm.s32 @p0 $0x1B8D  }
0xad: {  	_ =	swait.eq @p0 [sflag:s6], $0x1  }
0xae: {  	[sflag:s6] =	ssyncadd.s32 @p0 $0xFFFFFFFF  }
0xaf: {  	s7 =	sshll.u32 @!p0 s1, $0xE  }
0xb0: {  	s7 =	sor.u32 @!p0 $0x4000, s7;
	s6 =	simm.s32 @!p0 $0x1B8D  }
0xb1: {  	s5 =	sshll.u32 @!p0 s5, $0x11;
	s7 =	sadd.s32 @!p0 $0x11B8D, s7;
	_ =	swait.eq @!p0 [sflag:s6], $0x1  }
0xb2: {  	s5 =	sor.u32 @!p0 s5, s7;
	[sflag:s6] =	ssyncadd.s32 @!p0 $0xFFFFFFFF  }
0xb3: {  	s25 =	simm.s32 $0x1B8E;
	s24 =	sld [smem:$0x3FFE];
	[sflag:s5] =	ssyncadd.remote.s32 @!p0 $0x1  }
0xb4: {  	s26 =	simm.s32 $execute0_lowered;
	[smem:$0x3FD2] =	sst s25  }
0xb5: {  	s6 =	sshll.u32 s26, $0x1;
	_ =	strace $0x8000004F;
	[dreg:$0x1] =	wrdreg $0xFFFFFFFF  }
0xb6: {  	s28 =	simm.s32 $_size_execute0_lowered;
	s4 =	sadd.s32 s4, s6;
	[dreg:$0x0] =	wrdreg $0x0  }
0xb7: {  	s6 =	sshll.u32 s28, $0x1;
	[dreg:$0x2] =	wrdreg s4  }
0xb8: {  	[dreg:$0x3] =	wrdreg s6  }
0xb9: {  	[dreg:$0x4] =	wrdreg $0xC0  }
0xba: {  	_ =	task [dreg:s22], $0x5FFFF  }
0xbb: {  	[dreg:$0x1] =	wrdreg $0xFFFFFFFF  }
0xbc: {  	[dreg:$0x0] =	wrdreg $0x60  }
0xbd: {  	[dreg:$0x2] =	wrdreg s24  }
0xbe: {  	[dreg:$0x3] =	wrdreg s18  }
0xbf: {  	[dreg:$0x4] =	wrdreg $0x28000  }
0xc0: {  	[dreg:$0x5] =	wrdreg $0xA  }
0xc1: {  	_ =	task.clear_ibuf [dreg:s22], $0x6FFFF;
	_ =	strace $0x9000004F  }
0xc2: {  	s29 =	simm.s32 $0xA;
	_ =	strace $0x80000051  }
0xc3: {  	_ =	swait.ge [sflag:s29], $0x1  }
0xc4: {  	[sflag:s29] =	ssyncadd.s32 $0xFFFFFFFF  }
0xc5: {  	_ =	strace $0x90000051  }
0xc6: {  	_ =	sfence  }
0xc7: {  	s30 =	sld [smem:$0x0];
	_ =	sdelay $0x2  }
0xc8: {  	s31 =	sshll.u32 s1, $0xD;
	s1 =	sshrl.u32 s1, $0x2  }
0xc9: {  	s4 =	sand.u32 $0x4000, s31;
	s1 =	sadd.s32 s1, s30  }
0xca: {  	s0 =	sor.u32 s4, s0;
	s1 =	sshll.u32 s1, $0x11  }
0xcb: {  	s0 =	sor.u32 s1, s0  }
0xcc: {  	s0 =	sadd.s32 $0x8F2B, s0  }
0xcd: {  	[sflag:s0] =	ssyncadd.remote.s32 $0x1  }
0xce: {  	_ =	sfence.sel $0xFFFF  }
0xcf: {  	[dreg:$0x0] =	wrdreg $0xFFFFFFFF;
	(pc) =	sbr.abs _section_cstart, $3  }
0xd0: {  	[dreg:$0x1] =	wrdreg $0xFFFFFFFF  }
0xd1: {  	_ =	task.clear_ibuf [dreg:s22], $0x2FFFF;
	_ =	strace $0x9FFFFFFF  }
0xd2: {  	(tm) =	ssettm $0x7FFFFFFF  }
0xd3: {  	_ =	shalt  }
tec
execute0_lowered:
.L_overlay_start_1:
0x0: {  	(tag) =	ssettag $0x1  }
0x1: {  	s0 =	rddreg [dreg:$0x0]  }
0x2: {  	s6 =	rddreg [dreg:$0x1]  }
0x3: {  	s1 =	rddreg [dreg:$0x2];
	s2 =	simm.s32 $0x0;
	s4 =	srdreg.scid  }
0x4: {  	s7 =	stileid.u32;
	s28 =	simm.s32 $0x50;
	s29 =	simm.s32 $0x189C0  }
0x5: {  	s30 =	simm.s32 $0x18A40;
	s31 =	simm.s32 $0x4;
	[smem:$0x7FF] =	sst s2  }
0x6: {  	s3 =	sadd.s32 $0x8D200, s0;
	s9 =	sand.u32 $0x1, s4;
	s4 =	sadd.s32 $0xDA00, s0  }
0x7: {  	s10 =	smul.u32 $0x4E000, s7;
	s5 =	sadd.s32 $0x3C00, s0;
	s0 =	sadd.s32 $0x102600, s0  }
0x8: {  	s12 =	sshll.u32 s7, $0x1;
	s13 =	smul.u32 $0x13800, s7;
	s15 =	sshll.u32 s7, $0x6  }
0x9: {  	s17 =	sadd.s32 $0x138000, s1;
	s22 =	smul.u32 $0x4E20, s7;
	p0 =	sne.s32 s7, $0x0  }
0xa: {  	s7 =	simm.s32 $0x2;
	_ =	strace $0x80000050;
	s8 =	ssub.s32 $0x2, s9  }
0xb: {  	s26 =	sor.u32 s9, s12;
	[dreg:$0x6] =	wrdreg s17;
	s19 =	smul.u32 $0x138800, s9  }
0xc: {  	s9 =	smul.u32 $0x2710, s9;
	s11 =	sshrl.u32 s8, $0x1;
	s10 =	sshrl.u32 s10, $0x2  }
0xd: {  	s12 =	sshrl.u32 s13, $0x3;
	s14 =	smul.u32 $0x2710, s26;
	s10 =	sadd.s32 s10, s1  }
0xe: {  	s11 =	ssub.s32 s8, s11;
	s16 =	sadd.s32 s6, s12;
	[dreg:$0x4] =	wrdreg s10  }
0xf: {  	s8 =	sor.u32 $0x1C05, s15;
	s6 =	sadd.s32 $0x27000, s6;
	[dreg:$0x5] =	wrdreg s16  }
0x10: {  	s24 =	sadd.s32 s13, s19;
	s9 =	sadd.s32 s9, s22;
	[dreg:$0x7] =	wrdreg s6  }
0x11: {  	s18 =	sshrl.u32 s14, $0x3;
	s10 =	sshrl.u32 s19, $0x3;
	s26 =	sadd.s32 $0xF0, s9  }
0x12: {  	s17 =	smax.u32 s11, $0x1;
	s22 =	sadd.s32 $0xA0, s9;
	s9 =	simm.s32 $0x0  }
0x13: {  	s20 =	sadd.s32 s4, s18;
	s21 =	sadd.s32 $0xA, s18;
	s15 =	sadd.s32 s5, s18  }
0x14: {  	s10 =	sadd.s32 s0, s10;
	s6 =	sadd.s32 $0x4D8, s18;
	[dreg:$0x8] =	wrdreg s20  }
0x15: {  	[dreg:$0x9] =	wrdreg s15;
	s23 =	sadd.s32 s4, s21;
	s12 =	sadd.s32 s5, s21  }
0x16: {  	s25 =	sadd.s32 $0x27000, s10;
	s18 =	sadd.s32 s4, s6;
	[dreg:$0xa] =	wrdreg s23  }
0x17: {  	s19 =	sadd.s32 s5, s6;
	s6 =	simm.s32 $0x1;
	[dreg:$0xb] =	wrdreg s12  }
0x18: {  	s12 =	sshrl.u32 s24, $0x3;
	[dreg:$0xd] =	wrdreg s25;
	s23 =	simm.s32 $0x5  }
0x19: {  	s24 =	simm.s32 $0x188C0;
	s25 =	simm.s32 $0x18940;
	s0 =	sadd.s32 s0, s12  }
0x1a: {  	[dreg:$0xc] =	wrdreg s0;
	s0 =	sshrl.u32 s26, $0x3;
	s26 =	simm.s32 $0x3  }
0x1b: {  	s20 =	sadd.s32 s0, s5;
	s21 =	sadd.s32 s0, s4;
	s0 =	simm.s32 $0x160C0  }
.LBB2_1:
0x1c: {  	s10 =	rddreg [dreg:$0x4]  }
0x1d: {  	s11 =	rddreg [dreg:$0x5];
	s10 =	sshrl.u32 s10, $0x3  }
0x1e: {  	[spmem:s10], [sflag:s8] =	dma.local [hbm:s11], $0x2700  }
0x1f: {  	_ =	swait.ge [sflag:s23], $0x2700  }
0x20: {  	[sflag:s23] =	ssyncset.done $0x0;
	s11 =	rddreg [dreg:$0x6]  }
0x21: {  	s12 =	rddreg [dreg:$0x7];
	[sflag:s23] =	ssyncadd.s32 $0xFFFFD900;
	s11 =	sshrl.u32 @!p0 s11, $0x3  }
0x22: {  	[spmem:s11], [sflag:s8] =	dma.local @!p0 [hbm:s12], $0x100  }
0x23: {  	s12 =	simm.s32 @!p0 $0x5  }
0x24: {  	_ =	swait.ge @!p0 [sflag:s12], $0x100  }
0x25: {  	[sflag:s12] =	ssyncset.done @!p0 $0x0  }
0x26: {  	[sflag:s12] =	ssyncadd.s32 @!p0 $0xFFFFFF00  }
0x27: {  	[bflag:$0x0] =	sbarrier.arrive $0xFFFF  }
0x28: {  	s15 =	rddreg [dreg:$0x8]  }
0x29: {  	[tilespmem:s24], [sflag:$0x3] =	stream.linear.gather [hbm4b:s15+s2], $0x50, $0x38;
	[tilespmem:$0x18AC0] =	vst v63  }
0x2a: {  	s16 =	rddreg [dreg:$0x9]  }
0x2b: {  	[tilespmem:s25], [sflag:$0x3] =	stream.linear.gather [hbm4b:s16+s2], $0x50, $0x38;
	[tilespmem:$0x18AC0] =	vst v63  }
0x2c: {  	_ =	swait.ge [sflag:s26], $0x50  }
0x2d: {  	[sflag:s26] =	ssyncset.done $0x0  }
0x2e: {  	[sflag:s26] =	ssyncadd.s32 $0xFFFFFFB0  }
0x2f: {  	_ =	swait.ge [sflag:s26], $0x50  }
0x30: {  	[sflag:s26] =	ssyncset.done $0x0  }
0x31: {  	[sflag:s26] =	ssyncadd.s32 $0xFFFFFFB0  }
0x32: {  	[tilespmem:s2], [sflag:$0x1] =	stream.indirect.gather [hbm4b:s3+s28], $0x80, s24, s28, $0xb8;
	[tilespmem:$0x18AC0] =	vst v63  }
0x33: {  	s13 =	rddreg [dreg:$0xa]  }
0x34: {  	[tilespmem:s29], [sflag:$0x4] =	stream.linear.gather [hbm4b:s13+s2], $0x50, $0x38;
	[tilespmem:$0x18AC0] =	vst v63  }
0x35: {  	s14 =	rddreg [dreg:$0xb]  }
0x36: {  	[tilespmem:s30], [sflag:$0x4] =	stream.linear.gather [hbm4b:s14+s2], $0x50, $0x38;
	[tilespmem:$0x18AC0] =	vst v63  }
0x37: {  	_ =	swait.ge [sflag:s31], $0x50  }
0x38: {  	[sflag:s31] =	ssyncset.done $0x0  }
0x39: {  	[sflag:s31] =	ssyncadd.s32 $0xFFFFFFB0  }
0x3a: {  	_ =	swait.ge [sflag:s31], $0x50  }
0x3b: {  	[sflag:s31] =	ssyncset.done $0x0  }
0x3c: {  	[sflag:s31] =	ssyncadd.s32 $0xFFFFFFB0  }
0x3d: {  	[tilespmem:s0], [sflag:$0x2] =	stream.indirect.gather [hbm4b:s3+s28], $0x80, s29, s28, $0xb8;
	[tilespmem:$0x18AC0] =	vst v63  }
0x3e: {  	_ =	swait.ge [sflag:s6], $0x2800  }
0x3f: {  	[sflag:s6] =	ssyncset.done $0x0  }
0x40: {  	[sflag:s6] =	ssyncadd.s32 $0xFFFFD800  }
0x41: {  	[spmem:s1] =	stream.indirect.scatter.add.f32 [tilespmem:s2], [sflag:$0x5], $0x80, s25, s28, $0xb8;
	[tilespmem:$0x18AC0] =	vst v63  }
0x42: {  	_ =	swait.ge [sflag:s23], $0x2800  }
0x43: {  	s15 =	sshrl.u32 s22, $0x3;
	[sflag:s23] =	ssyncset.done $0x0  }
0x44: {  	s13 =	sadd.s32 s4, s15;
	[sflag:s23] =	ssyncadd.s32 $0xFFFFD800  }
0x45: {  	[tilespmem:s24], [sflag:$0x3] =	stream.linear.gather [hbm4b:s13+s2], $0x50, $0x38;
	[tilespmem:$0x18AC0] =	vst v63  }
0x46: {  	s12 =	sadd.s32 s5, s15  }
0x47: {  	[tilespmem:s25], [sflag:$0x3] =	stream.linear.gather [hbm4b:s12+s2], $0x50, $0x38;
	[tilespmem:$0x18AC0] =	vst v63  }
0x48: {  	_ =	swait.ge [sflag:s26], $0x50  }
0x49: {  	[sflag:s26] =	ssyncset.done $0x0  }
0x4a: {  	[sflag:s26] =	ssyncadd.s32 $0xFFFFFFB0  }
0x4b: {  	_ =	swait.ge [sflag:s26], $0x50  }
0x4c: {  	[sflag:s26] =	ssyncset.done $0x0  }
0x4d: {  	[sflag:s26] =	ssyncadd.s32 $0xFFFFFFB0  }
0x4e: {  	[tilespmem:s2], [sflag:$0x1] =	stream.indirect.gather [hbm4b:s3+s28], $0x80, s24, s28, $0xb8;
	[tilespmem:$0x18AC0] =	vst v63  }
0x4f: {  	_ =	swait.ge [sflag:s7], $0x2800  }
0x50: {  	[sflag:s7] =	ssyncset.done $0x0  }
0x51: {  	[sflag:s7] =	ssyncadd.s32 $0xFFFFD800  }
0x52: {  	[spmem:s1] =	stream.indirect.scatter.add.f32 [tilespmem:s0], [sflag:$0x5], $0x80, s30, s28, $0xb8;
	[tilespmem:$0x18AC0] =	vst v63  }
0x53: {  	_ =	swait.ge [sflag:s23], $0x2800  }
0x54: {  	s16 =	sadd.s32 $0x0, s21;
	s14 =	sadd.s32 $0x0, s20;
	[sflag:s23] =	ssyncset.done $0x0  }
0x55: {  	s13 =	sadd.s32 $0xA0, s22;
	s12 =	simm.s32 $0x14;
	[sflag:s23] =	ssyncadd.s32 $0xFFFFD800  }
0x56: {  	[tilespmem:s29], [sflag:$0x4] =	stream.linear.gather [hbm4b:s16+s2], $0x50, $0x38;
	[tilespmem:$0x18AC0] =	vst v63  }
.LBB2_2:
0x57: {  	[tilespmem:s30], [sflag:$0x4] =	stream.linear.gather [hbm4b:s14+s2], $0x50, $0x38;
	[tilespmem:$0x18AC0] =	vst v63  }
0x58: {  	s14 =	smov.u32 s12  }
0x59: {  	p1 =	sne.s32 s12, $0x4B0;
	s12 =	sadd.s32 $0x14, s12;
	_ =	swait.ge [sflag:s31], $0x50  }
0x5a: {  	[sflag:s31] =	ssyncset.done $0x0  }
0x5b: {  	[sflag:s31] =	ssyncadd.s32 $0xFFFFFFB0  }
0x5c: {  	_ =	swait.ge [sflag:s31], $0x50  }
0x5d: {  	[sflag:s31] =	ssyncset.done $0x0  }
0x5e: {  	[sflag:s31] =	ssyncadd.s32 $0xFFFFFFB0  }
0x5f: {  	[tilespmem:s0], [sflag:$0x2] =	stream.indirect.gather [hbm4b:s3+s28], $0x80, s29, s28, $0xb8;
	[tilespmem:$0x18AC0] =	vst v63  }
0x60: {  	_ =	swait.ge [sflag:s6], $0x2800  }
0x61: {  	[sflag:s6] =	ssyncset.done $0x0  }
0x62: {  	[sflag:s6] =	ssyncadd.s32 $0xFFFFD800  }
0x63: {  	[spmem:s1] =	stream.indirect.scatter.add.f32 [tilespmem:s2], [sflag:$0x5], $0x80, s25, s28, $0xb8;
	[tilespmem:$0x18AC0] =	vst v63  }
0x64: {  	_ =	swait.ge [sflag:s23], $0x2800  }
0x65: {  	s15 =	sshrl.u32 s13, $0x3;
	[sflag:s23] =	ssyncset.done $0x0  }
0x66: {  	s16 =	sadd.s32 s4, s15;
	[sflag:s23] =	ssyncadd.s32 $0xFFFFD800  }
0x67: {  	[tilespmem:s24], [sflag:$0x3] =	stream.linear.gather [hbm4b:s16+s2], $0x50, $0x38;
	[tilespmem:$0x18AC0] =	vst v63  }
0x68: {  	s15 =	sadd.s32 s5, s15  }
0x69: {  	[tilespmem:s25], [sflag:$0x3] =	stream.linear.gather [hbm4b:s15+s2], $0x50, $0x38;
	[tilespmem:$0x18AC0] =	vst v63  }
0x6a: {  	_ =	swait.ge [sflag:s26], $0x50  }
0x6b: {  	[sflag:s26] =	ssyncset.done $0x0  }
0x6c: {  	[sflag:s26] =	ssyncadd.s32 $0xFFFFFFB0  }
0x6d: {  	_ =	swait.ge [sflag:s26], $0x50  }
0x6e: {  	[sflag:s26] =	ssyncset.done $0x0  }
0x6f: {  	[sflag:s26] =	ssyncadd.s32 $0xFFFFFFB0  }
0x70: {  	[tilespmem:s2], [sflag:$0x1] =	stream.indirect.gather [hbm4b:s3+s28], $0x80, s24, s28, $0xb8;
	[tilespmem:$0x18AC0] =	vst v63  }
0x71: {  	_ =	swait.ge [sflag:s7], $0x2800  }
0x72: {  	[sflag:s7] =	ssyncset.done $0x0  }
0x73: {  	[sflag:s7] =	ssyncadd.s32 $0xFFFFD800  }
0x74: {  	[spmem:s1] =	stream.indirect.scatter.add.f32 [tilespmem:s0], [sflag:$0x5], $0x80, s30, s28, $0xb8;
	[tilespmem:$0x18AC0] =	vst v63  }
.Ltmp0:
0x75: {  	_ =	swait.ge [sflag:s23], $0x2800;
	(pc) =	sbr.rel @p1 .LBB2_2-.Ltmp0, $4  }
0x76: {  	[sflag:s23] =	ssyncset.done $0x0  }
0x77: {  	s15 =	sadd.s32 s14, s21;
	[sflag:s23] =	ssyncadd.s32 $0xFFFFD800  }
0x78: {  	[tilespmem:s29], [sflag:$0x4] =	stream.linear.gather [hbm4b:s15+s2], $0x50, $0x38;
	[tilespmem:$0x18AC0] =	vst v63  }
0x79: {  	s13 =	sadd.s32 $0xA0, s13;
	s14 =	sadd.s32 s14, s20  }
0x7a: {  	[tilespmem:s30], [sflag:$0x4] =	stream.linear.gather [hbm4b:s14+s2], $0x50, $0x38;
	[tilespmem:$0x18AC0] =	vst v63  }
0x7b: {  	_ =	swait.ge [sflag:s31], $0x50  }
0x7c: {  	[sflag:s31] =	ssyncset.done $0x0  }
0x7d: {  	[sflag:s31] =	ssyncadd.s32 $0xFFFFFFB0  }
0x7e: {  	_ =	swait.ge [sflag:s31], $0x50  }
0x7f: {  	[sflag:s31] =	ssyncset.done $0x0  }
0x80: {  	[sflag:s31] =	ssyncadd.s32 $0xFFFFFFB0  }
0x81: {  	[tilespmem:s0], [sflag:$0x2] =	stream.indirect.gather [hbm4b:s3+s28], $0x80, s29, s28, $0xb8;
	[tilespmem:$0x18AC0] =	vst v63  }
0x82: {  	_ =	swait.ge [sflag:s6], $0x2800  }
0x83: {  	[sflag:s6] =	ssyncset.done $0x0  }
0x84: {  	[sflag:s6] =	ssyncadd.s32 $0xFFFFD800  }
0x85: {  	[spmem:s1] =	stream.indirect.scatter.add.f32 [tilespmem:s2], [sflag:$0x5], $0x80, s25, s28, $0xb8;
	[tilespmem:$0x18AC0] =	vst v63  }
0x86: {  	_ =	swait.ge [sflag:s23], $0x2800  }
0x87: {  	[sflag:s23] =	ssyncset.done $0x0  }
0x88: {  	[sflag:s23] =	ssyncadd.s32 $0xFFFFD800  }
0x89: {  	[tilespmem:s24], [sflag:$0x3] =	stream.linear.gather [hbm4b:s18+s2], $0x50, $0x38;
	[tilespmem:$0x18AC0] =	vst v63  }
0x8a: {  	_ = 	snop  }
0x8b: {  	[tilespmem:s25], [sflag:$0x3] =	stream.linear.gather [hbm4b:s19+s2], $0x50, $0x38;
	[tilespmem:$0x18AC0] =	vst v63  }
0x8c: {  	_ =	swait.ge [sflag:s26], $0x50  }
0x8d: {  	[sflag:s26] =	ssyncset.done $0x0  }
0x8e: {  	[sflag:s26] =	ssyncadd.s32 $0xFFFFFFB0  }
0x8f: {  	_ =	swait.ge [sflag:s26], $0x50  }
0x90: {  	[sflag:s26] =	ssyncset.done $0x0  }
0x91: {  	[sflag:s26] =	ssyncadd.s32 $0xFFFFFFB0  }
0x92: {  	[tilespmem:s2], [sflag:$0x1] =	stream.indirect.gather [hbm4b:s3+s28], $0x80, s24, s28, $0xb8;
	[tilespmem:$0x18AC0] =	vst v63  }
0x93: {  	_ =	swait.ge [sflag:s7], $0x2800  }
0x94: {  	[sflag:s7] =	ssyncset.done $0x0  }
0x95: {  	[sflag:s7] =	ssyncadd.s32 $0xFFFFD800  }
0x96: {  	[spmem:s1] =	stream.indirect.scatter.add.f32 [tilespmem:s0], [sflag:$0x5], $0x80, s30, s28, $0xb8;
	[tilespmem:$0x18AC0] =	vst v63  }
0x97: {  	_ =	swait.ge [sflag:s23], $0x2800  }
0x98: {  	[sflag:s23] =	ssyncset.done $0x0  }
0x99: {  	[sflag:s23] =	ssyncadd.s32 $0xFFFFD800  }
0x9a: {  	[tilespmem:s29], [sflag:$0x4] =	stream.linear.gather [hbm4b:s18+s2], $0x50, $0x38;
	[tilespmem:$0x18AC0] =	vst v63  }
0x9b: {  	_ = 	snop  }
0x9c: {  	[tilespmem:s30], [sflag:$0x4] =	stream.linear.gather [hbm4b:s19+s2], $0x50, $0x38;
	[tilespmem:$0x18AC0] =	vst v63  }
0x9d: {  	_ =	swait.ge [sflag:s31], $0x50  }
0x9e: {  	[sflag:s31] =	ssyncset.done $0x0  }
0x9f: {  	[sflag:s31] =	ssyncadd.s32 $0xFFFFFFB0  }
0xa0: {  	_ =	swait.ge [sflag:s31], $0x50  }
0xa1: {  	[sflag:s31] =	ssyncset.done $0x0  }
0xa2: {  	[sflag:s31] =	ssyncadd.s32 $0xFFFFFFB0  }
0xa3: {  	_ =	swait.ge [sflag:s6], $0x2800  }
0xa4: {  	[sflag:s6] =	ssyncset.done $0x0  }
0xa5: {  	[sflag:s6] =	ssyncadd.s32 $0xFFFFD800  }
0xa6: {  	[spmem:s1] =	stream.indirect.scatter.add.f32 [tilespmem:s2], [sflag:$0x5], $0x80, s25, s28, $0xb8;
	[tilespmem:$0x18AC0] =	vst v63  }
0xa7: {  	_ =	swait.ge [sflag:s23], $0x2800  }
0xa8: {  	[sflag:s23] =	ssyncset.done $0x0  }
0xa9: {  	[sflag:s23] =	ssyncadd.s32 $0xFFFFD800  }
0xaa: {  	[bflag:$0x0] =	sbarrier.arrive $0xFFFF  }
0xab: {  	s12 =	rddreg [dreg:$0xc]  }
0xac: {  	[hbm:s12], [sflag:s8] =	dma.local [spmem:s10], $0x2700  }
0xad: {  	_ =	swait.ge [sflag:s23], $0x2700  }
0xae: {  	s9 =	sadd.s32 $0x1, s9;
	[sflag:s23] =	ssyncset.done $0x0  }
0xaf: {  	p1 =	sne.s32 s9, s17;
	s10 =	rddreg [dreg:$0xd];
	[sflag:s23] =	ssyncadd.s32 $0xFFFFD900  }
0xb0: {  	[hbm:s10], [sflag:s8] =	dma.local @!p0 [spmem:s11], $0x100  }
.Ltmp1:
0xb1: {  	_ = 	snop;
	(pc) =	sbr.rel @p1 .LBB2_1-.Ltmp1, $4  }
0xb2: {  	s10 =	simm.s32 @!p0 $0x5  }
0xb3: {  	_ =	swait.ge @!p0 [sflag:s10], $0x100  }
0xb4: {  	[sflag:s10] =	ssyncset.done @!p0 $0x0  }
0xb5: {  	[sflag:s10] =	ssyncadd.s32 @!p0 $0xFFFFFF00  }
0xb6: {  	_ =	sfence.sel $0x180000  }
0xb7: {  	[bflag:$0x0] =	sbarrier.arrive $0xFFFF  }
0xb8: {  	_ =	strace $0x90000050  }
0xb9: {  	[bflag:$0x2] =	sbarrier.arrive $0xFFFF  }
0xba: {  	s0 =	rddreg [dreg:$0x3]  }
0xbb: {  	s0 =	sadd.s32 @!p0 $0x100000, s0  }
0xbc: {  	[sflag:s0] =	ssyncadd.tile.s32 @!p0 $0x1;
	_ =	shalt  }
.Lfunc_end2:
_tile_overlayer_lowered:
.L_overlay_start_2:
0xbd: {  	(tag) =	ssettag $0x2  }
0xbe: {  	s0 =	rddreg [dreg:$0x0];
	s2 =	stileid.u32  }
0xbf: {  	s1 =	rddreg [dreg:$0x1];
	p0 =	sne.s32 s2, $0x0  }
0xc0: {  	s3 =	rddreg [dreg:$0x2];
	[bflag:$0x3] =	sbarrier.arrive $0xFFFF;
	s2 =	simm.s32 @!p0 $0x1C05  }
0xc1: {  	[timem:s3], [sflag:s2] =	dma.local @!p0 [hbm:s0], s1  }
0xc2: {  	s0 =	simm.s32 @!p0 $0x5  }
0xc3: {  	_ =	swait.ge @!p0 [sflag:s0], s1  }
0xc4: {  	s1 =	ssub.s32 @!p0 $0x0, s1;
	[sflag:s0] =	ssyncset.done @!p0 $0x0  }
0xc5: {  	[sflag:s0] =	ssyncadd.s32 @!p0 s1  }
0xc6: {  	[bflag:$0x3] =	sbarrier.arrive $0xFFFF  }
0xc7: {  	_ =	shalt  }

// kernel: kernel.22.cloned.1.call-start
scs
__scs_entry_jumppad:
0x0: {  	(pc) =	sbr.rel $0x88, $3  }
0x1: {  	(tag) =	ssettag $0x0;
	lr =	simm.s32 $0x1  }
0x2: {  	[smem:$0x3F96] =	sst lr;
	_ =	strace $0xD0000000  }
0x3: {  	_ = 	snop  }
0x4: {  	_ = 	snop  }
0x5: {  	_ = 	snop  }
0x6: {  	_ = 	snop  }
0x7: {  	_ = 	snop  }
__scs_overlays_trampoline_lowered:
0x8: {  	[smem:$0x3FA5] =	sst s0  }
0x9: {  	[smem:$0x3FA6] =	sst s1  }
0xa: {  	[smem:$0x3FA7] =	sst s2  }
0xb: {  	[smem:$0x3FA8] =	sst s3  }
0xc: {  	[smem:$0x3FA9] =	sst s4  }
0xd: {  	[smem:$0x3FAA] =	sst s5  }
0xe: {  	[smem:$0x3FAB] =	sst s6  }
0xf: {  	[smem:$0x3FAC] =	sst s7  }
0x10: {  	[smem:$0x3FAD] =	sst s8  }
0x11: {  	[smem:$0x3FAE] =	sst s9;
	s0 =	simm.s32 @!p0 $0x0  }
0x12: {  	s1 =	sld [smem:$0x3F94];
	s0 =	simm.s32 @p0 $0x1  }
0x13: {  	[smem:$0x3FAF] =	sst s0;
	s0 =	simm.s32 @!p1 $0x0  }
0x14: {  	s2 =	sld [smem:$0x3F93];
	s0 =	simm.s32 @p1 $0x1  }
0x15: {  	[smem:$0x3FB0] =	sst s0;
	s0 =	simm.s32 @!p2 $0x0  }
0x16: {  	s3 =	sld [smem:$0x3FDB];
	s0 =	simm.s32 @p2 $0x1  }
0x17: {  	s4 =	simm.s32 $0x1BF5;
	[smem:$0x3FB2] =	sst s0  }
0x18: {  	s0 =	sld [smem:$0x3F95];
	_ =	swait.ge [sflag:s4], $0x0  }
0x19: {  	s7 =	sld [smem:$0x3F96]  }
0x1a: {  	s8 =	sadd.s32 $0xFFFFE003, lr  }
0x1b: {  	s9 =	sadd.s32 $0xFFFFFEF7, lr;
	s5 =	simm.s32 $0xFFFFFFFF;
	p2 =	slt.u32 s8, $0xFFFFF086  }
0x1c: {  	p1 =	slt.u32 s9, $0xF7A;
	s5 =	simm.s32 @!p2 $0x0  }
0x1d: {  	s5 =	simm.s32 @p1 $0x1;
	p0 =	seq.s32 s7, s2  }
0x1e: {  	s7 =	smul.u32 @!p0 $0xF7A, s2;
	p2 =	seq.s32 @!p0 s5, $0x0  }
0x1f: {  	s9 =	smul.u32 $0xF7A, s1;
	s8 =	simm.s32 @!p0 $0x1BF5;
	p2 =	por !p2, p0  }
0x20: {  	[sflag:s8] =	ssyncset.s32 @!p0 $0xFFFFF086;
	s6 =	sadd.s32 @!p0 s3, s7;
	s7 =	simm.s32 @!p0 $0x108  }
0x21: {  	s3 =	sadd.s32 s3, s9;
	s6 =	sadd.s32 @!p0 $0x88, s6;
	s7 =	simm.s32 @p2 $0x1082  }
0x22: {  	[simem:s7], [sflag:s8] =	dma.local @!p0 [hbm:s6], $0xF7A  }
0x23: {  	s9 =	sor.u32 $0xD0000000, s2;
	s6 =	simm.s32 $0x108;
	_ =	swait.ge @!p0 [sflag:s8], $0x0  }
0x24: {  	s3 =	sadd.s32 $0x88, s3;
	s6 =	simm.s32 @!p1 $0x1082;
	[sflag:s4] =	ssyncset.s32 $0xFFFFF086  }
0x25: {  	[simem:s6], [sflag:s4] =	dma.local [hbm:s3], $0xF7A  }
0x26: {  	[smem:$0x3F96] =	sst s1;
	(tag) =	ssettag s2;
	_ =	strace s9  }
0x27: {  	s1 =	sld [smem:$0x3FA6]  }
0x28: {  	s2 =	sld [smem:$0x3FA7]  }
0x29: {  	s4 =	sld [smem:$0x3FA9]  }
0x2a: {  	p0 =	seq.s32 s5, $0x0;
	s5 =	sld [smem:$0x3FAA]  }
0x2b: {  	s6 =	sld [smem:$0x3FAB]  }
0x2c: {  	s7 =	sld [smem:$0x3FAC]  }
0x2d: {  	s3 =	simm.s32 $0x108;
	s8 =	sld [smem:$0x3FAD]  }
0x2e: {  	s3 =	simm.s32 @!p0 $0x1082;
	s9 =	sld [smem:$0x3FAE]  }
0x2f: {  	lr =	sadd.s32 s0, s3;
	s0 =	sld [smem:$0x3FA5]  }
0x30: {  	s3 =	sld [smem:$0x3FA8]  }
0x31: {  	[smem:$0x3FB1] =	sst s10  }
0x32: {  	s10 =	sld [smem:$0x3FAF];
	_ =	sdelay $0x3  }
0x33: {  	p0 =	seq.s32 s10, $0x1;
	s10 =	sld [smem:$0x3FB1];
	_ =	sdelay $0x3  }
0x34: {  	[smem:$0x3FB1] =	sst s10  }
0x35: {  	s10 =	sld [smem:$0x3FB0];
	_ =	sdelay $0x3  }
0x36: {  	p1 =	seq.s32 s10, $0x1;
	s10 =	sld [smem:$0x3FB1];
	_ =	sdelay $0x3  }
0x37: {  	[smem:$0x3FB1] =	sst s10  }
0x38: {  	s10 =	sld [smem:$0x3FB2]  }
0x39: {  	_ = 	snop;
	(pc) =	sbr.ind lr, $3  }
0x3a: {  	_ = 	snop  }
0x3b: {  	_ = 	snop  }
0x3c: {  	p2 =	seq.s32 s10, $0x1;
	s10 =	sld [smem:$0x3FB1]  }
0x3d: {  	_ =	shalt  }
0x3e: {  	_ =	shalt  }
0x3f: {  	_ =	shalt  }
0x40: {  	_ =	shalt  }
0x41: {  	_ =	shalt  }
0x42: {  	_ =	shalt  }
0x43: {  	_ =	shalt  }
0x44: {  	_ =	shalt  }
0x45: {  	_ =	shalt  }
0x46: {  	_ =	shalt  }
0x47: {  	_ =	shalt  }
0x48: {  	_ =	shalt  }
0x49: {  	_ =	shalt  }
0x4a: {  	_ =	shalt  }
0x4b: {  	_ =	shalt  }
0x4c: {  	_ =	shalt  }
0x4d: {  	_ =	shalt  }
0x4e: {  	_ =	shalt  }
0x4f: {  	_ =	shalt  }
0x50: {  	_ =	shalt  }
0x51: {  	_ =	shalt  }
0x52: {  	_ =	shalt  }
0x53: {  	_ =	shalt  }
0x54: {  	_ =	shalt  }
0x55: {  	_ =	shalt  }
0x56: {  	_ =	shalt  }
0x57: {  	_ =	shalt  }
0x58: {  	_ =	shalt  }
0x59: {  	_ =	shalt  }
0x5a: {  	_ =	shalt  }
0x5b: {  	_ =	shalt  }
0x5c: {  	_ =	shalt  }
0x5d: {  	_ =	shalt  }
0x5e: {  	_ =	shalt  }
0x5f: {  	_ =	shalt  }
0x60: {  	_ =	shalt  }
0x61: {  	_ =	shalt  }
0x62: {  	_ =	shalt  }
0x63: {  	_ =	shalt  }
0x64: {  	_ =	shalt  }
0x65: {  	_ =	shalt  }
0x66: {  	_ =	shalt  }
0x67: {  	_ =	shalt  }
0x68: {  	_ =	shalt  }
0x69: {  	_ =	shalt  }
0x6a: {  	_ =	shalt  }
0x6b: {  	_ =	shalt  }
0x6c: {  	_ =	shalt  }
0x6d: {  	_ =	shalt  }
0x6e: {  	_ =	shalt  }
0x6f: {  	_ =	shalt  }
0x70: {  	_ =	shalt  }
0x71: {  	_ =	shalt  }
0x72: {  	_ =	shalt  }
0x73: {  	_ =	shalt  }
0x74: {  	_ =	shalt  }
0x75: {  	_ =	shalt  }
0x76: {  	_ =	shalt  }
0x77: {  	_ =	shalt  }
0x78: {  	_ =	shalt  }
0x79: {  	_ =	shalt  }
0x7a: {  	_ =	shalt  }
0x7b: {  	_ =	shalt  }
0x7c: {  	_ =	shalt  }
0x7d: {  	_ =	shalt  }
0x7e: {  	_ =	shalt  }
0x7f: {  	_ =	shalt  }
0x80: {  	_ =	shalt  }
0x81: {  	_ =	shalt  }
0x82: {  	_ =	shalt  }
0x83: {  	_ =	shalt  }
0x84: {  	_ =	shalt  }
0x85: {  	_ =	shalt  }
0x86: {  	_ =	shalt  }
0x87: {  	_ =	shalt  }
.Lfunc_end0:
.L_simem_size_0:
called_computation.4_lowered:
.L_overlay_start_0:
0x88: {  	s2 =	sld [smem:$0x3FD9]  }
0x89: {  	s3 =	sld [smem:$0x3FFE];
	_ =	sdelay $0x1  }
0x8a: {  	s1 =	srdreg.scid  }
0x8b: {  	s0 =	sand.u32 $0x1, s1  }
0x8c: {  	s17 =	sshll.u32 s0, $0xA;
	s2 =	sadd.s32 s3, s2  }
0x8d: {  	s2 =	sadd.s32 s2, s17  }
0x8e: {  	[smem:$0x3FBD] =	sst s2  }
0x8f: {  	_ = 	snop  }
0x90: {  	s2 =	sld [smem:$0x3FD0];
	(tm) =	ssettm $0x1  }
0x91: {  	s18 =	sld [smem:$0x3FFB];
	_ =	sdelay $0x3  }
0x92: {  	_ =	strace s18  }
0x93: {  	s3 =	sld [smem:$0x3FFC];
	_ =	sdelay $0x3  }
0x94: {  	_ =	strace s3  }
0x95: {  	s3 =	sld [smem:$0x3FFD];
	_ =	sdelay $0x3  }
0x96: {  	_ =	strace s3  }
0x97: {  	_ =	strace $0x8FFFFFFF  }
0x98: {  	s19 =	sld [smem:$0x3FDB];
	_ =	sdelay $0x1  }
0x99: {  	s4 =	simm.s32 $_scs_section_size  }
0x9a: {  	s5 =	simm.s32 $_size__tile_overlayer_lowered;
	s6 =	simm.s32 $_tile_overlayer_lowered  }
0x9b: {  	s22 =	simm.s32 $0x1BFF;
	s21 =	sshll.u32 s6, $0x1;
	s3 =	sadd.s32 s4, s19  }
0x9c: {  	s7 =	simm.s32 $0x0;
	s20 =	sshll.u32 s5, $0x1;
	s5 =	sadd.s32 s21, s3  }
0x9d: {  	[timem:s7], [sflag:s22] =	dma.local [hbm:s5], s20  }
0x9e: {  	_ =	swait.ge [sflag:s22], s20  }
0x9f: {  	s4 =	ssub.s32 $0x0, s20;
	[sflag:s22] =	ssyncset.done $0x0  }
0xa0: {  	[sflag:s22] =	ssyncadd.s32 s4;
	_ =	sdelay $0x1  }
0xa1: {  	s23 =	simm.s32 $0x1B8B  }
0xa2: {  	_ =	swait.ge [sflag:s23], $0x1  }
0xa3: {  	[sflag:s23] =	ssyncset.done $0x0  }
0xa4: {  	s25 =	simm.s32 $0x1B8E;
	s24 =	sld [smem:$0x3FFE];
	[sflag:s23] =	ssyncadd.s32 $0xFFFFFFFF  }
0xa5: {  	s26 =	simm.s32 $execute0_lowered;
	[smem:$0x3FD2] =	sst s25  }
0xa6: {  	s5 =	sshll.u32 s26, $0x1;
	_ =	strace $0x80000052;
	[dreg:$0x1] =	wrdreg $0xFFFFFFFF  }
0xa7: {  	s28 =	simm.s32 $_size_execute0_lowered;
	s3 =	sadd.s32 s3, s5;
	[dreg:$0x0] =	wrdreg $0x0  }
0xa8: {  	s5 =	sshll.u32 s28, $0x1;
	[dreg:$0x2] =	wrdreg s3  }
0xa9: {  	[dreg:$0x3] =	wrdreg s5  }
0xaa: {  	[dreg:$0x4] =	wrdreg $0xC0  }
0xab: {  	_ =	task [dreg:s7], $0x5FFFF  }
0xac: {  	[dreg:$0x1] =	wrdreg $0xFFFFFFFF  }
0xad: {  	[dreg:$0x0] =	wrdreg $0x60  }
0xae: {  	[dreg:$0x2] =	wrdreg s24  }
0xaf: {  	[dreg:$0x3] =	wrdreg s2  }
0xb0: {  	[dreg:$0x4] =	wrdreg $0x28000  }
0xb1: {  	[dreg:$0x5] =	wrdreg $0x9  }
0xb2: {  	_ =	task.clear_ibuf [dreg:s7], $0x6FFFF;
	_ =	strace $0x90000052  }
0xb3: {  	s29 =	simm.s32 $0x9;
	_ =	strace $0x80000054  }
0xb4: {  	_ =	swait.ge [sflag:s29], $0x1  }
0xb5: {  	[sflag:s29] =	ssyncadd.s32 $0xFFFFFFFF  }
0xb6: {  	_ =	strace $0x90000054  }
0xb7: {  	_ =	sfence  }
0xb8: {  	s30 =	sld [smem:$0x0];
	_ =	sdelay $0x2  }
0xb9: {  	s31 =	sshll.u32 s1, $0xD;
	s1 =	sshrl.u32 s1, $0x2  }
0xba: {  	s3 =	sand.u32 $0x4000, s31;
	s1 =	sadd.s32 s1, s30  }
0xbb: {  	s0 =	sor.u32 s3, s0;
	s1 =	sshll.u32 s1, $0x11  }
0xbc: {  	s0 =	sor.u32 s1, s0  }
0xbd: {  	s0 =	sadd.s32 $0x8F2B, s0  }
0xbe: {  	[sflag:s0] =	ssyncadd.remote.s32 $0x1  }
0xbf: {  	_ =	sfence.sel $0xFFFF  }
0xc0: {  	[dreg:$0x0] =	wrdreg $0xFFFFFFFF;
	(pc) =	sbr.abs _section_cstart, $3  }
0xc1: {  	[dreg:$0x1] =	wrdreg $0xFFFFFFFF  }
0xc2: {  	_ =	task.clear_ibuf [dreg:s7], $0x2FFFF;
	_ =	strace $0x9FFFFFFF  }
0xc3: {  	(tm) =	ssettm $0x7FFFFFFF  }
tec
execute0_lowered:
.L_overlay_start_1:
0x0: {  	(tag) =	ssettag $0x1  }
0x1: {  	s0 =	rddreg [dreg:$0x0]  }
0x2: {  	s6 =	rddreg [dreg:$0x1]  }
0x3: {  	s1 =	rddreg [dreg:$0x2];
	s2 =	simm.s32 $0x0;
	s4 =	srdreg.scid  }
0x4: {  	s7 =	stileid.u32;
	s28 =	simm.s32 $0x50;
	s29 =	simm.s32 $0x189C0  }
0x5: {  	s30 =	simm.s32 $0x18A40;
	s31 =	simm.s32 $0x4;
	[smem:$0x7FF] =	sst s2  }
0x6: {  	s3 =	sadd.s32 $0x66000, s0;
	s9 =	sand.u32 $0x1, s4;
	s4 =	sadd.s32 $0xDA00, s0  }
0x7: {  	s10 =	smul.u32 $0x4E000, s7;
	s5 =	sadd.s32 $0x3C00, s0;
	s0 =	sadd.s32 $0x8D200, s0  }
0x8: {  	s12 =	sshll.u32 s7, $0x1;
	s13 =	smul.u32 $0x13800, s7;
	s15 =	sshll.u32 s7, $0x6  }
0x9: {  	s17 =	sadd.s32 $0x138000, s1;
	s22 =	smul.u32 $0x4E20, s7;
	p0 =	sne.s32 s7, $0x0  }
0xa: {  	s7 =	simm.s32 $0x2;
	_ =	strace $0x80000053;
	s8 =	ssub.s32 $0x2, s9  }
0xb: {  	s26 =	sor.u32 s9, s12;
	[dreg:$0x6] =	wrdreg s17;
	s19 =	smul.u32 $0x138800, s9  }
0xc: {  	s9 =	smul.u32 $0x2710, s9;
	s11 =	sshrl.u32 s8, $0x1;
	s10 =	sshrl.u32 s10, $0x2  }
0xd: {  	s12 =	sshrl.u32 s13, $0x3;
	s14 =	smul.u32 $0x2710, s26;
	s10 =	sadd.s32 s10, s1  }
0xe: {  	s11 =	ssub.s32 s8, s11;
	s16 =	sadd.s32 s6, s12;
	[dreg:$0x4] =	wrdreg s10  }
0xf: {  	s8 =	sor.u32 $0x1C05, s15;
	s6 =	sadd.s32 $0x27000, s6;
	[dreg:$0x5] =	wrdreg s16  }
0x10: {  	s24 =	sadd.s32 s13, s19;
	s9 =	sadd.s32 s9, s22;
	[dreg:$0x7] =	wrdreg s6  }
0x11: {  	s18 =	sshrl.u32 s14, $0x3;
	s10 =	sshrl.u32 s19, $0x3;
	s26 =	sadd.s32 $0xF0, s9  }
0x12: {  	s17 =	smax.u32 s11, $0x1;
	s22 =	sadd.s32 $0xA0, s9;
	s9 =	simm.s32 $0x0  }
0x13: {  	s20 =	sadd.s32 s4, s18;
	s21 =	sadd.s32 $0xA, s18;
	s15 =	sadd.s32 s5, s18  }
0x14: {  	s10 =	sadd.s32 s0, s10;
	s6 =	sadd.s32 $0x4D8, s18;
	[dreg:$0x8] =	wrdreg s20  }
0x15: {  	[dreg:$0x9] =	wrdreg s15;
	s23 =	sadd.s32 s4, s21;
	s12 =	sadd.s32 s5, s21  }
0x16: {  	s25 =	sadd.s32 $0x27000, s10;
	s18 =	sadd.s32 s4, s6;
	[dreg:$0xa] =	wrdreg s23  }
0x17: {  	s19 =	sadd.s32 s5, s6;
	s6 =	simm.s32 $0x1;
	[dreg:$0xb] =	wrdreg s12  }
0x18: {  	s12 =	sshrl.u32 s24, $0x3;
	[dreg:$0xd] =	wrdreg s25;
	s23 =	simm.s32 $0x5  }
0x19: {  	s24 =	simm.s32 $0x188C0;
	s25 =	simm.s32 $0x18940;
	s0 =	sadd.s32 s0, s12  }
0x1a: {  	[dreg:$0xc] =	wrdreg s0;
	s0 =	sshrl.u32 s26, $0x3;
	s26 =	simm.s32 $0x3  }
0x1b: {  	s20 =	sadd.s32 s0, s5;
	s21 =	sadd.s32 s0, s4;
	s0 =	simm.s32 $0x160C0  }
.LBB2_1:
0x1c: {  	s10 =	rddreg [dreg:$0x4]  }
0x1d: {  	s11 =	rddreg [dreg:$0x5];
	s10 =	sshrl.u32 s10, $0x3  }
0x1e: {  	[spmem:s10], [sflag:s8] =	dma.local [hbm:s11], $0x2700  }
0x1f: {  	_ =	swait.ge [sflag:s23], $0x2700  }
0x20: {  	[sflag:s23] =	ssyncset.done $0x0;
	s11 =	rddreg [dreg:$0x6]  }
0x21: {  	s12 =	rddreg [dreg:$0x7];
	[sflag:s23] =	ssyncadd.s32 $0xFFFFD900;
	s11 =	sshrl.u32 @!p0 s11, $0x3  }
0x22: {  	[spmem:s11], [sflag:s8] =	dma.local @!p0 [hbm:s12], $0x100  }
0x23: {  	s12 =	simm.s32 @!p0 $0x5  }
0x24: {  	_ =	swait.ge @!p0 [sflag:s12], $0x100  }
0x25: {  	[sflag:s12] =	ssyncset.done @!p0 $0x0  }
0x26: {  	[sflag:s12] =	ssyncadd.s32 @!p0 $0xFFFFFF00  }
0x27: {  	[bflag:$0x0] =	sbarrier.arrive $0xFFFF  }
0x28: {  	s15 =	rddreg [dreg:$0x8]  }
0x29: {  	[tilespmem:s24], [sflag:$0x3] =	stream.linear.gather [hbm4b:s15+s2], $0x50, $0x38;
	[tilespmem:$0x18AC0] =	vst v63  }
0x2a: {  	s16 =	rddreg [dreg:$0x9]  }
0x2b: {  	[tilespmem:s25], [sflag:$0x3] =	stream.linear.gather [hbm4b:s16+s2], $0x50, $0x38;
	[tilespmem:$0x18AC0] =	vst v63  }
0x2c: {  	_ =	swait.ge [sflag:s26], $0x50  }
0x2d: {  	[sflag:s26] =	ssyncset.done $0x0  }
0x2e: {  	[sflag:s26] =	ssyncadd.s32 $0xFFFFFFB0  }
0x2f: {  	_ =	swait.ge [sflag:s26], $0x50  }
0x30: {  	[sflag:s26] =	ssyncset.done $0x0  }
0x31: {  	[sflag:s26] =	ssyncadd.s32 $0xFFFFFFB0  }
0x32: {  	[tilespmem:s2], [sflag:$0x1] =	stream.indirect.gather [hbm4b:s3+s28], $0x80, s24, s28, $0xb8;
	[tilespmem:$0x18AC0] =	vst v63  }
0x33: {  	s13 =	rddreg [dreg:$0xa]  }
0x34: {  	[tilespmem:s29], [sflag:$0x4] =	stream.linear.gather [hbm4b:s13+s2], $0x50, $0x38;
	[tilespmem:$0x18AC0] =	vst v63  }
0x35: {  	s14 =	rddreg [dreg:$0xb]  }
0x36: {  	[tilespmem:s30], [sflag:$0x4] =	stream.linear.gather [hbm4b:s14+s2], $0x50, $0x38;
	[tilespmem:$0x18AC0] =	vst v63  }
0x37: {  	_ =	swait.ge [sflag:s31], $0x50  }
0x38: {  	[sflag:s31] =	ssyncset.done $0x0  }
0x39: {  	[sflag:s31] =	ssyncadd.s32 $0xFFFFFFB0  }
0x3a: {  	_ =	swait.ge [sflag:s31], $0x50  }
0x3b: {  	[sflag:s31] =	ssyncset.done $0x0  }
0x3c: {  	[sflag:s31] =	ssyncadd.s32 $0xFFFFFFB0  }
0x3d: {  	[tilespmem:s0], [sflag:$0x2] =	stream.indirect.gather [hbm4b:s3+s28], $0x80, s29, s28, $0xb8;
	[tilespmem:$0x18AC0] =	vst v63  }
0x3e: {  	_ =	swait.ge [sflag:s6], $0x2800  }
0x3f: {  	[sflag:s6] =	ssyncset.done $0x0  }
0x40: {  	[sflag:s6] =	ssyncadd.s32 $0xFFFFD800  }
0x41: {  	[spmem:s1] =	stream.indirect.scatter.add.f32 [tilespmem:s2], [sflag:$0x5], $0x80, s25, s28, $0xb8;
	[tilespmem:$0x18AC0] =	vst v63  }
0x42: {  	_ =	swait.ge [sflag:s23], $0x2800  }
0x43: {  	s15 =	sshrl.u32 s22, $0x3;
	[sflag:s23] =	ssyncset.done $0x0  }
0x44: {  	s13 =	sadd.s32 s4, s15;
	[sflag:s23] =	ssyncadd.s32 $0xFFFFD800  }
0x45: {  	[tilespmem:s24], [sflag:$0x3] =	stream.linear.gather [hbm4b:s13+s2], $0x50, $0x38;
	[tilespmem:$0x18AC0] =	vst v63  }
0x46: {  	s12 =	sadd.s32 s5, s15  }
0x47: {  	[tilespmem:s25], [sflag:$0x3] =	stream.linear.gather [hbm4b:s12+s2], $0x50, $0x38;
	[tilespmem:$0x18AC0] =	vst v63  }
0x48: {  	_ =	swait.ge [sflag:s26], $0x50  }
0x49: {  	[sflag:s26] =	ssyncset.done $0x0  }
0x4a: {  	[sflag:s26] =	ssyncadd.s32 $0xFFFFFFB0  }
0x4b: {  	_ =	swait.ge [sflag:s26], $0x50  }
0x4c: {  	[sflag:s26] =	ssyncset.done $0x0  }
0x4d: {  	[sflag:s26] =	ssyncadd.s32 $0xFFFFFFB0  }
0x4e: {  	[tilespmem:s2], [sflag:$0x1] =	stream.indirect.gather [hbm4b:s3+s28], $0x80, s24, s28, $0xb8;
	[tilespmem:$0x18AC0] =	vst v63  }
0x4f: {  	_ =	swait.ge [sflag:s7], $0x2800  }
0x50: {  	[sflag:s7] =	ssyncset.done $0x0  }
0x51: {  	[sflag:s7] =	ssyncadd.s32 $0xFFFFD800  }
0x52: {  	[spmem:s1] =	stream.indirect.scatter.add.f32 [tilespmem:s0], [sflag:$0x5], $0x80, s30, s28, $0xb8;
	[tilespmem:$0x18AC0] =	vst v63  }
0x53: {  	_ =	swait.ge [sflag:s23], $0x2800  }
0x54: {  	s16 =	sadd.s32 $0x0, s21;
	s14 =	sadd.s32 $0x0, s20;
	[sflag:s23] =	ssyncset.done $0x0  }
0x55: {  	s13 =	sadd.s32 $0xA0, s22;
	s12 =	simm.s32 $0x14;
	[sflag:s23] =	ssyncadd.s32 $0xFFFFD800  }
0x56: {  	[tilespmem:s29], [sflag:$0x4] =	stream.linear.gather [hbm4b:s16+s2], $0x50, $0x38;
	[tilespmem:$0x18AC0] =	vst v63  }
.LBB2_2:
0x57: {  	[tilespmem:s30], [sflag:$0x4] =	stream.linear.gather [hbm4b:s14+s2], $0x50, $0x38;
	[tilespmem:$0x18AC0] =	vst v63  }
0x58: {  	s14 =	smov.u32 s12  }
0x59: {  	p1 =	sne.s32 s12, $0x4B0;
	s12 =	sadd.s32 $0x14, s12;
	_ =	swait.ge [sflag:s31], $0x50  }
0x5a: {  	[sflag:s31] =	ssyncset.done $0x0  }
0x5b: {  	[sflag:s31] =	ssyncadd.s32 $0xFFFFFFB0  }
0x5c: {  	_ =	swait.ge [sflag:s31], $0x50  }
0x5d: {  	[sflag:s31] =	ssyncset.done $0x0  }
0x5e: {  	[sflag:s31] =	ssyncadd.s32 $0xFFFFFFB0  }
0x5f: {  	[tilespmem:s0], [sflag:$0x2] =	stream.indirect.gather [hbm4b:s3+s28], $0x80, s29, s28, $0xb8;
	[tilespmem:$0x18AC0] =	vst v63  }
0x60: {  	_ =	swait.ge [sflag:s6], $0x2800  }
0x61: {  	[sflag:s6] =	ssyncset.done $0x0  }
0x62: {  	[sflag:s6] =	ssyncadd.s32 $0xFFFFD800  }
0x63: {  	[spmem:s1] =	stream.indirect.scatter.add.f32 [tilespmem:s2], [sflag:$0x5], $0x80, s25, s28, $0xb8;
	[tilespmem:$0x18AC0] =	vst v63  }
0x64: {  	_ =	swait.ge [sflag:s23], $0x2800  }
0x65: {  	s15 =	sshrl.u32 s13, $0x3;
	[sflag:s23] =	ssyncset.done $0x0  }
0x66: {  	s16 =	sadd.s32 s4, s15;
	[sflag:s23] =	ssyncadd.s32 $0xFFFFD800  }
0x67: {  	[tilespmem:s24], [sflag:$0x3] =	stream.linear.gather [hbm4b:s16+s2], $0x50, $0x38;
	[tilespmem:$0x18AC0] =	vst v63  }
0x68: {  	s15 =	sadd.s32 s5, s15  }
0x69: {  	[tilespmem:s25], [sflag:$0x3] =	stream.linear.gather [hbm4b:s15+s2], $0x50, $0x38;
	[tilespmem:$0x18AC0] =	vst v63  }
0x6a: {  	_ =	swait.ge [sflag:s26], $0x50  }
0x6b: {  	[sflag:s26] =	ssyncset.done $0x0  }
0x6c: {  	[sflag:s26] =	ssyncadd.s32 $0xFFFFFFB0  }
0x6d: {  	_ =	swait.ge [sflag:s26], $0x50  }
0x6e: {  	[sflag:s26] =	ssyncset.done $0x0  }
0x6f: {  	[sflag:s26] =	ssyncadd.s32 $0xFFFFFFB0  }
0x70: {  	[tilespmem:s2], [sflag:$0x1] =	stream.indirect.gather [hbm4b:s3+s28], $0x80, s24, s28, $0xb8;
	[tilespmem:$0x18AC0] =	vst v63  }
0x71: {  	_ =	swait.ge [sflag:s7], $0x2800  }
0x72: {  	[sflag:s7] =	ssyncset.done $0x0  }
0x73: {  	[sflag:s7] =	ssyncadd.s32 $0xFFFFD800  }
0x74: {  	[spmem:s1] =	stream.indirect.scatter.add.f32 [tilespmem:s0], [sflag:$0x5], $0x80, s30, s28, $0xb8;
	[tilespmem:$0x18AC0] =	vst v63  }
.Ltmp0:
0x75: {  	_ =	swait.ge [sflag:s23], $0x2800;
	(pc) =	sbr.rel @p1 .LBB2_2-.Ltmp0, $4  }
0x76: {  	[sflag:s23] =	ssyncset.done $0x0  }
0x77: {  	s15 =	sadd.s32 s14, s21;
	[sflag:s23] =	ssyncadd.s32 $0xFFFFD800  }
0x78: {  	[tilespmem:s29], [sflag:$0x4] =	stream.linear.gather [hbm4b:s15+s2], $0x50, $0x38;
	[tilespmem:$0x18AC0] =	vst v63  }
0x79: {  	s13 =	sadd.s32 $0xA0, s13;
	s14 =	sadd.s32 s14, s20  }
0x7a: {  	[tilespmem:s30], [sflag:$0x4] =	stream.linear.gather [hbm4b:s14+s2], $0x50, $0x38;
	[tilespmem:$0x18AC0] =	vst v63  }
0x7b: {  	_ =	swait.ge [sflag:s31], $0x50  }
0x7c: {  	[sflag:s31] =	ssyncset.done $0x0  }
0x7d: {  	[sflag:s31] =	ssyncadd.s32 $0xFFFFFFB0  }
0x7e: {  	_ =	swait.ge [sflag:s31], $0x50  }
0x7f: {  	[sflag:s31] =	ssyncset.done $0x0  }
0x80: {  	[sflag:s31] =	ssyncadd.s32 $0xFFFFFFB0  }
0x81: {  	[tilespmem:s0], [sflag:$0x2] =	stream.indirect.gather [hbm4b:s3+s28], $0x80, s29, s28, $0xb8;
	[tilespmem:$0x18AC0] =	vst v63  }
0x82: {  	_ =	swait.ge [sflag:s6], $0x2800  }
0x83: {  	[sflag:s6] =	ssyncset.done $0x0  }
0x84: {  	[sflag:s6] =	ssyncadd.s32 $0xFFFFD800  }
0x85: {  	[spmem:s1] =	stream.indirect.scatter.add.f32 [tilespmem:s2], [sflag:$0x5], $0x80, s25, s28, $0xb8;
	[tilespmem:$0x18AC0] =	vst v63  }
0x86: {  	_ =	swait.ge [sflag:s23], $0x2800  }
0x87: {  	[sflag:s23] =	ssyncset.done $0x0  }
0x88: {  	[sflag:s23] =	ssyncadd.s32 $0xFFFFD800  }
0x89: {  	[tilespmem:s24], [sflag:$0x3] =	stream.linear.gather [hbm4b:s18+s2], $0x50, $0x38;
	[tilespmem:$0x18AC0] =	vst v63  }
0x8a: {  	_ = 	snop  }
0x8b: {  	[tilespmem:s25], [sflag:$0x3] =	stream.linear.gather [hbm4b:s19+s2], $0x50, $0x38;
	[tilespmem:$0x18AC0] =	vst v63  }
0x8c: {  	_ =	swait.ge [sflag:s26], $0x50  }
0x8d: {  	[sflag:s26] =	ssyncset.done $0x0  }
0x8e: {  	[sflag:s26] =	ssyncadd.s32 $0xFFFFFFB0  }
0x8f: {  	_ =	swait.ge [sflag:s26], $0x50  }
0x90: {  	[sflag:s26] =	ssyncset.done $0x0  }
0x91: {  	[sflag:s26] =	ssyncadd.s32 $0xFFFFFFB0  }
0x92: {  	[tilespmem:s2], [sflag:$0x1] =	stream.indirect.gather [hbm4b:s3+s28], $0x80, s24, s28, $0xb8;
	[tilespmem:$0x18AC0] =	vst v63  }
0x93: {  	_ =	swait.ge [sflag:s7], $0x2800  }
0x94: {  	[sflag:s7] =	ssyncset.done $0x0  }
0x95: {  	[sflag:s7] =	ssyncadd.s32 $0xFFFFD800  }
0x96: {  	[spmem:s1] =	stream.indirect.scatter.add.f32 [tilespmem:s0], [sflag:$0x5], $0x80, s30, s28, $0xb8;
	[tilespmem:$0x18AC0] =	vst v63  }
0x97: {  	_ =	swait.ge [sflag:s23], $0x2800  }
0x98: {  	[sflag:s23] =	ssyncset.done $0x0  }
0x99: {  	[sflag:s23] =	ssyncadd.s32 $0xFFFFD800  }
0x9a: {  	[tilespmem:s29], [sflag:$0x4] =	stream.linear.gather [hbm4b:s18+s2], $0x50, $0x38;
	[tilespmem:$0x18AC0] =	vst v63  }
0x9b: {  	_ = 	snop  }
0x9c: {  	[tilespmem:s30], [sflag:$0x4] =	stream.linear.gather [hbm4b:s19+s2], $0x50, $0x38;
	[tilespmem:$0x18AC0] =	vst v63  }
0x9d: {  	_ =	swait.ge [sflag:s31], $0x50  }
0x9e: {  	[sflag:s31] =	ssyncset.done $0x0  }
0x9f: {  	[sflag:s31] =	ssyncadd.s32 $0xFFFFFFB0  }
0xa0: {  	_ =	swait.ge [sflag:s31], $0x50  }
0xa1: {  	[sflag:s31] =	ssyncset.done $0x0  }
0xa2: {  	[sflag:s31] =	ssyncadd.s32 $0xFFFFFFB0  }
0xa3: {  	_ =	swait.ge [sflag:s6], $0x2800  }
0xa4: {  	[sflag:s6] =	ssyncset.done $0x0  }
0xa5: {  	[sflag:s6] =	ssyncadd.s32 $0xFFFFD800  }
0xa6: {  	[spmem:s1] =	stream.indirect.scatter.add.f32 [tilespmem:s2], [sflag:$0x5], $0x80, s25, s28, $0xb8;
	[tilespmem:$0x18AC0] =	vst v63  }
0xa7: {  	_ =	swait.ge [sflag:s23], $0x2800  }
0xa8: {  	[sflag:s23] =	ssyncset.done $0x0  }
0xa9: {  	[sflag:s23] =	ssyncadd.s32 $0xFFFFD800  }
0xaa: {  	[bflag:$0x0] =	sbarrier.arrive $0xFFFF  }
0xab: {  	s12 =	rddreg [dreg:$0xc]  }
0xac: {  	[hbm:s12], [sflag:s8] =	dma.local [spmem:s10], $0x2700  }
0xad: {  	_ =	swait.ge [sflag:s23], $0x2700  }
0xae: {  	s9 =	sadd.s32 $0x1, s9;
	[sflag:s23] =	ssyncset.done $0x0  }
0xaf: {  	p1 =	sne.s32 s9, s17;
	s10 =	rddreg [dreg:$0xd];
	[sflag:s23] =	ssyncadd.s32 $0xFFFFD900  }
0xb0: {  	[hbm:s10], [sflag:s8] =	dma.local @!p0 [spmem:s11], $0x100  }
.Ltmp1:
0xb1: {  	_ = 	snop;
	(pc) =	sbr.rel @p1 .LBB2_1-.Ltmp1, $4  }
0xb2: {  	s10 =	simm.s32 @!p0 $0x5  }
0xb3: {  	_ =	swait.ge @!p0 [sflag:s10], $0x100  }
0xb4: {  	[sflag:s10] =	ssyncset.done @!p0 $0x0  }
0xb5: {  	[sflag:s10] =	ssyncadd.s32 @!p0 $0xFFFFFF00  }
0xb6: {  	_ =	sfence.sel $0x180000  }
0xb7: {  	[bflag:$0x0] =	sbarrier.arrive $0xFFFF  }
0xb8: {  	_ =	strace $0x90000053  }
0xb9: {  	[bflag:$0x2] =	sbarrier.arrive $0xFFFF  }
0xba: {  	s0 =	rddreg [dreg:$0x3]  }
0xbb: {  	s0 =	sadd.s32 @!p0 $0x100000, s0  }
0xbc: {  	[sflag:s0] =	ssyncadd.tile.s32 @!p0 $0x1;
	_ =	shalt  }
.Lfunc_end2:
_tile_overlayer_lowered:
.L_overlay_start_2:
0xbd: {  	(tag) =	ssettag $0x2  }
0xbe: {  	s0 =	rddreg [dreg:$0x0];
	s2 =	stileid.u32  }
0xbf: {  	s1 =	rddreg [dreg:$0x1];
	p0 =	sne.s32 s2, $0x0  }
0xc0: {  	s3 =	rddreg [dreg:$0x2];
	[bflag:$0x3] =	sbarrier.arrive $0xFFFF;
	s2 =	simm.s32 @!p0 $0x1C05  }
0xc1: {  	[timem:s3], [sflag:s2] =	dma.local @!p0 [hbm:s0], s1  }
0xc2: {  	s0 =	simm.s32 @!p0 $0x5  }
0xc3: {  	_ =	swait.ge @!p0 [sflag:s0], s1  }
0xc4: {  	s1 =	ssub.s32 @!p0 $0x0, s1;
	[sflag:s0] =	ssyncset.done @!p0 $0x0  }
0xc5: {  	[sflag:s0] =	ssyncadd.s32 @!p0 s1  }
0xc6: {  	[bflag:$0x3] =	sbarrier.arrive $0xFFFF  }
0xc7: {  	_ =	shalt  }

</sc_bundles>
